<compile_context>
chip_gen: v7x
topology: tpu7x:2x2x1
jax: 0.10.2.dev20260603
libtpu: 0.0.44.dev20260713+nightly
codegen_flags: <defaults>
</compile_context>

<pallas_src>
import functools

import jax
import jax.numpy as jnp
from jax import lax
from jax.experimental import pallas as pl
from jax.experimental.pallas import tpu as pltpu
from jax.experimental.pallas import tpu_sc as plsc

N, E, EL, D, H = 10000, 320000, 320000, 128, 128

_NC, _NS, _L = 2, 16, 16
_NW = _NC * _NS
_EW = E // _NW
_CH = 80
_NCH = _EW // _CH
_ECT = E // _NS
_NCHS = _ECT // _CH
_NHALF = N // 2
_ACCR = _NHALF + 8
_TRASH = _NHALF

_SC_PARAMS = pltpu.CompilerParams(needs_layout_passes=False)


@functools.cache
def _mesh():
    return plsc.VectorSubcoreMesh(core_axis_name="c", subcore_axis_name="s",
                                  num_cores=_NC, num_subcores=_NS)


def _wid():
    return lax.axis_index("c") * _NS + lax.axis_index("s")


def _pre_body(x_ref, wpre_ref, bpre_ref, iw_ref, wih_ref, whh_ref,
              bih_ref, bhh_ref, degp_ref, hw_ref, g_ref, dinv_ref,
              selfs_ref):
    iw = iw_ref[...]
    gi = lax.dot_general(iw, wih_ref[...], (((1,), (1,)), ((), ())),
                         preferred_element_type=jnp.float32) + bih_ref[...]
    gh = lax.dot_general(iw, whh_ref[...], (((1,), (1,)), ((), ())),
                         preferred_element_type=jnp.float32) + bhh_ref[...]
    i_r, i_z, i_n = gi[:, :H], gi[:, H:2 * H], gi[:, 2 * H:]
    h_r, h_z, h_n = gh[:, :H], gh[:, H:2 * H], gh[:, 2 * H:]
    r = jax.nn.sigmoid(i_r + h_r)
    z = jax.nn.sigmoid(i_z + h_z)
    n = jnp.tanh(i_n + r * h_n)
    W = (1.0 - z) * n + z * iw
    M = lax.dot_general(wpre_ref[...], W, (((0,), (0,)), ((), ())),
                        preferred_element_type=jnp.float32)
    v = jnp.dot(bpre_ref[...], W, preferred_element_type=jnp.float32)
    hw = jnp.dot(x_ref[...], M, preferred_element_type=jnp.float32) + v
    hw_ref[...] = hw
    deg = 1.0 + jnp.sum(degp_ref[...], axis=0)
    dinv = lax.rsqrt(deg)
    dinv_ref[...] = dinv[:, None]
    selfs_ref[...] = (1.0 / deg)[:, None]
    g_ref[...] = hw * dinv[:, None]


def _pre(x, W_pre, b_pre, iw, W_ih, W_hh, b_ih, b_hh, degp):
    return pl.pallas_call(
        _pre_body,
        out_shape=(
            jax.ShapeDtypeStruct((N, H), jnp.float32),
            jax.ShapeDtypeStruct((N, H), jnp.float32),
            jax.ShapeDtypeStruct((N, 1), jnp.float32),
            jax.ShapeDtypeStruct((N, 1), jnp.float32),
        ),
    )(x, W_pre, b_pre.reshape(1, H), iw, W_ih, W_hh,
      b_ih.reshape(1, 3 * H), b_hh.reshape(1, 3 * H), degp)


def _fin_body(acc_ref, hw_ref, dinv_ref, selfs_ref, bias_ref, w_ref,
              ha_ref, hb_ref):
    acc = jnp.concatenate([acc_ref[0, :_NHALF], acc_ref[1, :_NHALF]], axis=0)
    h = acc * dinv_ref[...] + hw_ref[...] * selfs_ref[...] + bias_ref[...]
    h = jnp.maximum(h, 0.0)
    hb_ref[...] = h
    ha_ref[...] = h * w_ref[...]


def _finalize(accs, hW, dinv, selfs, gcn_bias, w):
    return pl.pallas_call(
        _fin_body,
        out_shape=(
            jax.ShapeDtypeStruct((N, H), jnp.float32),
            jax.ShapeDtypeStruct((N, H), jnp.float32),
        ),
    )(accs, hW, dinv, selfs, gcn_bias.reshape(1, H), w.reshape(1, H))


def _deg_body(dst_hbm, out_hbm, idx_v, hist_v):
    w = _wid()
    pltpu.sync_copy(dst_hbm.at[w], idx_v)
    zeros = jnp.zeros((_L,), jnp.float32)

    def zbody(i, carry):
        hist_v[pl.ds(i * _L, _L)] = zeros
        return carry

    lax.fori_loop(0, N // _L, zbody, 0)
    ones = jnp.ones((_L,), jnp.float32)

    def cbody(i, carry):
        idx = idx_v[pl.ds(i * _L, _L)]
        plsc.addupdate_scatter(hist_v, [idx], ones)
        return carry

    lax.fori_loop(0, _EW // _L, cbody, 0)
    pltpu.sync_copy(hist_v, out_hbm.at[w])


def _deg_partials(dst2):
    return pl.kernel(
        _deg_body,
        out_type=jax.ShapeDtypeStruct((_NW, N), jnp.float32),
        mesh=_mesh(),
        compiler_params=_SC_PARAMS,
        scratch_types=[
            pltpu.VMEM((_EW,), jnp.int32),
            pltpu.VMEM((N,), jnp.float32),
        ],
    )(dst2)


def _scat_body(g_hbm, src_hbm, dst_hbm, zeros_hbm, acc_out,
               sidx_v, didx_v, buf0, buf1, acc_sp, sem0, sem1):
    cid = lax.axis_index("c")
    s = lax.axis_index("s")

    start = s * 312
    pltpu.sync_copy(zeros_hbm.at[pl.ds(0, 312)], acc_sp.at[pl.ds(start, 312)])

    @pl.when(s == _NS - 1)
    def _():
        pltpu.sync_copy(zeros_hbm.at[pl.ds(0, 16)],
                        acc_sp.at[pl.ds(4992, 16)])

    plsc.subcore_barrier()

    base = cid * _NHALF
    bufs = (buf0, buf1)
    sems = (sem0, sem1)

    for hlf in range(2):
        pltpu.sync_copy(src_hbm.at[s, hlf], sidx_v)
        pltpu.sync_copy(dst_hbm.at[s, hlf], didx_v)

        def tbody(j, carry):
            for k in range(_CH // _L):
                v = didx_v[j, pl.ds(k * _L, _L)] - base
                ok = (v >= 0) & (v < _NHALF)
                didx_v[j, pl.ds(k * _L, _L)] = jnp.where(
                    ok, v, jnp.full((_L,), _TRASH, jnp.int32))
            return carry

        lax.fori_loop(0, _NCH, tbody, 0)

        pltpu.async_copy(g_hbm.at[sidx_v.at[0]], buf0, sem0)

        def lbody(j2, carry):
            for ph in range(2):
                j = j2 * 2 + ph
                cur, csem = bufs[ph], sems[ph]

                @pl.when(j + 1 < _NCH)
                def _():
                    pltpu.async_copy(g_hbm.at[sidx_v.at[j + 1]],
                                     bufs[1 - ph], sems[1 - ph])

                pltpu.make_async_copy(g_hbm.at[sidx_v.at[j]], cur,
                                      csem).wait()
                pltpu.sync_copy(cur, acc_sp.at[didx_v.at[j]], add=True)
            return carry

        lax.fori_loop(0, _NCH // 2, lbody, 0)
        jt = _NCH - 1
        pltpu.make_async_copy(g_hbm.at[sidx_v.at[jt]], buf0, sem0).wait()
        pltpu.sync_copy(buf0, acc_sp.at[didx_v.at[jt]], add=True)

    plsc.subcore_barrier()
    pltpu.sync_copy(acc_sp.at[pl.ds(start, 312)],
                    acc_out.at[cid, pl.ds(start, 312)])

    @pl.when(s == _NS - 1)
    def _():
        pltpu.sync_copy(acc_sp.at[pl.ds(4992, 16)],
                        acc_out.at[cid, pl.ds(4992, 16)])


def _scatter_accs(g, src3, dst3):
    zeros = jnp.zeros((312, H), jnp.float32)
    return pl.kernel(
        _scat_body,
        out_type=jax.ShapeDtypeStruct((_NC, _ACCR, H), jnp.float32),
        mesh=_mesh(),
        compiler_params=_SC_PARAMS,
        scratch_types=[
            pltpu.VMEM((_NCH, _CH), jnp.int32),
            pltpu.VMEM((_NCH, _CH), jnp.int32),
            pltpu.VMEM((_CH, H), jnp.float32),
            pltpu.VMEM((_CH, H), jnp.float32),
            pltpu.VMEM_SHARED((_ACCR, H), jnp.float32),
            pltpu.SemaphoreType.DMA,
            pltpu.SemaphoreType.DMA,
        ],
    )(g, src3, dst3, zeros)


_SCH = 80
_SNCH = _EW // _SCH


def _score_body(ha_hbm, hb_hbm, lsrc_hbm, ldst_hbm, out_hbm,
                sidx_v, didx_v, a0, a1, b0, b1, p0, p1,
                sa0, sa1, sb0, sb1, sp0, sp1):
    w = _wid()
    pltpu.sync_copy(lsrc_hbm.at[w], sidx_v)
    pltpu.sync_copy(ldst_hbm.at[w], didx_v)

    abufs, asems = (a0, a1), (sa0, sa1)
    bbufs, bsems = (b0, b1), (sb0, sb1)
    pbufs, psems = (p0, p1), (sp0, sp1)
    pltpu.async_copy(ha_hbm.at[sidx_v.at[0]], a0, sa0)
    pltpu.async_copy(hb_hbm.at[didx_v.at[0]], b0, sb0)

    def _chunk(j, ca, cb, cp):
        def pbody(p2, carry):
            for q in range(4):
                p = p2 * 4 + q
                acc = ca[p, pl.ds(0, _L)] * cb[p, pl.ds(0, _L)]
                for k in range(1, H // _L):
                    acc = acc + (ca[p, pl.ds(k * _L, _L)]
                                 * cb[p, pl.ds(k * _L, _L)])
                cp[p, pl.ds(0, _L)] = acc
            return carry

        lax.fori_loop(0, _SCH // 4, pbody, 0)

    def lbody(j2, carry):
        for ph in range(2):
            j = j2 * 2 + ph
            ca, cb = abufs[ph], bbufs[ph]
            csa, csb = asems[ph], bsems[ph]
            cp, csp = pbufs[ph], psems[ph]

            @pl.when(j + 1 < _SNCH)
            def _():
                pltpu.async_copy(ha_hbm.at[sidx_v.at[j + 1]],
                                 abufs[1 - ph], asems[1 - ph])
                pltpu.async_copy(hb_hbm.at[didx_v.at[j + 1]],
                                 bbufs[1 - ph], bsems[1 - ph])

            pltpu.make_async_copy(ha_hbm.at[sidx_v.at[j]], ca, csa).wait()
            pltpu.make_async_copy(hb_hbm.at[didx_v.at[j]], cb, csb).wait()

            @pl.when(j >= 2)
            def _():
                pltpu.make_async_copy(
                    cp, out_hbm.at[pl.ds(w * _EW + (j - 2) * _SCH, _SCH)],
                    csp).wait()

            _chunk(j, ca, cb, cp)
            pltpu.async_copy(
                cp, out_hbm.at[pl.ds(w * _EW + j * _SCH, _SCH)], csp)
        return carry

    lax.fori_loop(0, _SNCH // 2, lbody, 0)
    jt = _SNCH - 1
    pltpu.make_async_copy(ha_hbm.at[sidx_v.at[jt]], a0, sa0).wait()
    pltpu.make_async_copy(hb_hbm.at[didx_v.at[jt]], b0, sb0).wait()
    pltpu.make_async_copy(
        p0, out_hbm.at[pl.ds(w * _EW + (jt - 2) * _SCH, _SCH)], sp0).wait()
    _chunk(jt, a0, b0, p0)
    pltpu.async_copy(p0, out_hbm.at[pl.ds(w * _EW + jt * _SCH, _SCH)], sp0)
    pltpu.make_async_copy(
        p0, out_hbm.at[pl.ds(w * _EW + jt * _SCH, _SCH)], sp0).wait()
    pltpu.make_async_copy(
        p1, out_hbm.at[pl.ds(w * _EW + (jt - 1) * _SCH, _SCH)], sp1).wait()


def _score(hA, hB, lsrc3, ldst3):
    return pl.kernel(
        _score_body,
        out_type=jax.ShapeDtypeStruct((EL, _L), jnp.float32),
        mesh=_mesh(),
        compiler_params=_SC_PARAMS,
        scratch_types=[
            pltpu.VMEM((_SNCH, _SCH), jnp.int32),
            pltpu.VMEM((_SNCH, _SCH), jnp.int32),
            pltpu.VMEM((_SCH, H), jnp.float32),
            pltpu.VMEM((_SCH, H), jnp.float32),
            pltpu.VMEM((_SCH, H), jnp.float32),
            pltpu.VMEM((_SCH, H), jnp.float32),
            pltpu.VMEM((_SCH, _L), jnp.float32),
            pltpu.VMEM((_SCH, _L), jnp.float32),
            pltpu.SemaphoreType.DMA,
            pltpu.SemaphoreType.DMA,
            pltpu.SemaphoreType.DMA,
            pltpu.SemaphoreType.DMA,
            pltpu.SemaphoreType.DMA,
            pltpu.SemaphoreType.DMA,
        ],
    )(hA, hB, lsrc3, ldst3)


def _red_body(p_ref, c_ref, out_ref):
    out_ref[...] = jnp.sum(p_ref[...], axis=-1, keepdims=True) + c_ref[...]


def _reduce(partials, c):
    blk = 8000
    return pl.pallas_call(
        _red_body,
        out_shape=jax.ShapeDtypeStruct((EL, 1), jnp.float32),
        grid=(EL // blk,),
        in_specs=[
            pl.BlockSpec((blk, _L), lambda i: (i, 0)),
            pl.BlockSpec((1, 1), lambda i: (0, 0)),
        ],
        out_specs=pl.BlockSpec((blk, 1), lambda i: (i, 0)),
    )(partials, c.reshape(1, 1))


def kernel(x, edge_index, edge_label_index, W_pre, b_pre, initial_weight,
           W_ih, W_hh, b_ih, b_hh, gcn_bias, W_post, b_post):
    src3 = edge_index[0].astype(jnp.int32).reshape(_NS, 2, _NCH, _CH)
    dst3 = edge_index[1].astype(jnp.int32).reshape(_NS, 2, _NCH, _CH)
    dst2 = edge_index[1].astype(jnp.int32).reshape(_NW, _EW)
    lsrc3 = edge_label_index[0].astype(jnp.int32).reshape(_NW, _SNCH, _SCH)
    ldst3 = edge_label_index[1].astype(jnp.int32).reshape(_NW, _SNCH, _SCH)
    w = W_post[0] + W_post[1]
    c = b_post[0] + b_post[1]

    degp = _deg_partials(dst2)
    hW, g, dinv, selfs = _pre(x.astype(jnp.float32), W_pre, b_pre,
                              initial_weight, W_ih, W_hh, b_ih, b_hh, degp)
    accs = _scatter_accs(g, src3, dst3)
    hA, hB = _finalize(accs, hW, dinv, selfs, gcn_bias, w)
    partials = _score(hA, hB, lsrc3, ldst3)
    return _reduce(partials, c).reshape(EL)

# --- scband reference (transcript-rebuilt; emitter-appended) ---
"""Pipeline reference for scband-evolve-gcn-33285996544263 (READ-ONLY COPY).

The authoritative reference and input builder live on the scoring server;
editing this copy changes nothing except your own understanding.
"""

import jax, jax.numpy as jnp
import numpy as np

N, E, EL, D, H = 10000, 320000, 320000, 128, 128


def setup_inputs(seed: int = 0) -> dict:
    key = jax.random.key(seed)
    ks = jax.random.split(key, 16)
    x = jax.random.normal(ks[0], (N, D), dtype=jnp.float32)
    edge_index = jax.random.randint(ks[1], (2, E), 0, N)
    edge_label_index = jax.random.randint(ks[2], (2, EL), 0, N)
    W_pre = jax.random.normal(ks[3], (H, D), dtype=jnp.float32) * 0.05
    b_pre = jax.random.normal(ks[4], (H,), dtype=jnp.float32) * 0.05
    initial_weight = jax.random.normal(ks[5], (H, H), dtype=jnp.float32) * 0.05
    W_ih = jax.random.normal(ks[6], (3 * H, H), dtype=jnp.float32) * 0.05
    W_hh = jax.random.normal(ks[7], (3 * H, H), dtype=jnp.float32) * 0.05
    b_ih = jax.random.normal(ks[8], (3 * H,), dtype=jnp.float32) * 0.05
    b_hh = jax.random.normal(ks[9], (3 * H,), dtype=jnp.float32) * 0.05
    gcn_bias = jax.random.normal(ks[10], (H,), dtype=jnp.float32) * 0.05
    W_post = jax.random.normal(ks[11], (2, H), dtype=jnp.float32) * 0.05
    b_post = jax.random.normal(ks[12], (2,), dtype=jnp.float32) * 0.05
    return {"x": x, "edge_index": edge_index, "edge_label_index": edge_label_index,
            "W_pre": W_pre, "b_pre": b_pre, "initial_weight": initial_weight,
            "W_ih": W_ih, "W_hh": W_hh, "b_ih": b_ih, "b_hh": b_hh,
            "gcn_bias": gcn_bias, "W_post": W_post, "b_post": b_post}


def _gru_evolve(initial_weight, W_ih, W_hh, b_ih, b_hh):
    # GRU(seq_len=1) with input=initial_weight, hidden=initial_weight (EvolveGCN-O)
    xw = initial_weight
    hw = initial_weight
    gi = xw @ W_ih.T + b_ih
    gh = hw @ W_hh.T + b_hh
    i_r, i_z, i_n = jnp.split(gi, 3, axis=1)
    h_r, h_z, h_n = jnp.split(gh, 3, axis=1)
    r = jax.nn.sigmoid(i_r + h_r)
    z = jax.nn.sigmoid(i_z + h_z)
    n = jnp.tanh(i_n + r * h_n)
    return (1.0 - z) * n + z * hw


def _gcn_fixed_w(h, W, edge_index, gcn_bias):
    n_nodes = h.shape[0]
    src, dst = edge_index[0], edge_index[1]
    loop = jnp.arange(n_nodes, dtype=src.dtype)
    src2 = jnp.concatenate([src, loop])
    dst2 = jnp.concatenate([dst, loop])
    deg = jnp.zeros((n_nodes,), dtype=h.dtype).at[dst2].add(1.0)
    dinv = jnp.where(deg > 0, deg ** -0.5, 0.0)
    norm = dinv[src2] * dinv[dst2]
    hW = h @ W
    msg = hW[src2] * norm[:, None]
    out = jax.ops.segment_sum(msg, dst2, num_segments=n_nodes)
    return out + gcn_bias


def reference(x, edge_index, edge_label_index, W_pre, b_pre, initial_weight,
              W_ih, W_hh, b_ih, b_hh, gcn_bias, W_post, b_post):
    h = x.astype(jnp.float32) @ W_pre.T + b_pre
    W = _gru_evolve(initial_weight, W_ih, W_hh, b_ih, b_hh)
    h = _gcn_fixed_w(h, W, edge_index, gcn_bias)
    h = jax.nn.relu(h)
    h_src = h[edge_label_index[0]]
    h_dst = h[edge_label_index[1]]
    h_had = h_src * h_dst
    out = h_had @ W_post.T + b_post
    return jnp.sum(out, axis=-1)

if __name__ == "__main__":
    import jax
    _d = setup_inputs()
    print(jax.jit(kernel)(*tuple(_d.values())))

</pallas_src>

<mosaic_0001>
#map = affine_map<(d0, d1) -> (0, 0)>
#map1 = affine_map<(d0, d1) -> (0, 0, 0, 0)>
#map2 = affine_map<(d0, d1) -> (0, 0, 0)>
module attributes {stable_mosaic.version = 14 : i64} {
  func.func @_scat_body(%arg0: i32, %arg1: i32, %arg2: memref<10000x128xf32, #tpu.memory_space<hbm>>, %arg3: memref<16x2x125x80xi32, #tpu.memory_space<hbm>>, %arg4: memref<16x2x125x80xi32, #tpu.memory_space<hbm>>, %arg5: memref<312x128xf32, #tpu.memory_space<hbm>>, %arg6: memref<2x5008x128xf32, #tpu.memory_space<hbm>>, %arg7: memref<125x80xi32, #tpu.memory_space<vmem>>, %arg8: memref<125x80xi32, #tpu.memory_space<vmem>>, %arg9: memref<80x128xf32, #tpu.memory_space<vmem>>, %arg10: memref<80x128xf32, #tpu.memory_space<vmem>>, %arg11: memref<5008x128xf32, #tpu.memory_space<vmem_shared>>, %arg12: memref<!tpu.dma_semaphore, #tpu.memory_space<semaphore_mem>>, %arg13: memref<!tpu.dma_semaphore, #tpu.memory_space<semaphore_mem>>) attributes {dimension_semantics = [#tpu.dimension_semantics<core_parallel>, #tpu.dimension_semantics<subcore_parallel>], iteration_bounds = array<i64: 2, 16>, scalar_prefetch = 0 : i64, scratch_operands = 7 : i64, tpu.core_type = #tpu.core_type<sc_vector_subcore>, window_params = [{transform_indices = #map}, {transform_indices = #map1}, {transform_indices = #map1}, {transform_indices = #map}, {transform_indices = #map2}]} {
    %mul3A = arith.constant 312 : i32
    %mul3A_0 = arith.muli %arg1, %mul3A : i32
    "tpu.region"() ({
      %run_scoped3A_65 = tpu.sem_alloc : memref<!tpu.dma_semaphore, #tpu.memory_space<semaphore_mem>>
      %dma_start3A_66 = arith.constant 0 : i32
      %dma_start3A_67 = tpu.memref_slice %arg11[%mul3A_0, %dma_start3A_66] : memref<5008x128xf32, #tpu.memory_space<vmem_shared>> -> memref<312x128xf32, #tpu.memory_space<vmem_shared>>
      %dma_start3A_68 = arith.constant 0 : i32
      %dma_start3A_69 = arith.constant 0 : i32
      %dma_start3A_70 = tpu.memref_slice %arg5[%dma_start3A_68, %dma_start3A_69] : memref<312x128xf32, #tpu.memory_space<hbm>> -> memref<312x128xf32, #tpu.memory_space<hbm>>
      tpu.enqueue_dma source(%dma_start3A_70 : memref<312x128xf32, #tpu.memory_space<hbm>>) target(%dma_start3A_67 : memref<312x128xf32, #tpu.memory_space<vmem_shared>>) target_semaphore(%run_scoped3A_65 : memref<!tpu.dma_semaphore, #tpu.memory_space<semaphore_mem>>)
      %dma_wait3A_71 = arith.constant 0 : i32
      %dma_wait3A_72 = tpu.memref_slice %arg11[%mul3A_0, %dma_wait3A_71] : memref<5008x128xf32, #tpu.memory_space<vmem_shared>> -> memref<312x128xf32, #tpu.memory_space<vmem_shared>>
      %dma_wait3A_73 = arith.constant 0 : i32
      %dma_wait3A_74 = arith.constant 0 : i32
      %dma_wait3A_75 = tpu.memref_slice %arg5[%dma_wait3A_73, %dma_wait3A_74] : memref<312x128xf32, #tpu.memory_space<hbm>> -> memref<312x128xf32, #tpu.memory_space<hbm>>
      tpu.wait_dma2 semaphore(%run_scoped3A_65 : memref<!tpu.dma_semaphore, #tpu.memory_space<semaphore_mem>>) src(%dma_wait3A_75 : memref<312x128xf32, #tpu.memory_space<hbm>>) dst(%dma_wait3A_72 : memref<312x128xf32, #tpu.memory_space<vmem_shared>>)
      tpu.yield
    }) : () -> ()
    %eq3A = arith.constant 15 : i32
    %eq3A_1 = arith.cmpi eq, %arg1, %eq3A : i32
    %convert_element_type3A = arith.extui %eq3A_1 : i1 to i32
    %cond3A = arith.constant 0 : i32
    %cond3A_2 = arith.cmpi ne, %convert_element_type3A, %cond3A : i32
    scf.if %cond3A_2 {
      "tpu.region"() ({
        %run_scoped3A_65 = tpu.sem_alloc : memref<!tpu.dma_semaphore, #tpu.memory_space<semaphore_mem>>
        %dma_start3A_66 = arith.constant 4992 : i32
        %dma_start3A_67 = arith.constant 0 : i32
        %dma_start3A_68 = tpu.memref_slice %arg11[%dma_start3A_66, %dma_start3A_67] : memref<5008x128xf32, #tpu.memory_space<vmem_shared>> -> memref<16x128xf32, #tpu.memory_space<vmem_shared>>
        %dma_start3A_69 = arith.constant 0 : i32
        %dma_start3A_70 = arith.constant 0 : i32
        %dma_start3A_71 = tpu.memref_slice %arg5[%dma_start3A_69, %dma_start3A_70] : memref<312x128xf32, #tpu.memory_space<hbm>> -> memref<16x128xf32, #tpu.memory_space<hbm>>
        tpu.enqueue_dma source(%dma_start3A_71 : memref<16x128xf32, #tpu.memory_space<hbm>>) target(%dma_start3A_68 : memref<16x128xf32, #tpu.memory_space<vmem_shared>>) target_semaphore(%run_scoped3A_65 : memref<!tpu.dma_semaphore, #tpu.memory_space<semaphore_mem>>)
        %dma_wait3A_72 = arith.constant 4992 : i32
        %dma_wait3A_73 = arith.constant 0 : i32
        %dma_wait3A_74 = tpu.memref_slice %arg11[%dma_wait3A_72, %dma_wait3A_73] : memref<5008x128xf32, #tpu.memory_space<vmem_shared>> -> memref<16x128xf32, #tpu.memory_space<vmem_shared>>
        %dma_wait3A_75 = arith.constant 0 : i32
        %dma_wait3A_76 = arith.constant 0 : i32
        %dma_wait3A_77 = tpu.memref_slice %arg5[%dma_wait3A_75, %dma_wait3A_76] : memref<312x128xf32, #tpu.memory_space<hbm>> -> memref<16x128xf32, #tpu.memory_space<hbm>>
        tpu.wait_dma2 semaphore(%run_scoped3A_65 : memref<!tpu.dma_semaphore, #tpu.memory_space<semaphore_mem>>) src(%dma_wait3A_77 : memref<16x128xf32, #tpu.memory_space<hbm>>) dst(%dma_wait3A_74 : memref<16x128xf32, #tpu.memory_space<vmem_shared>>)
        tpu.yield
      }) : () -> ()
    } else {
    }
    %barrier3A = arith.constant 0 : index
    tpu.barrier barrier_id(%barrier3A)
    %mul3A_3 = arith.constant 5000 : i32
    %mul3A_4 = arith.muli %arg0, %mul3A_3 : i32
    %run_scoped3A = arith.constant 0 : i32
    "tpu.region"() ({
      %run_scoped3A_65 = tpu.sem_alloc : memref<!tpu.dma_semaphore, #tpu.memory_space<semaphore_mem>>
      %dma_start3A_66 = arith.constant 0 : i32
      %dma_start3A_67 = arith.constant 0 : i32
      %dma_start3A_68 = tpu.memref_slice %arg3[%arg1, %run_scoped3A, %dma_start3A_66, %dma_start3A_67] : memref<16x2x125x80xi32, #tpu.memory_space<hbm>> -> memref<1x1x125x80xi32, #tpu.memory_space<hbm>>
      %dma_start3A_69 = tpu.memref_squeeze %dma_start3A_68 : memref<1x1x125x80xi32, #tpu.memory_space<hbm>> -> memref<125x80xi32, #tpu.memory_space<hbm>>
      %dma_start3A_70 = arith.constant 0 : i32
      %dma_start3A_71 = arith.constant 0 : i32
      %dma_start3A_72 = tpu.memref_slice %arg3[%arg1, %run_scoped3A, %dma_start3A_70, %dma_start3A_71] : memref<16x2x125x80xi32, #tpu.memory_space<hbm>> -> memref<1x1x125x80xi32, #tpu.memory_space<hbm>>
      %dma_start3A_73 = tpu.memref_squeeze %dma_start3A_72 : memref<1x1x125x80xi32, #tpu.memory_space<hbm>> -> memref<125x80xi32, #tpu.memory_space<hbm>>
      tpu.enqueue_dma source(%dma_start3A_73 : memref<125x80xi32, #tpu.memory_space<hbm>>) target(%arg7 : memref<125x80xi32, #tpu.memory_space<vmem>>) target_semaphore(%run_scoped3A_65 : memref<!tpu.dma_semaphore, #tpu.memory_space<semaphore_mem>>)
      %dma_wait3A_74 = arith.constant 0 : i32
      %dma_wait3A_75 = arith.constant 0 : i32
      %dma_wait3A_76 = tpu.memref_slice %arg3[%arg1, %run_scoped3A, %dma_wait3A_74, %dma_wait3A_75] : memref<16x2x125x80xi32, #tpu.memory_space<hbm>> -> memref<1x1x125x80xi32, #tpu.memory_space<hbm>>
      %dma_wait3A_77 = tpu.memref_squeeze %dma_wait3A_76 : memref<1x1x125x80xi32, #tpu.memory_space<hbm>> -> memref<125x80xi32, #tpu.memory_space<hbm>>
      %dma_wait3A_78 = arith.constant 0 : i32
      %dma_wait3A_79 = arith.constant 0 : i32
      %dma_wait3A_80 = tpu.memref_slice %arg3[%arg1, %run_scoped3A, %dma_wait3A_78, %dma_wait3A_79] : memref<16x2x125x80xi32, #tpu.memory_space<hbm>> -> memref<1x1x125x80xi32, #tpu.memory_space<hbm>>
      %dma_wait3A_81 = tpu.memref_squeeze %dma_wait3A_80 : memref<1x1x125x80xi32, #tpu.memory_space<hbm>> -> memref<125x80xi32, #tpu.memory_space<hbm>>
      tpu.wait_dma2 semaphore(%run_scoped3A_65 : memref<!tpu.dma_semaphore, #tpu.memory_space<semaphore_mem>>) src(%dma_wait3A_81 : memref<125x80xi32, #tpu.memory_space<hbm>>) dst(%arg7 : memref<125x80xi32, #tpu.memory_space<vmem>>)
      tpu.yield
    }) : () -> ()
    %run_scoped3A_5 = arith.constant 0 : i32
    "tpu.region"() ({
      %run_scoped3A_65 = tpu.sem_alloc : memref<!tpu.dma_semaphore, #tpu.memory_space<semaphore_mem>>
      %dma_start3A_66 = arith.constant 0 : i32
      %dma_start3A_67 = arith.constant 0 : i32
      %dma_start3A_68 = tpu.memref_slice %arg4[%arg1, %run_scoped3A_5, %dma_start3A_66, %dma_start3A_67] : memref<16x2x125x80xi32, #tpu.memory_space<hbm>> -> memref<1x1x125x80xi32, #tpu.memory_space<hbm>>
      %dma_start3A_69 = tpu.memref_squeeze %dma_start3A_68 : memref<1x1x125x80xi32, #tpu.memory_space<hbm>> -> memref<125x80xi32, #tpu.memory_space<hbm>>
      %dma_start3A_70 = arith.constant 0 : i32
      %dma_start3A_71 = arith.constant 0 : i32
      %dma_start3A_72 = tpu.memref_slice %arg4[%arg1, %run_scoped3A_5, %dma_start3A_70, %dma_start3A_71] : memref<16x2x125x80xi32, #tpu.memory_space<hbm>> -> memref<1x1x125x80xi32, #tpu.memory_space<hbm>>
      %dma_start3A_73 = tpu.memref_squeeze %dma_start3A_72 : memref<1x1x125x80xi32, #tpu.memory_space<hbm>> -> memref<125x80xi32, #tpu.memory_space<hbm>>
      tpu.enqueue_dma source(%dma_start3A_73 : memref<125x80xi32, #tpu.memory_space<hbm>>) target(%arg8 : memref<125x80xi32, #tpu.memory_space<vmem>>) target_semaphore(%run_scoped3A_65 : memref<!tpu.dma_semaphore, #tpu.memory_space<semaphore_mem>>)
      %dma_wait3A_74 = arith.constant 0 : i32
      %dma_wait3A_75 = arith.constant 0 : i32
      %dma_wait3A_76 = tpu.memref_slice %arg4[%arg1, %run_scoped3A_5, %dma_wait3A_74, %dma_wait3A_75] : memref<16x2x125x80xi32, #tpu.memory_space<hbm>> -> memref<1x1x125x80xi32, #tpu.memory_space<hbm>>
      %dma_wait3A_77 = tpu.memref_squeeze %dma_wait3A_76 : memref<1x1x125x80xi32, #tpu.memory_space<hbm>> -> memref<125x80xi32, #tpu.memory_space<hbm>>
      %dma_wait3A_78 = arith.constant 0 : i32
      %dma_wait3A_79 = arith.constant 0 : i32
      %dma_wait3A_80 = tpu.memref_slice %arg4[%arg1, %run_scoped3A_5, %dma_wait3A_78, %dma_wait3A_79] : memref<16x2x125x80xi32, #tpu.memory_space<hbm>> -> memref<1x1x125x80xi32, #tpu.memory_space<hbm>>
      %dma_wait3A_81 = tpu.memref_squeeze %dma_wait3A_80 : memref<1x1x125x80xi32, #tpu.memory_space<hbm>> -> memref<125x80xi32, #tpu.memory_space<hbm>>
      tpu.wait_dma2 semaphore(%run_scoped3A_65 : memref<!tpu.dma_semaphore, #tpu.memory_space<semaphore_mem>>) src(%dma_wait3A_81 : memref<125x80xi32, #tpu.memory_space<hbm>>) dst(%arg8 : memref<125x80xi32, #tpu.memory_space<vmem>>)
      tpu.yield
    }) : () -> ()
    %scan3A = arith.constant 0 : i32
    %scan3A_6 = arith.constant 0 : i32
    %scan3A_7 = arith.constant 125 : i32
    %scan3A_8 = arith.addi %scan3A_6, %scan3A_7 : i32
    %scan3A_9 = arith.constant 1 : i32
    scf.for %scan3A_65 = %scan3A_6 to %scan3A_8 step %scan3A_9  : i32 {
      %get3A = arith.index_cast %scan3A_65 : i32 to index
      %get3A_66 = arith.constant 0 : index
      %get3A_67 = tpu.vector_load %arg8[%get3A, %get3A_66] {strides = array<i32>} : memref<125x80xi32, #tpu.memory_space<vmem>>, vector<16xi32>,
      %sub3A = vector.broadcast %mul3A_4 : i32 to vector<16xi32>
      %sub3A_68 = arith.subi %get3A_67, %sub3A : vector<16xi32>
      %ge3A = arith.constant 0 : i32
      %ge3A_69 = vector.broadcast %ge3A : i32 to vector<16xi32>
      %ge3A_70 = arith.cmpi sge, %sub3A_68, %ge3A_69 : vector<16xi32>
      %lt3A = arith.constant 5000 : i32
      %lt3A_71 = vector.broadcast %lt3A : i32 to vector<16xi32>
      %lt3A_72 = arith.cmpi slt, %sub3A_68, %lt3A_71 : vector<16xi32>
      %and3A = arith.andi %ge3A_70, %lt3A_72 : vector<16xi1>
      %broadcast_in_dim3A = arith.constant 5000 : i32
      %broadcast_in_dim3A_73 = vector.broadcast %broadcast_in_dim3A : i32 to vector<16xi32>
      %select_n3A = arith.select %and3A, %sub3A_68, %broadcast_in_dim3A_73 : vector<16xi1>, vector<16xi32>
      %swap3A = arith.index_cast %scan3A_65 : i32 to index
      %swap3A_74 = arith.constant 0 : index
      %swap3A_75 = tpu.vector_load %arg8[%swap3A, %swap3A_74] {strides = array<i32>} : memref<125x80xi32, #tpu.memory_space<vmem>>, vector<16xi32>,
      tpu.vector_store %arg8[%swap3A, %swap3A_74], %select_n3A {strides = array<i32>} : memref<125x80xi32, #tpu.memory_space<vmem>>, vector<16xi32>,
      %get3A_76 = arith.index_cast %scan3A_65 : i32 to index
      %get3A_77 = arith.constant 16 : index
      %get3A_78 = tpu.vector_load %arg8[%get3A_76, %get3A_77] {strides = array<i32>} : memref<125x80xi32, #tpu.memory_space<vmem>>, vector<16xi32>,
      %sub3A_79 = vector.broadcast %mul3A_4 : i32 to vector<16xi32>
      %sub3A_80 = arith.subi %get3A_78, %sub3A_79 : vector<16xi32>
      %ge3A_81 = arith.constant 0 : i32
      %ge3A_82 = vector.broadcast %ge3A_81 : i32 to vector<16xi32>
      %ge3A_83 = arith.cmpi sge, %sub3A_80, %ge3A_82 : vector<16xi32>
      %lt3A_84 = arith.constant 5000 : i32
      %lt3A_85 = vector.broadcast %lt3A_84 : i32 to vector<16xi32>
      %lt3A_86 = arith.cmpi slt, %sub3A_80, %lt3A_85 : vector<16xi32>
      %and3A_87 = arith.andi %ge3A_83, %lt3A_86 : vector<16xi1>
      %broadcast_in_dim3A_88 = arith.constant 5000 : i32
      %broadcast_in_dim3A_89 = vector.broadcast %broadcast_in_dim3A_88 : i32 to vector<16xi32>
      %select_n3A_90 = arith.select %and3A_87, %sub3A_80, %broadcast_in_dim3A_89 : vector<16xi1>, vector<16xi32>
      %swap3A_91 = arith.index_cast %scan3A_65 : i32 to index
      %swap3A_92 = arith.constant 16 : index
      %swap3A_93 = tpu.vector_load %arg8[%swap3A_91, %swap3A_92] {strides = array<i32>} : memref<125x80xi32, #tpu.memory_space<vmem>>, vector<16xi32>,
      tpu.vector_store %arg8[%swap3A_91, %swap3A_92], %select_n3A_90 {strides = array<i32>} : memref<125x80xi32, #tpu.memory_space<vmem>>, vector<16xi32>,
      %get3A_94 = arith.index_cast %scan3A_65 : i32 to index
      %get3A_95 = arith.constant 32 : index
      %get3A_96 = tpu.vector_load %arg8[%get3A_94, %get3A_95] {strides = array<i32>} : memref<125x80xi32, #tpu.memory_space<vmem>>, vector<16xi32>,
      %sub3A_97 = vector.broadcast %mul3A_4 : i32 to vector<16xi32>
      %sub3A_98 = arith.subi %get3A_96, %sub3A_97 : vector<16xi32>
      %ge3A_99 = arith.constant 0 : i32
      %ge3A_100 = vector.broadcast %ge3A_99 : i32 to vector<16xi32>
      %ge3A_101 = arith.cmpi sge, %sub3A_98, %ge3A_100 : vector<16xi32>
      %lt3A_102 = arith.constant 5000 : i32
      %lt3A_103 = vector.broadcast %lt3A_102 : i32 to vector<16xi32>
      %lt3A_104 = arith.cmpi slt, %sub3A_98, %lt3A_103 : vector<16xi32>
      %and3A_105 = arith.andi %ge3A_101, %lt3A_104 : vector<16xi1>
      %broadcast_in_dim3A_106 = arith.constant 5000 : i32
      %broadcast_in_dim3A_107 = vector.broadcast %broadcast_in_dim3A_106 : i32 to vector<16xi32>
      %select_n3A_108 = arith.select %and3A_105, %sub3A_98, %broadcast_in_dim3A_107 : vector<16xi1>, vector<16xi32>
      %swap3A_109 = arith.index_cast %scan3A_65 : i32 to index
      %swap3A_110 = arith.constant 32 : index
      %swap3A_111 = tpu.vector_load %arg8[%swap3A_109, %swap3A_110] {strides = array<i32>} : memref<125x80xi32, #tpu.memory_space<vmem>>, vector<16xi32>,
      tpu.vector_store %arg8[%swap3A_109, %swap3A_110], %select_n3A_108 {strides = array<i32>} : memref<125x80xi32, #tpu.memory_space<vmem>>, vector<16xi32>,
      %get3A_112 = arith.index_cast %scan3A_65 : i32 to index
      %get3A_113 = arith.constant 48 : index
      %get3A_114 = tpu.vector_load %arg8[%get3A_112, %get3A_113] {strides = array<i32>} : memref<125x80xi32, #tpu.memory_space<vmem>>, vector<16xi32>,
      %sub3A_115 = vector.broadcast %mul3A_4 : i32 to vector<16xi32>
      %sub3A_116 = arith.subi %get3A_114, %sub3A_115 : vector<16xi32>
      %ge3A_117 = arith.constant 0 : i32
      %ge3A_118 = vector.broadcast %ge3A_117 : i32 to vector<16xi32>
      %ge3A_119 = arith.cmpi sge, %sub3A_116, %ge3A_118 : vector<16xi32>
      %lt3A_120 = arith.constant 5000 : i32
      %lt3A_121 = vector.broadcast %lt3A_120 : i32 to vector<16xi32>
      %lt3A_122 = arith.cmpi slt, %sub3A_116, %lt3A_121 : vector<16xi32>
      %and3A_123 = arith.andi %ge3A_119, %lt3A_122 : vector<16xi1>
      %broadcast_in_dim3A_124 = arith.constant 5000 : i32
      %broadcast_in_dim3A_125 = vector.broadcast %broadcast_in_dim3A_124 : i32 to vector<16xi32>
      %select_n3A_126 = arith.select %and3A_123, %sub3A_116, %broadcast_in_dim3A_125 : vector<16xi1>, vector<16xi32>
      %swap3A_127 = arith.index_cast %scan3A_65 : i32 to index
      %swap3A_128 = arith.constant 48 : index
      %swap3A_129 = tpu.vector_load %arg8[%swap3A_127, %swap3A_128] {strides = array<i32>} : memref<125x80xi32, #tpu.memory_space<vmem>>, vector<16xi32>,
      tpu.vector_store %arg8[%swap3A_127, %swap3A_128], %select_n3A_126 {strides = array<i32>} : memref<125x80xi32, #tpu.memory_space<vmem>>, vector<16xi32>,
      %get3A_130 = arith.index_cast %scan3A_65 : i32 to index
      %get3A_131 = arith.constant 64 : index
      %get3A_132 = tpu.vector_load %arg8[%get3A_130, %get3A_131] {strides = array<i32>} : memref<125x80xi32, #tpu.memory_space<vmem>>, vector<16xi32>,
      %sub3A_133 = vector.broadcast %mul3A_4 : i32 to vector<16xi32>
      %sub3A_134 = arith.subi %get3A_132, %sub3A_133 : vector<16xi32>
      %ge3A_135 = arith.constant 0 : i32
      %ge3A_136 = vector.broadcast %ge3A_135 : i32 to vector<16xi32>
      %ge3A_137 = arith.cmpi sge, %sub3A_134, %ge3A_136 : vector<16xi32>
      %lt3A_138 = arith.constant 5000 : i32
      %lt3A_139 = vector.broadcast %lt3A_138 : i32 to vector<16xi32>
      %lt3A_140 = arith.cmpi slt, %sub3A_134, %lt3A_139 : vector<16xi32>
      %and3A_141 = arith.andi %ge3A_137, %lt3A_140 : vector<16xi1>
      %broadcast_in_dim3A_142 = arith.constant 5000 : i32
      %broadcast_in_dim3A_143 = vector.broadcast %broadcast_in_dim3A_142 : i32 to vector<16xi32>
      %select_n3A_144 = arith.select %and3A_141, %sub3A_134, %broadcast_in_dim3A_143 : vector<16xi1>, vector<16xi32>
      %swap3A_145 = arith.index_cast %scan3A_65 : i32 to index
      %swap3A_146 = arith.constant 64 : index
      %swap3A_147 = tpu.vector_load %arg8[%swap3A_145, %swap3A_146] {strides = array<i32>} : memref<125x80xi32, #tpu.memory_space<vmem>>, vector<16xi32>,
      tpu.vector_store %arg8[%swap3A_145, %swap3A_146], %select_n3A_144 {strides = array<i32>} : memref<125x80xi32, #tpu.memory_space<vmem>>, vector<16xi32>,
    }
    %scan3A_10 = arith.constant 125 : i32
    %dma_start3A = arith.constant 0 : i32
    %dma_start3A_11 = arith.constant 0 : i32
    %dma_start3A_12 = tpu.memref_slice %arg7[%dma_start3A, %dma_start3A_11] : memref<125x80xi32, #tpu.memory_space<vmem>> -> memref<1x80xi32, #tpu.memory_space<vmem>>
    %dma_start3A_13 = tpu.memref_squeeze %dma_start3A_12 : memref<1x80xi32, #tpu.memory_space<vmem>> -> memref<80xi32, #tpu.memory_space<vmem>>
    %dma_start3A_14 = arith.constant 0 : i32
    %dma_start3A_15 = arith.constant 0 : i32
    %dma_start3A_16 = tpu.memref_slice %arg2[%dma_start3A_14, %dma_start3A_15] : memref<10000x128xf32, #tpu.memory_space<hbm>> -> memref<10000x128xf32, #tpu.memory_space<hbm>>
    tpu.enqueue_indirect_dma source(%dma_start3A_16 : memref<10000x128xf32, #tpu.memory_space<hbm>>) target(%arg9 : memref<80x128xf32, #tpu.memory_space<vmem>>) offsets(%dma_start3A_13 : memref<80xi32, #tpu.memory_space<vmem>>) semaphore(%arg12 : memref<!tpu.dma_semaphore, #tpu.memory_space<semaphore_mem>>)
    %scan3A_17 = arith.constant 0 : i32
    %scan3A_18 = arith.constant 0 : i32
    %scan3A_19 = arith.constant 62 : i32
    %scan3A_20 = arith.addi %scan3A_18, %scan3A_19 : i32
    %scan3A_21 = arith.constant 1 : i32
    scf.for %scan3A_65 = %scan3A_18 to %scan3A_20 step %scan3A_21  : i32 {
      %mul3A_66 = arith.constant 2 : i32
      %mul3A_67 = arith.muli %scan3A_65, %mul3A_66 : i32
      %add3A = arith.constant 0 : i32
      %add3A_68 = arith.addi %mul3A_67, %add3A : i32
      %add3A_69 = arith.constant 1 : i32
      %add3A_70 = arith.addi %add3A_68, %add3A_69 : i32
      %lt3A = arith.constant 125 : i32
      %lt3A_71 = arith.cmpi slt, %add3A_70, %lt3A : i32
      %convert_element_type3A_72 = arith.extui %lt3A_71 : i1 to i32
      %cond3A_73 = arith.constant 0 : i32
      %cond3A_74 = arith.cmpi ne, %convert_element_type3A_72, %cond3A_73 : i32
      scf.if %cond3A_74 {
        %add3A_98 = arith.constant 1 : i32
        %add3A_99 = arith.addi %add3A_68, %add3A_98 : i32
        %dma_start3A_100 = arith.constant 0 : i32
        %dma_start3A_101 = tpu.memref_slice %arg7[%add3A_99, %dma_start3A_100] : memref<125x80xi32, #tpu.memory_space<vmem>> -> memref<1x80xi32, #tpu.memory_space<vmem>>
        %dma_start3A_102 = tpu.memref_squeeze %dma_start3A_101 : memref<1x80xi32, #tpu.memory_space<vmem>> -> memref<80xi32, #tpu.memory_space<vmem>>
        %dma_start3A_103 = arith.constant 0 : i32
        %dma_start3A_104 = arith.constant 0 : i32
        %dma_start3A_105 = tpu.memref_slice %arg2[%dma_start3A_103, %dma_start3A_104] : memref<10000x128xf32, #tpu.memory_space<hbm>> -> memref<10000x128xf32, #tpu.memory_space<hbm>>
        tpu.enqueue_indirect_dma source(%dma_start3A_105 : memref<10000x128xf32, #tpu.memory_space<hbm>>) target(%arg10 : memref<80x128xf32, #tpu.memory_space<vmem>>) offsets(%dma_start3A_102 : memref<80xi32, #tpu.memory_space<vmem>>) semaphore(%arg13 : memref<!tpu.dma_semaphore, #tpu.memory_space<semaphore_mem>>)
      } else {
      }
      %dma_wait3A_75 = arith.constant 0 : i32
      %dma_wait3A_76 = tpu.memref_slice %arg7[%add3A_68, %dma_wait3A_75] : memref<125x80xi32, #tpu.memory_space<vmem>> -> memref<1x80xi32, #tpu.memory_space<vmem>>
      %dma_wait3A_77 = tpu.memref_squeeze %dma_wait3A_76 : memref<1x80xi32, #tpu.memory_space<vmem>> -> memref<80xi32, #tpu.memory_space<vmem>>
      %dma_wait3A_78 = arith.constant 0 : i32
      %dma_wait3A_79 = arith.constant 0 : i32
      %dma_wait3A_80 = tpu.memref_slice %arg2[%dma_wait3A_78, %dma_wait3A_79] : memref<10000x128xf32, #tpu.memory_space<hbm>> -> memref<10000x128xf32, #tpu.memory_space<hbm>>
      tpu.wait_indirect_dma semaphore(%arg12 : memref<!tpu.dma_semaphore, #tpu.memory_space<semaphore_mem>>) src(%dma_wait3A_80 : memref<10000x128xf32, #tpu.memory_space<hbm>>) dst(%arg9 : memref<80x128xf32, #tpu.memory_space<vmem>>)
      "tpu.region"() ({
        %run_scoped3A_98 = tpu.sem_alloc : memref<!tpu.dma_semaphore, #tpu.memory_space<semaphore_mem>>
        %dma_start3A_99 = arith.constant 0 : i32
        %dma_start3A_100 = tpu.memref_slice %arg8[%add3A_68, %dma_start3A_99] : memref<125x80xi32, #tpu.memory_space<vmem>> -> memref<1x80xi32, #tpu.memory_space<vmem>>
        %dma_start3A_101 = tpu.memref_squeeze %dma_start3A_100 : memref<1x80xi32, #tpu.memory_space<vmem>> -> memref<80xi32, #tpu.memory_space<vmem>>
        %dma_start3A_102 = arith.constant 0 : i32
        %dma_start3A_103 = arith.constant 0 : i32
        %dma_start3A_104 = tpu.memref_slice %arg11[%dma_start3A_102, %dma_start3A_103] : memref<5008x128xf32, #tpu.memory_space<vmem_shared>> -> memref<5008x128xf32, #tpu.memory_space<vmem_shared>>
        tpu.enqueue_indirect_dma source(%arg9 : memref<80x128xf32, #tpu.memory_space<vmem>>) target(%dma_start3A_104 : memref<5008x128xf32, #tpu.memory_space<vmem_shared>>) offsets(%dma_start3A_101 : memref<80xi32, #tpu.memory_space<vmem>>) semaphore(%run_scoped3A_98 : memref<!tpu.dma_semaphore, #tpu.memory_space<semaphore_mem>>) {add = true}
        %dma_wait3A_105 = arith.constant 0 : i32
        %dma_wait3A_106 = tpu.memref_slice %arg8[%add3A_68, %dma_wait3A_105] : memref<125x80xi32, #tpu.memory_space<vmem>> -> memref<1x80xi32, #tpu.memory_space<vmem>>
        %dma_wait3A_107 = tpu.memref_squeeze %dma_wait3A_106 : memref<1x80xi32, #tpu.memory_space<vmem>> -> memref<80xi32, #tpu.memory_space<vmem>>
        %dma_wait3A_108 = arith.constant 0 : i32
        %dma_wait3A_109 = arith.constant 0 : i32
        %dma_wait3A_110 = tpu.memref_slice %arg11[%dma_wait3A_108, %dma_wait3A_109] : memref<5008x128xf32, #tpu.memory_space<vmem_shared>> -> memref<5008x128xf32, #tpu.memory_space<vmem_shared>>
        tpu.wait_indirect_dma semaphore(%run_scoped3A_98 : memref<!tpu.dma_semaphore, #tpu.memory_space<semaphore_mem>>) src(%arg9 : memref<80x128xf32, #tpu.memory_space<vmem>>) dst(%dma_wait3A_110 : memref<5008x128xf32, #tpu.memory_space<vmem_shared>>)
        tpu.yield
      }) : () -> ()
      %mul3A_81 = arith.constant 2 : i32
      %mul3A_82 = arith.muli %scan3A_65, %mul3A_81 : i32
      %add3A_83 = arith.constant 1 : i32
      %add3A_84 = arith.addi %mul3A_82, %add3A_83 : i32
      %add3A_85 = arith.constant 1 : i32
      %add3A_86 = arith.addi %add3A_84, %add3A_85 : i32
      %lt3A_87 = arith.constant 125 : i32
      %lt3A_88 = arith.cmpi slt, %add3A_86, %lt3A_87 : i32
      %convert_element_type3A_89 = arith.extui %lt3A_88 : i1 to i32
      %cond3A_90 = arith.constant 0 : i32
      %cond3A_91 = arith.cmpi ne, %convert_element_type3A_89, %cond3A_90 : i32
      scf.if %cond3A_91 {
        %add3A_98 = arith.constant 1 : i32
        %add3A_99 = arith.addi %add3A_84, %add3A_98 : i32
        %dma_start3A_100 = arith.constant 0 : i32
        %dma_start3A_101 = tpu.memref_slice %arg7[%add3A_99, %dma_start3A_100] : memref<125x80xi32, #tpu.memory_space<vmem>> -> memref<1x80xi32, #tpu.memory_space<vmem>>
        %dma_start3A_102 = tpu.memref_squeeze %dma_start3A_101 : memref<1x80xi32, #tpu.memory_space<vmem>> -> memref<80xi32, #tpu.memory_space<vmem>>
        %dma_start3A_103 = arith.constant 0 : i32
        %dma_start3A_104 = arith.constant 0 : i32
        %dma_start3A_105 = tpu.memref_slice %arg2[%dma_start3A_103, %dma_start3A_104] : memref<10000x128xf32, #tpu.memory_space<hbm>> -> memref<10000x128xf32, #tpu.memory_space<hbm>>
        tpu.enqueue_indirect_dma source(%dma_start3A_105 : memref<10000x128xf32, #tpu.memory_space<hbm>>) target(%arg9 : memref<80x128xf32, #tpu.memory_space<vmem>>) offsets(%dma_start3A_102 : memref<80xi32, #tpu.memory_space<vmem>>) semaphore(%arg12 : memref<!tpu.dma_semaphore, #tpu.memory_space<semaphore_mem>>)
      } else {
      }
      %dma_wait3A_92 = arith.constant 0 : i32
      %dma_wait3A_93 = tpu.memref_slice %arg7[%add3A_84, %dma_wait3A_92] : memref<125x80xi32, #tpu.memory_space<vmem>> -> memref<1x80xi32, #tpu.memory_space<vmem>>
      %dma_wait3A_94 = tpu.memref_squeeze %dma_wait3A_93 : memref<1x80xi32, #tpu.memory_space<vmem>> -> memref<80xi32, #tpu.memory_space<vmem>>
      %dma_wait3A_95 = arith.constant 0 : i32
      %dma_wait3A_96 = arith.constant 0 : i32
      %dma_wait3A_97 = tpu.memref_slice %arg2[%dma_wait3A_95, %dma_wait3A_96] : memref<10000x128xf32, #tpu.memory_space<hbm>> -> memref<10000x128xf32, #tpu.memory_space<hbm>>
      tpu.wait_indirect_dma semaphore(%arg13 : memref<!tpu.dma_semaphore, #tpu.memory_space<semaphore_mem>>) src(%dma_wait3A_97 : memref<10000x128xf32, #tpu.memory_space<hbm>>) dst(%arg10 : memref<80x128xf32, #tpu.memory_space<vmem>>)
      "tpu.region"() ({
        %run_scoped3A_98 = tpu.sem_alloc : memref<!tpu.dma_semaphore, #tpu.memory_space<semaphore_mem>>
        %dma_start3A_99 = arith.constant 0 : i32
        %dma_start3A_100 = tpu.memref_slice %arg8[%add3A_84, %dma_start3A_99] : memref<125x80xi32, #tpu.memory_space<vmem>> -> memref<1x80xi32, #tpu.memory_space<vmem>>
        %dma_start3A_101 = tpu.memref_squeeze %dma_start3A_100 : memref<1x80xi32, #tpu.memory_space<vmem>> -> memref<80xi32, #tpu.memory_space<vmem>>
        %dma_start3A_102 = arith.constant 0 : i32
        %dma_start3A_103 = arith.constant 0 : i32
        %dma_start3A_104 = tpu.memref_slice %arg11[%dma_start3A_102, %dma_start3A_103] : memref<5008x128xf32, #tpu.memory_space<vmem_shared>> -> memref<5008x128xf32, #tpu.memory_space<vmem_shared>>
        tpu.enqueue_indirect_dma source(%arg10 : memref<80x128xf32, #tpu.memory_space<vmem>>) target(%dma_start3A_104 : memref<5008x128xf32, #tpu.memory_space<vmem_shared>>) offsets(%dma_start3A_101 : memref<80xi32, #tpu.memory_space<vmem>>) semaphore(%run_scoped3A_98 : memref<!tpu.dma_semaphore, #tpu.memory_space<semaphore_mem>>) {add = true}
        %dma_wait3A_105 = arith.constant 0 : i32
        %dma_wait3A_106 = tpu.memref_slice %arg8[%add3A_84, %dma_wait3A_105] : memref<125x80xi32, #tpu.memory_space<vmem>> -> memref<1x80xi32, #tpu.memory_space<vmem>>
        %dma_wait3A_107 = tpu.memref_squeeze %dma_wait3A_106 : memref<1x80xi32, #tpu.memory_space<vmem>> -> memref<80xi32, #tpu.memory_space<vmem>>
        %dma_wait3A_108 = arith.constant 0 : i32
        %dma_wait3A_109 = arith.constant 0 : i32
        %dma_wait3A_110 = tpu.memref_slice %arg11[%dma_wait3A_108, %dma_wait3A_109] : memref<5008x128xf32, #tpu.memory_space<vmem_shared>> -> memref<5008x128xf32, #tpu.memory_space<vmem_shared>>
        tpu.wait_indirect_dma semaphore(%run_scoped3A_98 : memref<!tpu.dma_semaphore, #tpu.memory_space<semaphore_mem>>) src(%arg10 : memref<80x128xf32, #tpu.memory_space<vmem>>) dst(%dma_wait3A_110 : memref<5008x128xf32, #tpu.memory_space<vmem_shared>>)
        tpu.yield
      }) : () -> ()
    }
    %scan3A_22 = arith.constant 62 : i32
    %dma_wait3A = arith.constant 124 : i32
    %dma_wait3A_23 = arith.constant 0 : i32
    %dma_wait3A_24 = tpu.memref_slice %arg7[%dma_wait3A, %dma_wait3A_23] : memref<125x80xi32, #tpu.memory_space<vmem>> -> memref<1x80xi32, #tpu.memory_space<vmem>>
    %dma_wait3A_25 = tpu.memref_squeeze %dma_wait3A_24 : memref<1x80xi32, #tpu.memory_space<vmem>> -> memref<80xi32, #tpu.memory_space<vmem>>
    %dma_wait3A_26 = arith.constant 0 : i32
    %dma_wait3A_27 = arith.constant 0 : i32
    %dma_wait3A_28 = tpu.memref_slice %arg2[%dma_wait3A_26, %dma_wait3A_27] : memref<10000x128xf32, #tpu.memory_space<hbm>> -> memref<10000x128xf32, #tpu.memory_space<hbm>>
    tpu.wait_indirect_dma semaphore(%arg12 : memref<!tpu.dma_semaphore, #tpu.memory_space<semaphore_mem>>) src(%dma_wait3A_28 : memref<10000x128xf32, #tpu.memory_space<hbm>>) dst(%arg9 : memref<80x128xf32, #tpu.memory_space<vmem>>)
    %run_scoped3A_29 = arith.constant 124 : i32
    "tpu.region"() ({
      %run_scoped3A_65 = tpu.sem_alloc : memref<!tpu.dma_semaphore, #tpu.memory_space<semaphore_mem>>
      %dma_start3A_66 = arith.constant 0 : i32
      %dma_start3A_67 = tpu.memref_slice %arg8[%run_scoped3A_29, %dma_start3A_66] : memref<125x80xi32, #tpu.memory_space<vmem>> -> memref<1x80xi32, #tpu.memory_space<vmem>>
      %dma_start3A_68 = tpu.memref_squeeze %dma_start3A_67 : memref<1x80xi32, #tpu.memory_space<vmem>> -> memref<80xi32, #tpu.memory_space<vmem>>
      %dma_start3A_69 = arith.constant 0 : i32
      %dma_start3A_70 = arith.constant 0 : i32
      %dma_start3A_71 = tpu.memref_slice %arg11[%dma_start3A_69, %dma_start3A_70] : memref<5008x128xf32, #tpu.memory_space<vmem_shared>> -> memref<5008x128xf32, #tpu.memory_space<vmem_shared>>
      tpu.enqueue_indirect_dma source(%arg9 : memref<80x128xf32, #tpu.memory_space<vmem>>) target(%dma_start3A_71 : memref<5008x128xf32, #tpu.memory_space<vmem_shared>>) offsets(%dma_start3A_68 : memref<80xi32, #tpu.memory_space<vmem>>) semaphore(%run_scoped3A_65 : memref<!tpu.dma_semaphore, #tpu.memory_space<semaphore_mem>>) {add = true}
      %dma_wait3A_72 = arith.constant 0 : i32
      %dma_wait3A_73 = tpu.memref_slice %arg8[%run_scoped3A_29, %dma_wait3A_72] : memref<125x80xi32, #tpu.memory_space<vmem>> -> memref<1x80xi32, #tpu.memory_space<vmem>>
      %dma_wait3A_74 = tpu.memref_squeeze %dma_wait3A_73 : memref<1x80xi32, #tpu.memory_space<vmem>> -> memref<80xi32, #tpu.memory_space<vmem>>
      %dma_wait3A_75 = arith.constant 0 : i32
      %dma_wait3A_76 = arith.constant 0 : i32
      %dma_wait3A_77 = tpu.memref_slice %arg11[%dma_wait3A_75, %dma_wait3A_76] : memref<5008x128xf32, #tpu.memory_space<vmem_shared>> -> memref<5008x128xf32, #tpu.memory_space<vmem_shared>>
      tpu.wait_indirect_dma semaphore(%run_scoped3A_65 : memref<!tpu.dma_semaphore, #tpu.memory_space<semaphore_mem>>) src(%arg9 : memref<80x128xf32, #tpu.memory_space<vmem>>) dst(%dma_wait3A_77 : memref<5008x128xf32, #tpu.memory_space<vmem_shared>>)
      tpu.yield
    }) : () -> ()
    %run_scoped3A_30 = arith.constant 1 : i32
    "tpu.region"() ({
      %run_scoped3A_65 = tpu.sem_alloc : memref<!tpu.dma_semaphore, #tpu.memory_space<semaphore_mem>>
      %dma_start3A_66 = arith.constant 0 : i32
      %dma_start3A_67 = arith.constant 0 : i32
      %dma_start3A_68 = tpu.memref_slice %arg3[%arg1, %run_scoped3A_30, %dma_start3A_66, %dma_start3A_67] : memref<16x2x125x80xi32, #tpu.memory_space<hbm>> -> memref<1x1x125x80xi32, #tpu.memory_space<hbm>>
      %dma_start3A_69 = tpu.memref_squeeze %dma_start3A_68 : memref<1x1x125x80xi32, #tpu.memory_space<hbm>> -> memref<125x80xi32, #tpu.memory_space<hbm>>
      %dma_start3A_70 = arith.constant 0 : i32
      %dma_start3A_71 = arith.constant 0 : i32
      %dma_start3A_72 = tpu.memref_slice %arg3[%arg1, %run_scoped3A_30, %dma_start3A_70, %dma_start3A_71] : memref<16x2x125x80xi32, #tpu.memory_space<hbm>> -> memref<1x1x125x80xi32, #tpu.memory_space<hbm>>
      %dma_start3A_73 = tpu.memref_squeeze %dma_start3A_72 : memref<1x1x125x80xi32, #tpu.memory_space<hbm>> -> memref<125x80xi32, #tpu.memory_space<hbm>>
      tpu.enqueue_dma source(%dma_start3A_73 : memref<125x80xi32, #tpu.memory_space<hbm>>) target(%arg7 : memref<125x80xi32, #tpu.memory_space<vmem>>) target_semaphore(%run_scoped3A_65 : memref<!tpu.dma_semaphore, #tpu.memory_space<semaphore_mem>>)
      %dma_wait3A_74 = arith.constant 0 : i32
      %dma_wait3A_75 = arith.constant 0 : i32
      %dma_wait3A_76 = tpu.memref_slice %arg3[%arg1, %run_scoped3A_30, %dma_wait3A_74, %dma_wait3A_75] : memref<16x2x125x80xi32, #tpu.memory_space<hbm>> -> memref<1x1x125x80xi32, #tpu.memory_space<hbm>>
      %dma_wait3A_77 = tpu.memref_squeeze %dma_wait3A_76 : memref<1x1x125x80xi32, #tpu.memory_space<hbm>> -> memref<125x80xi32, #tpu.memory_space<hbm>>
      %dma_wait3A_78 = arith.constant 0 : i32
      %dma_wait3A_79 = arith.constant 0 : i32
      %dma_wait3A_80 = tpu.memref_slice %arg3[%arg1, %run_scoped3A_30, %dma_wait3A_78, %dma_wait3A_79] : memref<16x2x125x80xi32, #tpu.memory_space<hbm>> -> memref<1x1x125x80xi32, #tpu.memory_space<hbm>>
      %dma_wait3A_81 = tpu.memref_squeeze %dma_wait3A_80 : memref<1x1x125x80xi32, #tpu.memory_space<hbm>> -> memref<125x80xi32, #tpu.memory_space<hbm>>
      tpu.wait_dma2 semaphore(%run_scoped3A_65 : memref<!tpu.dma_semaphore, #tpu.memory_space<semaphore_mem>>) src(%dma_wait3A_81 : memref<125x80xi32, #tpu.memory_space<hbm>>) dst(%arg7 : memref<125x80xi32, #tpu.memory_space<vmem>>)
      tpu.yield
    }) : () -> ()
    %run_scoped3A_31 = arith.constant 1 : i32
    "tpu.region"() ({
      %run_scoped3A_65 = tpu.sem_alloc : memref<!tpu.dma_semaphore, #tpu.memory_space<semaphore_mem>>
      %dma_start3A_66 = arith.constant 0 : i32
      %dma_start3A_67 = arith.constant 0 : i32
      %dma_start3A_68 = tpu.memref_slice %arg4[%arg1, %run_scoped3A_31, %dma_start3A_66, %dma_start3A_67] : memref<16x2x125x80xi32, #tpu.memory_space<hbm>> -> memref<1x1x125x80xi32, #tpu.memory_space<hbm>>
      %dma_start3A_69 = tpu.memref_squeeze %dma_start3A_68 : memref<1x1x125x80xi32, #tpu.memory_space<hbm>> -> memref<125x80xi32, #tpu.memory_space<hbm>>
      %dma_start3A_70 = arith.constant 0 : i32
      %dma_start3A_71 = arith.constant 0 : i32
      %dma_start3A_72 = tpu.memref_slice %arg4[%arg1, %run_scoped3A_31, %dma_start3A_70, %dma_start3A_71] : memref<16x2x125x80xi32, #tpu.memory_space<hbm>> -> memref<1x1x125x80xi32, #tpu.memory_space<hbm>>
      %dma_start3A_73 = tpu.memref_squeeze %dma_start3A_72 : memref<1x1x125x80xi32, #tpu.memory_space<hbm>> -> memref<125x80xi32, #tpu.memory_space<hbm>>
      tpu.enqueue_dma source(%dma_start3A_73 : memref<125x80xi32, #tpu.memory_space<hbm>>) target(%arg8 : memref<125x80xi32, #tpu.memory_space<vmem>>) target_semaphore(%run_scoped3A_65 : memref<!tpu.dma_semaphore, #tpu.memory_space<semaphore_mem>>)
      %dma_wait3A_74 = arith.constant 0 : i32
      %dma_wait3A_75 = arith.constant 0 : i32
      %dma_wait3A_76 = tpu.memref_slice %arg4[%arg1, %run_scoped3A_31, %dma_wait3A_74, %dma_wait3A_75] : memref<16x2x125x80xi32, #tpu.memory_space<hbm>> -> memref<1x1x125x80xi32, #tpu.memory_space<hbm>>
      %dma_wait3A_77 = tpu.memref_squeeze %dma_wait3A_76 : memref<1x1x125x80xi32, #tpu.memory_space<hbm>> -> memref<125x80xi32, #tpu.memory_space<hbm>>
      %dma_wait3A_78 = arith.constant 0 : i32
      %dma_wait3A_79 = arith.constant 0 : i32
      %dma_wait3A_80 = tpu.memref_slice %arg4[%arg1, %run_scoped3A_31, %dma_wait3A_78, %dma_wait3A_79] : memref<16x2x125x80xi32, #tpu.memory_space<hbm>> -> memref<1x1x125x80xi32, #tpu.memory_space<hbm>>
      %dma_wait3A_81 = tpu.memref_squeeze %dma_wait3A_80 : memref<1x1x125x80xi32, #tpu.memory_space<hbm>> -> memref<125x80xi32, #tpu.memory_space<hbm>>
      tpu.wait_dma2 semaphore(%run_scoped3A_65 : memref<!tpu.dma_semaphore, #tpu.memory_space<semaphore_mem>>) src(%dma_wait3A_81 : memref<125x80xi32, #tpu.memory_space<hbm>>) dst(%arg8 : memref<125x80xi32, #tpu.memory_space<vmem>>)
      tpu.yield
    }) : () -> ()
    %scan3A_32 = arith.constant 0 : i32
    %scan3A_33 = arith.constant 0 : i32
    %scan3A_34 = arith.constant 125 : i32
    %scan3A_35 = arith.addi %scan3A_33, %scan3A_34 : i32
    %scan3A_36 = arith.constant 1 : i32
    scf.for %scan3A_65 = %scan3A_33 to %scan3A_35 step %scan3A_36  : i32 {
      %get3A = arith.index_cast %scan3A_65 : i32 to index
      %get3A_66 = arith.constant 0 : index
      %get3A_67 = tpu.vector_load %arg8[%get3A, %get3A_66] {strides = array<i32>} : memref<125x80xi32, #tpu.memory_space<vmem>>, vector<16xi32>,
      %sub3A = vector.broadcast %mul3A_4 : i32 to vector<16xi32>
      %sub3A_68 = arith.subi %get3A_67, %sub3A : vector<16xi32>
      %ge3A = arith.constant 0 : i32
      %ge3A_69 = vector.broadcast %ge3A : i32 to vector<16xi32>
      %ge3A_70 = arith.cmpi sge, %sub3A_68, %ge3A_69 : vector<16xi32>
      %lt3A = arith.constant 5000 : i32
      %lt3A_71 = vector.broadcast %lt3A : i32 to vector<16xi32>
      %lt3A_72 = arith.cmpi slt, %sub3A_68, %lt3A_71 : vector<16xi32>
      %and3A = arith.andi %ge3A_70, %lt3A_72 : vector<16xi1>
      %broadcast_in_dim3A = arith.constant 5000 : i32
      %broadcast_in_dim3A_73 = vector.broadcast %broadcast_in_dim3A : i32 to vector<16xi32>
      %select_n3A = arith.select %and3A, %sub3A_68, %broadcast_in_dim3A_73 : vector<16xi1>, vector<16xi32>
      %swap3A = arith.index_cast %scan3A_65 : i32 to index
      %swap3A_74 = arith.constant 0 : index
      %swap3A_75 = tpu.vector_load %arg8[%swap3A, %swap3A_74] {strides = array<i32>} : memref<125x80xi32, #tpu.memory_space<vmem>>, vector<16xi32>,
      tpu.vector_store %arg8[%swap3A, %swap3A_74], %select_n3A {strides = array<i32>} : memref<125x80xi32, #tpu.memory_space<vmem>>, vector<16xi32>,
      %get3A_76 = arith.index_cast %scan3A_65 : i32 to index
      %get3A_77 = arith.constant 16 : index
      %get3A_78 = tpu.vector_load %arg8[%get3A_76, %get3A_77] {strides = array<i32>} : memref<125x80xi32, #tpu.memory_space<vmem>>, vector<16xi32>,
      %sub3A_79 = vector.broadcast %mul3A_4 : i32 to vector<16xi32>
      %sub3A_80 = arith.subi %get3A_78, %sub3A_79 : vector<16xi32>
      %ge3A_81 = arith.constant 0 : i32
      %ge3A_82 = vector.broadcast %ge3A_81 : i32 to vector<16xi32>
      %ge3A_83 = arith.cmpi sge, %sub3A_80, %ge3A_82 : vector<16xi32>
      %lt3A_84 = arith.constant 5000 : i32
      %lt3A_85 = vector.broadcast %lt3A_84 : i32 to vector<16xi32>
      %lt3A_86 = arith.cmpi slt, %sub3A_80, %lt3A_85 : vector<16xi32>
      %and3A_87 = arith.andi %ge3A_83, %lt3A_86 : vector<16xi1>
      %broadcast_in_dim3A_88 = arith.constant 5000 : i32
      %broadcast_in_dim3A_89 = vector.broadcast %broadcast_in_dim3A_88 : i32 to vector<16xi32>
      %select_n3A_90 = arith.select %and3A_87, %sub3A_80, %broadcast_in_dim3A_89 : vector<16xi1>, vector<16xi32>
      %swap3A_91 = arith.index_cast %scan3A_65 : i32 to index
      %swap3A_92 = arith.constant 16 : index
      %swap3A_93 = tpu.vector_load %arg8[%swap3A_91, %swap3A_92] {strides = array<i32>} : memref<125x80xi32, #tpu.memory_space<vmem>>, vector<16xi32>,
      tpu.vector_store %arg8[%swap3A_91, %swap3A_92], %select_n3A_90 {strides = array<i32>} : memref<125x80xi32, #tpu.memory_space<vmem>>, vector<16xi32>,
      %get3A_94 = arith.index_cast %scan3A_65 : i32 to index
      %get3A_95 = arith.constant 32 : index
      %get3A_96 = tpu.vector_load %arg8[%get3A_94, %get3A_95] {strides = array<i32>} : memref<125x80xi32, #tpu.memory_space<vmem>>, vector<16xi32>,
      %sub3A_97 = vector.broadcast %mul3A_4 : i32 to vector<16xi32>
      %sub3A_98 = arith.subi %get3A_96, %sub3A_97 : vector<16xi32>
      %ge3A_99 = arith.constant 0 : i32
      %ge3A_100 = vector.broadcast %ge3A_99 : i32 to vector<16xi32>
      %ge3A_101 = arith.cmpi sge, %sub3A_98, %ge3A_100 : vector<16xi32>
      %lt3A_102 = arith.constant 5000 : i32
      %lt3A_103 = vector.broadcast %lt3A_102 : i32 to vector<16xi32>
      %lt3A_104 = arith.cmpi slt, %sub3A_98, %lt3A_103 : vector<16xi32>
      %and3A_105 = arith.andi %ge3A_101, %lt3A_104 : vector<16xi1>
      %broadcast_in_dim3A_106 = arith.constant 5000 : i32
      %broadcast_in_dim3A_107 = vector.broadcast %broadcast_in_dim3A_106 : i32 to vector<16xi32>
      %select_n3A_108 = arith.select %and3A_105, %sub3A_98, %broadcast_in_dim3A_107 : vector<16xi1>, vector<16xi32>
      %swap3A_109 = arith.index_cast %scan3A_65 : i32 to index
      %swap3A_110 = arith.constant 32 : index
      %swap3A_111 = tpu.vector_load %arg8[%swap3A_109, %swap3A_110] {strides = array<i32>} : memref<125x80xi32, #tpu.memory_space<vmem>>, vector<16xi32>,
      tpu.vector_store %arg8[%swap3A_109, %swap3A_110], %select_n3A_108 {strides = array<i32>} : memref<125x80xi32, #tpu.memory_space<vmem>>, vector<16xi32>,
      %get3A_112 = arith.index_cast %scan3A_65 : i32 to index
      %get3A_113 = arith.constant 48 : index
      %get3A_114 = tpu.vector_load %arg8[%get3A_112, %get3A_113] {strides = array<i32>} : memref<125x80xi32, #tpu.memory_space<vmem>>, vector<16xi32>,
      %sub3A_115 = vector.broadcast %mul3A_4 : i32 to vector<16xi32>
      %sub3A_116 = arith.subi %get3A_114, %sub3A_115 : vector<16xi32>
      %ge3A_117 = arith.constant 0 : i32
      %ge3A_118 = vector.broadcast %ge3A_117 : i32 to vector<16xi32>
      %ge3A_119 = arith.cmpi sge, %sub3A_116, %ge3A_118 : vector<16xi32>
      %lt3A_120 = arith.constant 5000 : i32
      %lt3A_121 = vector.broadcast %lt3A_120 : i32 to vector<16xi32>
      %lt3A_122 = arith.cmpi slt, %sub3A_116, %lt3A_121 : vector<16xi32>
      %and3A_123 = arith.andi %ge3A_119, %lt3A_122 : vector<16xi1>
      %broadcast_in_dim3A_124 = arith.constant 5000 : i32
      %broadcast_in_dim3A_125 = vector.broadcast %broadcast_in_dim3A_124 : i32 to vector<16xi32>
      %select_n3A_126 = arith.select %and3A_123, %sub3A_116, %broadcast_in_dim3A_125 : vector<16xi1>, vector<16xi32>
      %swap3A_127 = arith.index_cast %scan3A_65 : i32 to index
      %swap3A_128 = arith.constant 48 : index
      %swap3A_129 = tpu.vector_load %arg8[%swap3A_127, %swap3A_128] {strides = array<i32>} : memref<125x80xi32, #tpu.memory_space<vmem>>, vector<16xi32>,
      tpu.vector_store %arg8[%swap3A_127, %swap3A_128], %select_n3A_126 {strides = array<i32>} : memref<125x80xi32, #tpu.memory_space<vmem>>, vector<16xi32>,
      %get3A_130 = arith.index_cast %scan3A_65 : i32 to index
      %get3A_131 = arith.constant 64 : index
      %get3A_132 = tpu.vector_load %arg8[%get3A_130, %get3A_131] {strides = array<i32>} : memref<125x80xi32, #tpu.memory_space<vmem>>, vector<16xi32>,
      %sub3A_133 = vector.broadcast %mul3A_4 : i32 to vector<16xi32>
      %sub3A_134 = arith.subi %get3A_132, %sub3A_133 : vector<16xi32>
      %ge3A_135 = arith.constant 0 : i32
      %ge3A_136 = vector.broadcast %ge3A_135 : i32 to vector<16xi32>
      %ge3A_137 = arith.cmpi sge, %sub3A_134, %ge3A_136 : vector<16xi32>
      %lt3A_138 = arith.constant 5000 : i32
      %lt3A_139 = vector.broadcast %lt3A_138 : i32 to vector<16xi32>
      %lt3A_140 = arith.cmpi slt, %sub3A_134, %lt3A_139 : vector<16xi32>
      %and3A_141 = arith.andi %ge3A_137, %lt3A_140 : vector<16xi1>
      %broadcast_in_dim3A_142 = arith.constant 5000 : i32
      %broadcast_in_dim3A_143 = vector.broadcast %broadcast_in_dim3A_142 : i32 to vector<16xi32>
      %select_n3A_144 = arith.select %and3A_141, %sub3A_134, %broadcast_in_dim3A_143 : vector<16xi1>, vector<16xi32>
      %swap3A_145 = arith.index_cast %scan3A_65 : i32 to index
      %swap3A_146 = arith.constant 64 : index
      %swap3A_147 = tpu.vector_load %arg8[%swap3A_145, %swap3A_146] {strides = array<i32>} : memref<125x80xi32, #tpu.memory_space<vmem>>, vector<16xi32>,
      tpu.vector_store %arg8[%swap3A_145, %swap3A_146], %select_n3A_144 {strides = array<i32>} : memref<125x80xi32, #tpu.memory_space<vmem>>, vector<16xi32>,
    }
    %scan3A_37 = arith.constant 125 : i32
    %dma_start3A_38 = arith.constant 0 : i32
    %dma_start3A_39 = arith.constant 0 : i32
    %dma_start3A_40 = tpu.memref_slice %arg7[%dma_start3A_38, %dma_start3A_39] : memref<125x80xi32, #tpu.memory_space<vmem>> -> memref<1x80xi32, #tpu.memory_space<vmem>>
    %dma_start3A_41 = tpu.memref_squeeze %dma_start3A_40 : memref<1x80xi32, #tpu.memory_space<vmem>> -> memref<80xi32, #tpu.memory_space<vmem>>
    %dma_start3A_42 = arith.constant 0 : i32
    %dma_start3A_43 = arith.constant 0 : i32
    %dma_start3A_44 = tpu.memref_slice %arg2[%dma_start3A_42, %dma_start3A_43] : memref<10000x128xf32, #tpu.memory_space<hbm>> -> memref<10000x128xf32, #tpu.memory_space<hbm>>
    tpu.enqueue_indirect_dma source(%dma_start3A_44 : memref<10000x128xf32, #tpu.memory_space<hbm>>) target(%arg9 : memref<80x128xf32, #tpu.memory_space<vmem>>) offsets(%dma_start3A_41 : memref<80xi32, #tpu.memory_space<vmem>>) semaphore(%arg12 : memref<!tpu.dma_semaphore, #tpu.memory_space<semaphore_mem>>)
    %scan3A_45 = arith.constant 0 : i32
    %scan3A_46 = arith.constant 0 : i32
    %scan3A_47 = arith.constant 62 : i32
    %scan3A_48 = arith.addi %scan3A_46, %scan3A_47 : i32
    %scan3A_49 = arith.constant 1 : i32
    scf.for %scan3A_65 = %scan3A_46 to %scan3A_48 step %scan3A_49  : i32 {
      %mul3A_66 = arith.constant 2 : i32
      %mul3A_67 = arith.muli %scan3A_65, %mul3A_66 : i32
      %add3A = arith.constant 0 : i32
      %add3A_68 = arith.addi %mul3A_67, %add3A : i32
      %add3A_69 = arith.constant 1 : i32
      %add3A_70 = arith.addi %add3A_68, %add3A_69 : i32
      %lt3A = arith.constant 125 : i32
      %lt3A_71 = arith.cmpi slt, %add3A_70, %lt3A : i32
      %convert_element_type3A_72 = arith.extui %lt3A_71 : i1 to i32
      %cond3A_73 = arith.constant 0 : i32
      %cond3A_74 = arith.cmpi ne, %convert_element_type3A_72, %cond3A_73 : i32
      scf.if %cond3A_74 {
        %add3A_98 = arith.constant 1 : i32
        %add3A_99 = arith.addi %add3A_68, %add3A_98 : i32
        %dma_start3A_100 = arith.constant 0 : i32
        %dma_start3A_101 = tpu.memref_slice %arg7[%add3A_99, %dma_start3A_100] : memref<125x80xi32, #tpu.memory_space<vmem>> -> memref<1x80xi32, #tpu.memory_space<vmem>>
        %dma_start3A_102 = tpu.memref_squeeze %dma_start3A_101 : memref<1x80xi32, #tpu.memory_space<vmem>> -> memref<80xi32, #tpu.memory_space<vmem>>
        %dma_start3A_103 = arith.constant 0 : i32
        %dma_start3A_104 = arith.constant 0 : i32
        %dma_start3A_105 = tpu.memref_slice %arg2[%dma_start3A_103, %dma_start3A_104] : memref<10000x128xf32, #tpu.memory_space<hbm>> -> memref<10000x128xf32, #tpu.memory_space<hbm>>
        tpu.enqueue_indirect_dma source(%dma_start3A_105 : memref<10000x128xf32, #tpu.memory_space<hbm>>) target(%arg10 : memref<80x128xf32, #tpu.memory_space<vmem>>) offsets(%dma_start3A_102 : memref<80xi32, #tpu.memory_space<vmem>>) semaphore(%arg13 : memref<!tpu.dma_semaphore, #tpu.memory_space<semaphore_mem>>)
      } else {
      }
      %dma_wait3A_75 = arith.constant 0 : i32
      %dma_wait3A_76 = tpu.memref_slice %arg7[%add3A_68, %dma_wait3A_75] : memref<125x80xi32, #tpu.memory_space<vmem>> -> memref<1x80xi32, #tpu.memory_space<vmem>>
      %dma_wait3A_77 = tpu.memref_squeeze %dma_wait3A_76 : memref<1x80xi32, #tpu.memory_space<vmem>> -> memref<80xi32, #tpu.memory_space<vmem>>
      %dma_wait3A_78 = arith.constant 0 : i32
      %dma_wait3A_79 = arith.constant 0 : i32
      %dma_wait3A_80 = tpu.memref_slice %arg2[%dma_wait3A_78, %dma_wait3A_79] : memref<10000x128xf32, #tpu.memory_space<hbm>> -> memref<10000x128xf32, #tpu.memory_space<hbm>>
      tpu.wait_indirect_dma semaphore(%arg12 : memref<!tpu.dma_semaphore, #tpu.memory_space<semaphore_mem>>) src(%dma_wait3A_80 : memref<10000x128xf32, #tpu.memory_space<hbm>>) dst(%arg9 : memref<80x128xf32, #tpu.memory_space<vmem>>)
      "tpu.region"() ({
        %run_scoped3A_98 = tpu.sem_alloc : memref<!tpu.dma_semaphore, #tpu.memory_space<semaphore_mem>>
        %dma_start3A_99 = arith.constant 0 : i32
        %dma_start3A_100 = tpu.memref_slice %arg8[%add3A_68, %dma_start3A_99] : memref<125x80xi32, #tpu.memory_space<vmem>> -> memref<1x80xi32, #tpu.memory_space<vmem>>
        %dma_start3A_101 = tpu.memref_squeeze %dma_start3A_100 : memref<1x80xi32, #tpu.memory_space<vmem>> -> memref<80xi32, #tpu.memory_space<vmem>>
        %dma_start3A_102 = arith.constant 0 : i32
        %dma_start3A_103 = arith.constant 0 : i32
        %dma_start3A_104 = tpu.memref_slice %arg11[%dma_start3A_102, %dma_start3A_103] : memref<5008x128xf32, #tpu.memory_space<vmem_shared>> -> memref<5008x128xf32, #tpu.memory_space<vmem_shared>>
        tpu.enqueue_indirect_dma source(%arg9 : memref<80x128xf32, #tpu.memory_space<vmem>>) target(%dma_start3A_104 : memref<5008x128xf32, #tpu.memory_space<vmem_shared>>) offsets(%dma_start3A_101 : memref<80xi32, #tpu.memory_space<vmem>>) semaphore(%run_scoped3A_98 : memref<!tpu.dma_semaphore, #tpu.memory_space<semaphore_mem>>) {add = true}
        %dma_wait3A_105 = arith.constant 0 : i32
        %dma_wait3A_106 = tpu.memref_slice %arg8[%add3A_68, %dma_wait3A_105] : memref<125x80xi32, #tpu.memory_space<vmem>> -> memref<1x80xi32, #tpu.memory_space<vmem>>
        %dma_wait3A_107 = tpu.memref_squeeze %dma_wait3A_106 : memref<1x80xi32, #tpu.memory_space<vmem>> -> memref<80xi32, #tpu.memory_space<vmem>>
        %dma_wait3A_108 = arith.constant 0 : i32
        %dma_wait3A_109 = arith.constant 0 : i32
        %dma_wait3A_110 = tpu.memref_slice %arg11[%dma_wait3A_108, %dma_wait3A_109] : memref<5008x128xf32, #tpu.memory_space<vmem_shared>> -> memref<5008x128xf32, #tpu.memory_space<vmem_shared>>
        tpu.wait_indirect_dma semaphore(%run_scoped3A_98 : memref<!tpu.dma_semaphore, #tpu.memory_space<semaphore_mem>>) src(%arg9 : memref<80x128xf32, #tpu.memory_space<vmem>>) dst(%dma_wait3A_110 : memref<5008x128xf32, #tpu.memory_space<vmem_shared>>)
        tpu.yield
      }) : () -> ()
      %mul3A_81 = arith.constant 2 : i32
      %mul3A_82 = arith.muli %scan3A_65, %mul3A_81 : i32
      %add3A_83 = arith.constant 1 : i32
      %add3A_84 = arith.addi %mul3A_82, %add3A_83 : i32
      %add3A_85 = arith.constant 1 : i32
      %add3A_86 = arith.addi %add3A_84, %add3A_85 : i32
      %lt3A_87 = arith.constant 125 : i32
      %lt3A_88 = arith.cmpi slt, %add3A_86, %lt3A_87 : i32
      %convert_element_type3A_89 = arith.extui %lt3A_88 : i1 to i32
      %cond3A_90 = arith.constant 0 : i32
      %cond3A_91 = arith.cmpi ne, %convert_element_type3A_89, %cond3A_90 : i32
      scf.if %cond3A_91 {
        %add3A_98 = arith.constant 1 : i32
        %add3A_99 = arith.addi %add3A_84, %add3A_98 : i32
        %dma_start3A_100 = arith.constant 0 : i32
        %dma_start3A_101 = tpu.memref_slice %arg7[%add3A_99, %dma_start3A_100] : memref<125x80xi32, #tpu.memory_space<vmem>> -> memref<1x80xi32, #tpu.memory_space<vmem>>
        %dma_start3A_102 = tpu.memref_squeeze %dma_start3A_101 : memref<1x80xi32, #tpu.memory_space<vmem>> -> memref<80xi32, #tpu.memory_space<vmem>>
        %dma_start3A_103 = arith.constant 0 : i32
        %dma_start3A_104 = arith.constant 0 : i32
        %dma_start3A_105 = tpu.memref_slice %arg2[%dma_start3A_103, %dma_start3A_104] : memref<10000x128xf32, #tpu.memory_space<hbm>> -> memref<10000x128xf32, #tpu.memory_space<hbm>>
        tpu.enqueue_indirect_dma source(%dma_start3A_105 : memref<10000x128xf32, #tpu.memory_space<hbm>>) target(%arg9 : memref<80x128xf32, #tpu.memory_space<vmem>>) offsets(%dma_start3A_102 : memref<80xi32, #tpu.memory_space<vmem>>) semaphore(%arg12 : memref<!tpu.dma_semaphore, #tpu.memory_space<semaphore_mem>>)
      } else {
      }
      %dma_wait3A_92 = arith.constant 0 : i32
      %dma_wait3A_93 = tpu.memref_slice %arg7[%add3A_84, %dma_wait3A_92] : memref<125x80xi32, #tpu.memory_space<vmem>> -> memref<1x80xi32, #tpu.memory_space<vmem>>
      %dma_wait3A_94 = tpu.memref_squeeze %dma_wait3A_93 : memref<1x80xi32, #tpu.memory_space<vmem>> -> memref<80xi32, #tpu.memory_space<vmem>>
      %dma_wait3A_95 = arith.constant 0 : i32
      %dma_wait3A_96 = arith.constant 0 : i32
      %dma_wait3A_97 = tpu.memref_slice %arg2[%dma_wait3A_95, %dma_wait3A_96] : memref<10000x128xf32, #tpu.memory_space<hbm>> -> memref<10000x128xf32, #tpu.memory_space<hbm>>
      tpu.wait_indirect_dma semaphore(%arg13 : memref<!tpu.dma_semaphore, #tpu.memory_space<semaphore_mem>>) src(%dma_wait3A_97 : memref<10000x128xf32, #tpu.memory_space<hbm>>) dst(%arg10 : memref<80x128xf32, #tpu.memory_space<vmem>>)
      "tpu.region"() ({
        %run_scoped3A_98 = tpu.sem_alloc : memref<!tpu.dma_semaphore, #tpu.memory_space<semaphore_mem>>
        %dma_start3A_99 = arith.constant 0 : i32
        %dma_start3A_100 = tpu.memref_slice %arg8[%add3A_84, %dma_start3A_99] : memref<125x80xi32, #tpu.memory_space<vmem>> -> memref<1x80xi32, #tpu.memory_space<vmem>>
        %dma_start3A_101 = tpu.memref_squeeze %dma_start3A_100 : memref<1x80xi32, #tpu.memory_space<vmem>> -> memref<80xi32, #tpu.memory_space<vmem>>
        %dma_start3A_102 = arith.constant 0 : i32
        %dma_start3A_103 = arith.constant 0 : i32
        %dma_start3A_104 = tpu.memref_slice %arg11[%dma_start3A_102, %dma_start3A_103] : memref<5008x128xf32, #tpu.memory_space<vmem_shared>> -> memref<5008x128xf32, #tpu.memory_space<vmem_shared>>
        tpu.enqueue_indirect_dma source(%arg10 : memref<80x128xf32, #tpu.memory_space<vmem>>) target(%dma_start3A_104 : memref<5008x128xf32, #tpu.memory_space<vmem_shared>>) offsets(%dma_start3A_101 : memref<80xi32, #tpu.memory_space<vmem>>) semaphore(%run_scoped3A_98 : memref<!tpu.dma_semaphore, #tpu.memory_space<semaphore_mem>>) {add = true}
        %dma_wait3A_105 = arith.constant 0 : i32
        %dma_wait3A_106 = tpu.memref_slice %arg8[%add3A_84, %dma_wait3A_105] : memref<125x80xi32, #tpu.memory_space<vmem>> -> memref<1x80xi32, #tpu.memory_space<vmem>>
        %dma_wait3A_107 = tpu.memref_squeeze %dma_wait3A_106 : memref<1x80xi32, #tpu.memory_space<vmem>> -> memref<80xi32, #tpu.memory_space<vmem>>
        %dma_wait3A_108 = arith.constant 0 : i32
        %dma_wait3A_109 = arith.constant 0 : i32
        %dma_wait3A_110 = tpu.memref_slice %arg11[%dma_wait3A_108, %dma_wait3A_109] : memref<5008x128xf32, #tpu.memory_space<vmem_shared>> -> memref<5008x128xf32, #tpu.memory_space<vmem_shared>>
        tpu.wait_indirect_dma semaphore(%run_scoped3A_98 : memref<!tpu.dma_semaphore, #tpu.memory_space<semaphore_mem>>) src(%arg10 : memref<80x128xf32, #tpu.memory_space<vmem>>) dst(%dma_wait3A_110 : memref<5008x128xf32, #tpu.memory_space<vmem_shared>>)
        tpu.yield
      }) : () -> ()
    }
    %scan3A_50 = arith.constant 62 : i32
    %dma_wait3A_51 = arith.constant 124 : i32
    %dma_wait3A_52 = arith.constant 0 : i32
    %dma_wait3A_53 = tpu.memref_slice %arg7[%dma_wait3A_51, %dma_wait3A_52] : memref<125x80xi32, #tpu.memory_space<vmem>> -> memref<1x80xi32, #tpu.memory_space<vmem>>
    %dma_wait3A_54 = tpu.memref_squeeze %dma_wait3A_53 : memref<1x80xi32, #tpu.memory_space<vmem>> -> memref<80xi32, #tpu.memory_space<vmem>>
    %dma_wait3A_55 = arith.constant 0 : i32
    %dma_wait3A_56 = arith.constant 0 : i32
    %dma_wait3A_57 = tpu.memref_slice %arg2[%dma_wait3A_55, %dma_wait3A_56] : memref<10000x128xf32, #tpu.memory_space<hbm>> -> memref<10000x128xf32, #tpu.memory_space<hbm>>
    tpu.wait_indirect_dma semaphore(%arg12 : memref<!tpu.dma_semaphore, #tpu.memory_space<semaphore_mem>>) src(%dma_wait3A_57 : memref<10000x128xf32, #tpu.memory_space<hbm>>) dst(%arg9 : memref<80x128xf32, #tpu.memory_space<vmem>>)
    %run_scoped3A_58 = arith.constant 124 : i32
    "tpu.region"() ({
      %run_scoped3A_65 = tpu.sem_alloc : memref<!tpu.dma_semaphore, #tpu.memory_space<semaphore_mem>>
      %dma_start3A_66 = arith.constant 0 : i32
      %dma_start3A_67 = tpu.memref_slice %arg8[%run_scoped3A_58, %dma_start3A_66] : memref<125x80xi32, #tpu.memory_space<vmem>> -> memref<1x80xi32, #tpu.memory_space<vmem>>
      %dma_start3A_68 = tpu.memref_squeeze %dma_start3A_67 : memref<1x80xi32, #tpu.memory_space<vmem>> -> memref<80xi32, #tpu.memory_space<vmem>>
      %dma_start3A_69 = arith.constant 0 : i32
      %dma_start3A_70 = arith.constant 0 : i32
      %dma_start3A_71 = tpu.memref_slice %arg11[%dma_start3A_69, %dma_start3A_70] : memref<5008x128xf32, #tpu.memory_space<vmem_shared>> -> memref<5008x128xf32, #tpu.memory_space<vmem_shared>>
      tpu.enqueue_indirect_dma source(%arg9 : memref<80x128xf32, #tpu.memory_space<vmem>>) target(%dma_start3A_71 : memref<5008x128xf32, #tpu.memory_space<vmem_shared>>) offsets(%dma_start3A_68 : memref<80xi32, #tpu.memory_space<vmem>>) semaphore(%run_scoped3A_65 : memref<!tpu.dma_semaphore, #tpu.memory_space<semaphore_mem>>) {add = true}
      %dma_wait3A_72 = arith.constant 0 : i32
      %dma_wait3A_73 = tpu.memref_slice %arg8[%run_scoped3A_58, %dma_wait3A_72] : memref<125x80xi32, #tpu.memory_space<vmem>> -> memref<1x80xi32, #tpu.memory_space<vmem>>
      %dma_wait3A_74 = tpu.memref_squeeze %dma_wait3A_73 : memref<1x80xi32, #tpu.memory_space<vmem>> -> memref<80xi32, #tpu.memory_space<vmem>>
      %dma_wait3A_75 = arith.constant 0 : i32
      %dma_wait3A_76 = arith.constant 0 : i32
      %dma_wait3A_77 = tpu.memref_slice %arg11[%dma_wait3A_75, %dma_wait3A_76] : memref<5008x128xf32, #tpu.memory_space<vmem_shared>> -> memref<5008x128xf32, #tpu.memory_space<vmem_shared>>
      tpu.wait_indirect_dma semaphore(%run_scoped3A_65 : memref<!tpu.dma_semaphore, #tpu.memory_space<semaphore_mem>>) src(%arg9 : memref<80x128xf32, #tpu.memory_space<vmem>>) dst(%dma_wait3A_77 : memref<5008x128xf32, #tpu.memory_space<vmem_shared>>)
      tpu.yield
    }) : () -> ()
    %barrier3A_59 = arith.constant 0 : index
    tpu.barrier barrier_id(%barrier3A_59)
    "tpu.region"() ({
      %run_scoped3A_65 = tpu.sem_alloc : memref<!tpu.dma_semaphore, #tpu.memory_space<semaphore_mem>>
      %dma_start3A_66 = arith.constant 0 : i32
      %dma_start3A_67 = tpu.memref_slice %arg6[%arg0, %mul3A_0, %dma_start3A_66] : memref<2x5008x128xf32, #tpu.memory_space<hbm>> -> memref<1x312x128xf32, #tpu.memory_space<hbm>>
      %dma_start3A_68 = tpu.memref_squeeze %dma_start3A_67 : memref<1x312x128xf32, #tpu.memory_space<hbm>> -> memref<312x128xf32, #tpu.memory_space<hbm>>
      %dma_start3A_69 = arith.constant 0 : i32
      %dma_start3A_70 = tpu.memref_slice %arg11[%mul3A_0, %dma_start3A_69] : memref<5008x128xf32, #tpu.memory_space<vmem_shared>> -> memref<312x128xf32, #tpu.memory_space<vmem_shared>>
      tpu.enqueue_dma source(%dma_start3A_70 : memref<312x128xf32, #tpu.memory_space<vmem_shared>>) target(%dma_start3A_68 : memref<312x128xf32, #tpu.memory_space<hbm>>) target_semaphore(%run_scoped3A_65 : memref<!tpu.dma_semaphore, #tpu.memory_space<semaphore_mem>>)
      %dma_wait3A_71 = arith.constant 0 : i32
      %dma_wait3A_72 = tpu.memref_slice %arg6[%arg0, %mul3A_0, %dma_wait3A_71] : memref<2x5008x128xf32, #tpu.memory_space<hbm>> -> memref<1x312x128xf32, #tpu.memory_space<hbm>>
      %dma_wait3A_73 = tpu.memref_squeeze %dma_wait3A_72 : memref<1x312x128xf32, #tpu.memory_space<hbm>> -> memref<312x128xf32, #tpu.memory_space<hbm>>
      %dma_wait3A_74 = arith.constant 0 : i32
      %dma_wait3A_75 = tpu.memref_slice %arg11[%mul3A_0, %dma_wait3A_74] : memref<5008x128xf32, #tpu.memory_space<vmem_shared>> -> memref<312x128xf32, #tpu.memory_space<vmem_shared>>
      tpu.wait_dma2 semaphore(%run_scoped3A_65 : memref<!tpu.dma_semaphore, #tpu.memory_space<semaphore_mem>>) src(%dma_wait3A_75 : memref<312x128xf32, #tpu.memory_space<vmem_shared>>) dst(%dma_wait3A_73 : memref<312x128xf32, #tpu.memory_space<hbm>>)
      tpu.yield
    }) : () -> ()
    %eq3A_60 = arith.constant 15 : i32
    %eq3A_61 = arith.cmpi eq, %arg1, %eq3A_60 : i32
    %convert_element_type3A_62 = arith.extui %eq3A_61 : i1 to i32
    %cond3A_63 = arith.constant 0 : i32
    %cond3A_64 = arith.cmpi ne, %convert_element_type3A_62, %cond3A_63 : i32
    scf.if %cond3A_64 {
      "tpu.region"() ({
        %run_scoped3A_65 = tpu.sem_alloc : memref<!tpu.dma_semaphore, #tpu.memory_space<semaphore_mem>>
        %dma_start3A_66 = arith.constant 4992 : i32
        %dma_start3A_67 = arith.constant 0 : i32
        %dma_start3A_68 = tpu.memref_slice %arg6[%arg0, %dma_start3A_66, %dma_start3A_67] : memref<2x5008x128xf32, #tpu.memory_space<hbm>> -> memref<1x16x128xf32, #tpu.memory_space<hbm>>
        %dma_start3A_69 = tpu.memref_squeeze %dma_start3A_68 : memref<1x16x128xf32, #tpu.memory_space<hbm>> -> memref<16x128xf32, #tpu.memory_space<hbm>>
        %dma_start3A_70 = arith.constant 4992 : i32
        %dma_start3A_71 = arith.constant 0 : i32
        %dma_start3A_72 = tpu.memref_slice %arg11[%dma_start3A_70, %dma_start3A_71] : memref<5008x128xf32, #tpu.memory_space<vmem_shared>> -> memref<16x128xf32, #tpu.memory_space<vmem_shared>>
        tpu.enqueue_dma source(%dma_start3A_72 : memref<16x128xf32, #tpu.memory_space<vmem_shared>>) target(%dma_start3A_69 : memref<16x128xf32, #tpu.memory_space<hbm>>) target_semaphore(%run_scoped3A_65 : memref<!tpu.dma_semaphore, #tpu.memory_space<semaphore_mem>>)
        %dma_wait3A_73 = arith.constant 4992 : i32
        %dma_wait3A_74 = arith.constant 0 : i32
        %dma_wait3A_75 = tpu.memref_slice %arg6[%arg0, %dma_wait3A_73, %dma_wait3A_74] : memref<2x5008x128xf32, #tpu.memory_space<hbm>> -> memref<1x16x128xf32, #tpu.memory_space<hbm>>
        %dma_wait3A_76 = tpu.memref_squeeze %dma_wait3A_75 : memref<1x16x128xf32, #tpu.memory_space<hbm>> -> memref<16x128xf32, #tpu.memory_space<hbm>>
        %dma_wait3A_77 = arith.constant 4992 : i32
        %dma_wait3A_78 = arith.constant 0 : i32
        %dma_wait3A_79 = tpu.memref_slice %arg11[%dma_wait3A_77, %dma_wait3A_78] : memref<5008x128xf32, #tpu.memory_space<vmem_shared>> -> memref<16x128xf32, #tpu.memory_space<vmem_shared>>
        tpu.wait_dma2 semaphore(%run_scoped3A_65 : memref<!tpu.dma_semaphore, #tpu.memory_space<semaphore_mem>>) src(%dma_wait3A_79 : memref<16x128xf32, #tpu.memory_space<vmem_shared>>) dst(%dma_wait3A_76 : memref<16x128xf32, #tpu.memory_space<hbm>>)
        tpu.yield
      }) : () -> ()
    } else {
    }
    return
  }
}

#map = affine_map<(d0, d1) -> (0, 0)>
#map1 = affine_map<(d0, d1) -> (0, 0, 0)>
module attributes {stable_mosaic.version = 14 : i64} {
  func.func @_score_body(%arg0: i32, %arg1: i32, %arg2: memref<10000x128xf32, #tpu.memory_space<hbm>>, %arg3: memref<10000x128xf32, #tpu.memory_space<hbm>>, %arg4: memref<32x125x80xi32, #tpu.memory_space<hbm>>, %arg5: memref<32x125x80xi32, #tpu.memory_space<hbm>>, %arg6: memref<320000x16xf32, #tpu.memory_space<hbm>>, %arg7: memref<125x80xi32, #tpu.memory_space<vmem>>, %arg8: memref<125x80xi32, #tpu.memory_space<vmem>>, %arg9: memref<80x128xf32, #tpu.memory_space<vmem>>, %arg10: memref<80x128xf32, #tpu.memory_space<vmem>>, %arg11: memref<80x128xf32, #tpu.memory_space<vmem>>, %arg12: memref<80x128xf32, #tpu.memory_space<vmem>>, %arg13: memref<80x16xf32, #tpu.memory_space<vmem>>, %arg14: memref<80x16xf32, #tpu.memory_space<vmem>>, %arg15: memref<!tpu.dma_semaphore, #tpu.memory_space<semaphore_mem>>, %arg16: memref<!tpu.dma_semaphore, #tpu.memory_space<semaphore_mem>>, %arg17: memref<!tpu.dma_semaphore, #tpu.memory_space<semaphore_mem>>, %arg18: memref<!tpu.dma_semaphore, #tpu.memory_space<semaphore_mem>>, %arg19: memref<!tpu.dma_semaphore, #tpu.memory_space<semaphore_mem>>, %arg20: memref<!tpu.dma_semaphore, #tpu.memory_space<semaphore_mem>>) attributes {dimension_semantics = [#tpu.dimension_semantics<core_parallel>, #tpu.dimension_semantics<subcore_parallel>], iteration_bounds = array<i64: 2, 16>, scalar_prefetch = 0 : i64, scratch_operands = 14 : i64, tpu.core_type = #tpu.core_type<sc_vector_subcore>, window_params = [{transform_indices = #map}, {transform_indices = #map}, {transform_indices = #map1}, {transform_indices = #map1}, {transform_indices = #map}]} {
    %mul3A = arith.constant 16 : i32
    %mul3A_0 = arith.muli %arg0, %mul3A : i32
    %add3A = arith.addi %mul3A_0, %arg1 : i32
    "tpu.region"() ({
      %run_scoped3A = tpu.sem_alloc : memref<!tpu.dma_semaphore, #tpu.memory_space<semaphore_mem>>
      %dma_start3A_70 = arith.constant 0 : i32
      %dma_start3A_71 = arith.constant 0 : i32
      %dma_start3A_72 = tpu.memref_slice %arg4[%add3A, %dma_start3A_70, %dma_start3A_71] : memref<32x125x80xi32, #tpu.memory_space<hbm>> -> memref<1x125x80xi32, #tpu.memory_space<hbm>>
      %dma_start3A_73 = tpu.memref_squeeze %dma_start3A_72 : memref<1x125x80xi32, #tpu.memory_space<hbm>> -> memref<125x80xi32, #tpu.memory_space<hbm>>
      %dma_start3A_74 = arith.constant 0 : i32
      %dma_start3A_75 = arith.constant 0 : i32
      %dma_start3A_76 = tpu.memref_slice %arg4[%add3A, %dma_start3A_74, %dma_start3A_75] : memref<32x125x80xi32, #tpu.memory_space<hbm>> -> memref<1x125x80xi32, #tpu.memory_space<hbm>>
      %dma_start3A_77 = tpu.memref_squeeze %dma_start3A_76 : memref<1x125x80xi32, #tpu.memory_space<hbm>> -> memref<125x80xi32, #tpu.memory_space<hbm>>
      tpu.enqueue_dma source(%dma_start3A_77 : memref<125x80xi32, #tpu.memory_space<hbm>>) target(%arg7 : memref<125x80xi32, #tpu.memory_space<vmem>>) target_semaphore(%run_scoped3A : memref<!tpu.dma_semaphore, #tpu.memory_space<semaphore_mem>>)
      %dma_wait3A_78 = arith.constant 0 : i32
      %dma_wait3A_79 = arith.constant 0 : i32
      %dma_wait3A_80 = tpu.memref_slice %arg4[%add3A, %dma_wait3A_78, %dma_wait3A_79] : memref<32x125x80xi32, #tpu.memory_space<hbm>> -> memref<1x125x80xi32, #tpu.memory_space<hbm>>
      %dma_wait3A_81 = tpu.memref_squeeze %dma_wait3A_80 : memref<1x125x80xi32, #tpu.memory_space<hbm>> -> memref<125x80xi32, #tpu.memory_space<hbm>>
      %dma_wait3A_82 = arith.constant 0 : i32
      %dma_wait3A_83 = arith.constant 0 : i32
      %dma_wait3A_84 = tpu.memref_slice %arg4[%add3A, %dma_wait3A_82, %dma_wait3A_83] : memref<32x125x80xi32, #tpu.memory_space<hbm>> -> memref<1x125x80xi32, #tpu.memory_space<hbm>>
      %dma_wait3A_85 = tpu.memref_squeeze %dma_wait3A_84 : memref<1x125x80xi32, #tpu.memory_space<hbm>> -> memref<125x80xi32, #tpu.memory_space<hbm>>
      tpu.wait_dma2 semaphore(%run_scoped3A : memref<!tpu.dma_semaphore, #tpu.memory_space<semaphore_mem>>) src(%dma_wait3A_85 : memref<125x80xi32, #tpu.memory_space<hbm>>) dst(%arg7 : memref<125x80xi32, #tpu.memory_space<vmem>>)
      tpu.yield
    }) : () -> ()
    "tpu.region"() ({
      %run_scoped3A = tpu.sem_alloc : memref<!tpu.dma_semaphore, #tpu.memory_space<semaphore_mem>>
      %dma_start3A_70 = arith.constant 0 : i32
      %dma_start3A_71 = arith.constant 0 : i32
      %dma_start3A_72 = tpu.memref_slice %arg5[%add3A, %dma_start3A_70, %dma_start3A_71] : memref<32x125x80xi32, #tpu.memory_space<hbm>> -> memref<1x125x80xi32, #tpu.memory_space<hbm>>
      %dma_start3A_73 = tpu.memref_squeeze %dma_start3A_72 : memref<1x125x80xi32, #tpu.memory_space<hbm>> -> memref<125x80xi32, #tpu.memory_space<hbm>>
      %dma_start3A_74 = arith.constant 0 : i32
      %dma_start3A_75 = arith.constant 0 : i32
      %dma_start3A_76 = tpu.memref_slice %arg5[%add3A, %dma_start3A_74, %dma_start3A_75] : memref<32x125x80xi32, #tpu.memory_space<hbm>> -> memref<1x125x80xi32, #tpu.memory_space<hbm>>
      %dma_start3A_77 = tpu.memref_squeeze %dma_start3A_76 : memref<1x125x80xi32, #tpu.memory_space<hbm>> -> memref<125x80xi32, #tpu.memory_space<hbm>>
      tpu.enqueue_dma source(%dma_start3A_77 : memref<125x80xi32, #tpu.memory_space<hbm>>) target(%arg8 : memref<125x80xi32, #tpu.memory_space<vmem>>) target_semaphore(%run_scoped3A : memref<!tpu.dma_semaphore, #tpu.memory_space<semaphore_mem>>)
      %dma_wait3A_78 = arith.constant 0 : i32
      %dma_wait3A_79 = arith.constant 0 : i32
      %dma_wait3A_80 = tpu.memref_slice %arg5[%add3A, %dma_wait3A_78, %dma_wait3A_79] : memref<32x125x80xi32, #tpu.memory_space<hbm>> -> memref<1x125x80xi32, #tpu.memory_space<hbm>>
      %dma_wait3A_81 = tpu.memref_squeeze %dma_wait3A_80 : memref<1x125x80xi32, #tpu.memory_space<hbm>> -> memref<125x80xi32, #tpu.memory_space<hbm>>
      %dma_wait3A_82 = arith.constant 0 : i32
      %dma_wait3A_83 = arith.constant 0 : i32
      %dma_wait3A_84 = tpu.memref_slice %arg5[%add3A, %dma_wait3A_82, %dma_wait3A_83] : memref<32x125x80xi32, #tpu.memory_space<hbm>> -> memref<1x125x80xi32, #tpu.memory_space<hbm>>
      %dma_wait3A_85 = tpu.memref_squeeze %dma_wait3A_84 : memref<1x125x80xi32, #tpu.memory_space<hbm>> -> memref<125x80xi32, #tpu.memory_space<hbm>>
      tpu.wait_dma2 semaphore(%run_scoped3A : memref<!tpu.dma_semaphore, #tpu.memory_space<semaphore_mem>>) src(%dma_wait3A_85 : memref<125x80xi32, #tpu.memory_space<hbm>>) dst(%arg8 : memref<125x80xi32, #tpu.memory_space<vmem>>)
      tpu.yield
    }) : () -> ()
    %dma_start3A = arith.constant 0 : i32
    %dma_start3A_1 = arith.constant 0 : i32
    %dma_start3A_2 = tpu.memref_slice %arg7[%dma_start3A, %dma_start3A_1] : memref<125x80xi32, #tpu.memory_space<vmem>> -> memref<1x80xi32, #tpu.memory_space<vmem>>
    %dma_start3A_3 = tpu.memref_squeeze %dma_start3A_2 : memref<1x80xi32, #tpu.memory_space<vmem>> -> memref<80xi32, #tpu.memory_space<vmem>>
    %dma_start3A_4 = arith.constant 0 : i32
    %dma_start3A_5 = arith.constant 0 : i32
    %dma_start3A_6 = tpu.memref_slice %arg2[%dma_start3A_4, %dma_start3A_5] : memref<10000x128xf32, #tpu.memory_space<hbm>> -> memref<10000x128xf32, #tpu.memory_space<hbm>>
    tpu.enqueue_indirect_dma source(%dma_start3A_6 : memref<10000x128xf32, #tpu.memory_space<hbm>>) target(%arg9 : memref<80x128xf32, #tpu.memory_space<vmem>>) offsets(%dma_start3A_3 : memref<80xi32, #tpu.memory_space<vmem>>) semaphore(%arg15 : memref<!tpu.dma_semaphore, #tpu.memory_space<semaphore_mem>>)
    %dma_start3A_7 = arith.constant 0 : i32
    %dma_start3A_8 = arith.constant 0 : i32
    %dma_start3A_9 = tpu.memref_slice %arg8[%dma_start3A_7, %dma_start3A_8] : memref<125x80xi32, #tpu.memory_space<vmem>> -> memref<1x80xi32, #tpu.memory_space<vmem>>
    %dma_start3A_10 = tpu.memref_squeeze %dma_start3A_9 : memref<1x80xi32, #tpu.memory_space<vmem>> -> memref<80xi32, #tpu.memory_space<vmem>>
    %dma_start3A_11 = arith.constant 0 : i32
    %dma_start3A_12 = arith.constant 0 : i32
    %dma_start3A_13 = tpu.memref_slice %arg3[%dma_start3A_11, %dma_start3A_12] : memref<10000x128xf32, #tpu.memory_space<hbm>> -> memref<10000x128xf32, #tpu.memory_space<hbm>>
    tpu.enqueue_indirect_dma source(%dma_start3A_13 : memref<10000x128xf32, #tpu.memory_space<hbm>>) target(%arg11 : memref<80x128xf32, #tpu.memory_space<vmem>>) offsets(%dma_start3A_10 : memref<80xi32, #tpu.memory_space<vmem>>) semaphore(%arg17 : memref<!tpu.dma_semaphore, #tpu.memory_space<semaphore_mem>>)
    %scan3A = arith.constant 0 : i32
    %scan3A_14 = arith.constant 0 : i32
    %scan3A_15 = arith.constant 62 : i32
    %scan3A_16 = arith.addi %scan3A_14, %scan3A_15 : i32
    %scan3A_17 = arith.constant 1 : i32
    scf.for %scan3A_70 = %scan3A_14 to %scan3A_16 step %scan3A_17  : i32 {
      %mul3A_71 = arith.constant 2 : i32
      %mul3A_72 = arith.muli %scan3A_70, %mul3A_71 : i32
      %add3A_73 = arith.constant 0 : i32
      %add3A_74 = arith.addi %mul3A_72, %add3A_73 : i32
      %add3A_75 = arith.constant 1 : i32
      %add3A_76 = arith.addi %add3A_74, %add3A_75 : i32
      %lt3A = arith.constant 125 : i32
      %lt3A_77 = arith.cmpi slt, %add3A_76, %lt3A : i32
      %convert_element_type3A = arith.extui %lt3A_77 : i1 to i32
      %cond3A = arith.constant 0 : i32
      %cond3A_78 = arith.cmpi ne, %convert_element_type3A, %cond3A : i32
      scf.if %cond3A_78 {
        %add3A_153 = arith.constant 1 : i32
        %add3A_154 = arith.addi %add3A_74, %add3A_153 : i32
        %dma_start3A_155 = arith.constant 0 : i32
        %dma_start3A_156 = tpu.memref_slice %arg7[%add3A_154, %dma_start3A_155] : memref<125x80xi32, #tpu.memory_space<vmem>> -> memref<1x80xi32, #tpu.memory_space<vmem>>
        %dma_start3A_157 = tpu.memref_squeeze %dma_start3A_156 : memref<1x80xi32, #tpu.memory_space<vmem>> -> memref<80xi32, #tpu.memory_space<vmem>>
        %dma_start3A_158 = arith.constant 0 : i32
        %dma_start3A_159 = arith.constant 0 : i32
        %dma_start3A_160 = tpu.memref_slice %arg2[%dma_start3A_158, %dma_start3A_159] : memref<10000x128xf32, #tpu.memory_space<hbm>> -> memref<10000x128xf32, #tpu.memory_space<hbm>>
        tpu.enqueue_indirect_dma source(%dma_start3A_160 : memref<10000x128xf32, #tpu.memory_space<hbm>>) target(%arg10 : memref<80x128xf32, #tpu.memory_space<vmem>>) offsets(%dma_start3A_157 : memref<80xi32, #tpu.memory_space<vmem>>) semaphore(%arg16 : memref<!tpu.dma_semaphore, #tpu.memory_space<semaphore_mem>>)
        %add3A_161 = arith.constant 1 : i32
        %add3A_162 = arith.addi %add3A_74, %add3A_161 : i32
        %dma_start3A_163 = arith.constant 0 : i32
        %dma_start3A_164 = tpu.memref_slice %arg8[%add3A_162, %dma_start3A_163] : memref<125x80xi32, #tpu.memory_space<vmem>> -> memref<1x80xi32, #tpu.memory_space<vmem>>
        %dma_start3A_165 = tpu.memref_squeeze %dma_start3A_164 : memref<1x80xi32, #tpu.memory_space<vmem>> -> memref<80xi32, #tpu.memory_space<vmem>>
        %dma_start3A_166 = arith.constant 0 : i32
        %dma_start3A_167 = arith.constant 0 : i32
        %dma_start3A_168 = tpu.memref_slice %arg3[%dma_start3A_166, %dma_start3A_167] : memref<10000x128xf32, #tpu.memory_space<hbm>> -> memref<10000x128xf32, #tpu.memory_space<hbm>>
        tpu.enqueue_indirect_dma source(%dma_start3A_168 : memref<10000x128xf32, #tpu.memory_space<hbm>>) target(%arg12 : memref<80x128xf32, #tpu.memory_space<vmem>>) offsets(%dma_start3A_165 : memref<80xi32, #tpu.memory_space<vmem>>) semaphore(%arg18 : memref<!tpu.dma_semaphore, #tpu.memory_space<semaphore_mem>>)
      } else {
      }
      %dma_wait3A_79 = arith.constant 0 : i32
      %dma_wait3A_80 = tpu.memref_slice %arg7[%add3A_74, %dma_wait3A_79] : memref<125x80xi32, #tpu.memory_space<vmem>> -> memref<1x80xi32, #tpu.memory_space<vmem>>
      %dma_wait3A_81 = tpu.memref_squeeze %dma_wait3A_80 : memref<1x80xi32, #tpu.memory_space<vmem>> -> memref<80xi32, #tpu.memory_space<vmem>>
      %dma_wait3A_82 = arith.constant 0 : i32
      %dma_wait3A_83 = arith.constant 0 : i32
      %dma_wait3A_84 = tpu.memref_slice %arg2[%dma_wait3A_82, %dma_wait3A_83] : memref<10000x128xf32, #tpu.memory_space<hbm>> -> memref<10000x128xf32, #tpu.memory_space<hbm>>
      tpu.wait_indirect_dma semaphore(%arg15 : memref<!tpu.dma_semaphore, #tpu.memory_space<semaphore_mem>>) src(%dma_wait3A_84 : memref<10000x128xf32, #tpu.memory_space<hbm>>) dst(%arg9 : memref<80x128xf32, #tpu.memory_space<vmem>>)
      %dma_wait3A_85 = arith.constant 0 : i32
      %dma_wait3A_86 = tpu.memref_slice %arg8[%add3A_74, %dma_wait3A_85] : memref<125x80xi32, #tpu.memory_space<vmem>> -> memref<1x80xi32, #tpu.memory_space<vmem>>
      %dma_wait3A_87 = tpu.memref_squeeze %dma_wait3A_86 : memref<1x80xi32, #tpu.memory_space<vmem>> -> memref<80xi32, #tpu.memory_space<vmem>>
      %dma_wait3A_88 = arith.constant 0 : i32
      %dma_wait3A_89 = arith.constant 0 : i32
      %dma_wait3A_90 = tpu.memref_slice %arg3[%dma_wait3A_88, %dma_wait3A_89] : memref<10000x128xf32, #tpu.memory_space<hbm>> -> memref<10000x128xf32, #tpu.memory_space<hbm>>
      tpu.wait_indirect_dma semaphore(%arg17 : memref<!tpu.dma_semaphore, #tpu.memory_space<semaphore_mem>>) src(%dma_wait3A_90 : memref<10000x128xf32, #tpu.memory_space<hbm>>) dst(%arg11 : memref<80x128xf32, #tpu.memory_space<vmem>>)
      %ge3A = arith.constant 2 : i32
      %ge3A_91 = arith.cmpi sge, %add3A_74, %ge3A : i32
      %convert_element_type3A_92 = arith.extui %ge3A_91 : i1 to i32
      %cond3A_93 = arith.constant 0 : i32
      %cond3A_94 = arith.cmpi ne, %convert_element_type3A_92, %cond3A_93 : i32
      scf.if %cond3A_94 {
        %mul3A_153 = arith.constant 10000 : i32
        %mul3A_154 = arith.muli %add3A, %mul3A_153 : i32
        %sub3A = arith.constant 2 : i32
        %sub3A_155 = arith.subi %add3A_74, %sub3A : i32
        %mul3A_156 = arith.constant 80 : i32
        %mul3A_157 = arith.muli %sub3A_155, %mul3A_156 : i32
        %add3A_158 = arith.addi %mul3A_154, %mul3A_157 : i32
        %dma_wait3A_159 = arith.constant 0 : i32
        %dma_wait3A_160 = tpu.memref_slice %arg6[%add3A_158, %dma_wait3A_159] : memref<320000x16xf32, #tpu.memory_space<hbm>> -> memref<80x16xf32, #tpu.memory_space<hbm>>
        %dma_wait3A_161 = arith.constant 0 : i32
        %dma_wait3A_162 = tpu.memref_slice %arg6[%add3A_158, %dma_wait3A_161] : memref<320000x16xf32, #tpu.memory_space<hbm>> -> memref<80x16xf32, #tpu.memory_space<hbm>>
        tpu.wait_dma2 semaphore(%arg19 : memref<!tpu.dma_semaphore, #tpu.memory_space<semaphore_mem>>) src(%arg13 : memref<80x16xf32, #tpu.memory_space<vmem>>) dst(%dma_wait3A_162 : memref<80x16xf32, #tpu.memory_space<hbm>>)
      } else {
      }
      %scan3A_95 = arith.constant 0 : i32
      %scan3A_96 = arith.constant 0 : i32
      %scan3A_97 = arith.constant 20 : i32
      %scan3A_98 = arith.addi %scan3A_96, %scan3A_97 : i32
      %scan3A_99 = arith.constant 1 : i32
      scf.for %scan3A_153 = %scan3A_96 to %scan3A_98 step %scan3A_99  : i32 {
        %mul3A_154 = arith.constant 4 : i32
        %mul3A_155 = arith.muli %scan3A_153, %mul3A_154 : i32
        %add3A_156 = arith.constant 0 : i32
        %add3A_157 = arith.addi %mul3A_155, %add3A_156 : i32
        %get3A = arith.index_cast %add3A_157 : i32 to index
        %get3A_158 = arith.constant 0 : index
        %get3A_159 = tpu.vector_load %arg9[%get3A, %get3A_158] {strides = array<i32>} : memref<80x128xf32, #tpu.memory_space<vmem>>, vector<16xf32>,
        %get3A_160 = arith.index_cast %add3A_157 : i32 to index
        %get3A_161 = arith.constant 0 : index
        %get3A_162 = tpu.vector_load %arg11[%get3A_160, %get3A_161] {strides = array<i32>} : memref<80x128xf32, #tpu.memory_space<vmem>>, vector<16xf32>,
        %mul3A_163 = arith.mulf %get3A_159, %get3A_162 : vector<16xf32>
        %get3A_164 = arith.index_cast %add3A_157 : i32 to index
        %get3A_165 = arith.constant 16 : index
        %get3A_166 = tpu.vector_load %arg9[%get3A_164, %get3A_165] {strides = array<i32>} : memref<80x128xf32, #tpu.memory_space<vmem>>, vector<16xf32>,
        %get3A_167 = arith.index_cast %add3A_157 : i32 to index
        %get3A_168 = arith.constant 16 : index
        %get3A_169 = tpu.vector_load %arg11[%get3A_167, %get3A_168] {strides = array<i32>} : memref<80x128xf32, #tpu.memory_space<vmem>>, vector<16xf32>,
        %mul3A_170 = arith.mulf %get3A_166, %get3A_169 : vector<16xf32>
        %add3A_171 = arith.addf %mul3A_163, %mul3A_170 : vector<16xf32>
        %get3A_172 = arith.index_cast %add3A_157 : i32 to index
        %get3A_173 = arith.constant 32 : index
        %get3A_174 = tpu.vector_load %arg9[%get3A_172, %get3A_173] {strides = array<i32>} : memref<80x128xf32, #tpu.memory_space<vmem>>, vector<16xf32>,
        %get3A_175 = arith.index_cast %add3A_157 : i32 to index
        %get3A_176 = arith.constant 32 : index
        %get3A_177 = tpu.vector_load %arg11[%get3A_175, %get3A_176] {strides = array<i32>} : memref<80x128xf32, #tpu.memory_space<vmem>>, vector<16xf32>,
        %mul3A_178 = arith.mulf %get3A_174, %get3A_177 : vector<16xf32>
        %add3A_179 = arith.addf %add3A_171, %mul3A_178 : vector<16xf32>
        %get3A_180 = arith.index_cast %add3A_157 : i32 to index
        %get3A_181 = arith.constant 48 : index
        %get3A_182 = tpu.vector_load %arg9[%get3A_180, %get3A_181] {strides = array<i32>} : memref<80x128xf32, #tpu.memory_space<vmem>>, vector<16xf32>,
        %get3A_183 = arith.index_cast %add3A_157 : i32 to index
        %get3A_184 = arith.constant 48 : index
        %get3A_185 = tpu.vector_load %arg11[%get3A_183, %get3A_184] {strides = array<i32>} : memref<80x128xf32, #tpu.memory_space<vmem>>, vector<16xf32>,
        %mul3A_186 = arith.mulf %get3A_182, %get3A_185 : vector<16xf32>
        %add3A_187 = arith.addf %add3A_179, %mul3A_186 : vector<16xf32>
        %get3A_188 = arith.index_cast %add3A_157 : i32 to index
        %get3A_189 = arith.constant 64 : index
        %get3A_190 = tpu.vector_load %arg9[%get3A_188, %get3A_189] {strides = array<i32>} : memref<80x128xf32, #tpu.memory_space<vmem>>, vector<16xf32>,
        %get3A_191 = arith.index_cast %add3A_157 : i32 to index
        %get3A_192 = arith.constant 64 : index
        %get3A_193 = tpu.vector_load %arg11[%get3A_191, %get3A_192] {strides = array<i32>} : memref<80x128xf32, #tpu.memory_space<vmem>>, vector<16xf32>,
        %mul3A_194 = arith.mulf %get3A_190, %get3A_193 : vector<16xf32>
        %add3A_195 = arith.addf %add3A_187, %mul3A_194 : vector<16xf32>
        %get3A_196 = arith.index_cast %add3A_157 : i32 to index
        %get3A_197 = arith.constant 80 : index
        %get3A_198 = tpu.vector_load %arg9[%get3A_196, %get3A_197] {strides = array<i32>} : memref<80x128xf32, #tpu.memory_space<vmem>>, vector<16xf32>,
        %get3A_199 = arith.index_cast %add3A_157 : i32 to index
        %get3A_200 = arith.constant 80 : index
        %get3A_201 = tpu.vector_load %arg11[%get3A_199, %get3A_200] {strides = array<i32>} : memref<80x128xf32, #tpu.memory_space<vmem>>, vector<16xf32>,
        %mul3A_202 = arith.mulf %get3A_198, %get3A_201 : vector<16xf32>
        %add3A_203 = arith.addf %add3A_195, %mul3A_202 : vector<16xf32>
        %get3A_204 = arith.index_cast %add3A_157 : i32 to index
        %get3A_205 = arith.constant 96 : index
        %get3A_206 = tpu.vector_load %arg9[%get3A_204, %get3A_205] {strides = array<i32>} : memref<80x128xf32, #tpu.memory_space<vmem>>, vector<16xf32>,
        %get3A_207 = arith.index_cast %add3A_157 : i32 to index
        %get3A_208 = arith.constant 96 : index
        %get3A_209 = tpu.vector_load %arg11[%get3A_207, %get3A_208] {strides = array<i32>} : memref<80x128xf32, #tpu.memory_space<vmem>>, vector<16xf32>,
        %mul3A_210 = arith.mulf %get3A_206, %get3A_209 : vector<16xf32>
        %add3A_211 = arith.addf %add3A_203, %mul3A_210 : vector<16xf32>
        %get3A_212 = arith.index_cast %add3A_157 : i32 to index
        %get3A_213 = arith.constant 112 : index
        %get3A_214 = tpu.vector_load %arg9[%get3A_212, %get3A_213] {strides = array<i32>} : memref<80x128xf32, #tpu.memory_space<vmem>>, vector<16xf32>,
        %get3A_215 = arith.index_cast %add3A_157 : i32 to index
        %get3A_216 = arith.constant 112 : index
        %get3A_217 = tpu.vector_load %arg11[%get3A_215, %get3A_216] {strides = array<i32>} : memref<80x128xf32, #tpu.memory_space<vmem>>, vector<16xf32>,
        %mul3A_218 = arith.mulf %get3A_214, %get3A_217 : vector<16xf32>
        %add3A_219 = arith.addf %add3A_211, %mul3A_218 : vector<16xf32>
        %swap3A = arith.index_cast %add3A_157 : i32 to index
        %swap3A_220 = arith.constant 0 : index
        %swap3A_221 = tpu.vector_load %arg13[%swap3A, %swap3A_220] {strides = array<i32>} : memref<80x16xf32, #tpu.memory_space<vmem>>, vector<16xf32>,
        tpu.vector_store %arg13[%swap3A, %swap3A_220], %add3A_219 {strides = array<i32>} : memref<80x16xf32, #tpu.memory_space<vmem>>, vector<16xf32>,
        %mul3A_222 = arith.constant 4 : i32
        %mul3A_223 = arith.muli %scan3A_153, %mul3A_222 : i32
        %add3A_224 = arith.constant 1 : i32
        %add3A_225 = arith.addi %mul3A_223, %add3A_224 : i32
        %get3A_226 = arith.index_cast %add3A_225 : i32 to index
        %get3A_227 = arith.constant 0 : index
        %get3A_228 = tpu.vector_load %arg9[%get3A_226, %get3A_227] {strides = array<i32>} : memref<80x128xf32, #tpu.memory_space<vmem>>, vector<16xf32>,
        %get3A_229 = arith.index_cast %add3A_225 : i32 to index
        %get3A_230 = arith.constant 0 : index
        %get3A_231 = tpu.vector_load %arg11[%get3A_229, %get3A_230] {strides = array<i32>} : memref<80x128xf32, #tpu.memory_space<vmem>>, vector<16xf32>,
        %mul3A_232 = arith.mulf %get3A_228, %get3A_231 : vector<16xf32>
        %get3A_233 = arith.index_cast %add3A_225 : i32 to index
        %get3A_234 = arith.constant 16 : index
        %get3A_235 = tpu.vector_load %arg9[%get3A_233, %get3A_234] {strides = array<i32>} : memref<80x128xf32, #tpu.memory_space<vmem>>, vector<16xf32>,
        %get3A_236 = arith.index_cast %add3A_225 : i32 to index
        %get3A_237 = arith.constant 16 : index
        %get3A_238 = tpu.vector_load %arg11[%get3A_236, %get3A_237] {strides = array<i32>} : memref<80x128xf32, #tpu.memory_space<vmem>>, vector<16xf32>,
        %mul3A_239 = arith.mulf %get3A_235, %get3A_238 : vector<16xf32>
        %add3A_240 = arith.addf %mul3A_232, %mul3A_239 : vector<16xf32>
        %get3A_241 = arith.index_cast %add3A_225 : i32 to index
        %get3A_242 = arith.constant 32 : index
        %get3A_243 = tpu.vector_load %arg9[%get3A_241, %get3A_242] {strides = array<i32>} : memref<80x128xf32, #tpu.memory_space<vmem>>, vector<16xf32>,
        %get3A_244 = arith.index_cast %add3A_225 : i32 to index
        %get3A_245 = arith.constant 32 : index
        %get3A_246 = tpu.vector_load %arg11[%get3A_244, %get3A_245] {strides = array<i32>} : memref<80x128xf32, #tpu.memory_space<vmem>>, vector<16xf32>,
        %mul3A_247 = arith.mulf %get3A_243, %get3A_246 : vector<16xf32>
        %add3A_248 = arith.addf %add3A_240, %mul3A_247 : vector<16xf32>
        %get3A_249 = arith.index_cast %add3A_225 : i32 to index
        %get3A_250 = arith.constant 48 : index
        %get3A_251 = tpu.vector_load %arg9[%get3A_249, %get3A_250] {strides = array<i32>} : memref<80x128xf32, #tpu.memory_space<vmem>>, vector<16xf32>,
        %get3A_252 = arith.index_cast %add3A_225 : i32 to index
        %get3A_253 = arith.constant 48 : index
        %get3A_254 = tpu.vector_load %arg11[%get3A_252, %get3A_253] {strides = array<i32>} : memref<80x128xf32, #tpu.memory_space<vmem>>, vector<16xf32>,
        %mul3A_255 = arith.mulf %get3A_251, %get3A_254 : vector<16xf32>
        %add3A_256 = arith.addf %add3A_248, %mul3A_255 : vector<16xf32>
        %get3A_257 = arith.index_cast %add3A_225 : i32 to index
        %get3A_258 = arith.constant 64 : index
        %get3A_259 = tpu.vector_load %arg9[%get3A_257, %get3A_258] {strides = array<i32>} : memref<80x128xf32, #tpu.memory_space<vmem>>, vector<16xf32>,
        %get3A_260 = arith.index_cast %add3A_225 : i32 to index
        %get3A_261 = arith.constant 64 : index
        %get3A_262 = tpu.vector_load %arg11[%get3A_260, %get3A_261] {strides = array<i32>} : memref<80x128xf32, #tpu.memory_space<vmem>>, vector<16xf32>,
        %mul3A_263 = arith.mulf %get3A_259, %get3A_262 : vector<16xf32>
        %add3A_264 = arith.addf %add3A_256, %mul3A_263 : vector<16xf32>
        %get3A_265 = arith.index_cast %add3A_225 : i32 to index
        %get3A_266 = arith.constant 80 : index
        %get3A_267 = tpu.vector_load %arg9[%get3A_265, %get3A_266] {strides = array<i32>} : memref<80x128xf32, #tpu.memory_space<vmem>>, vector<16xf32>,
        %get3A_268 = arith.index_cast %add3A_225 : i32 to index
        %get3A_269 = arith.constant 80 : index
        %get3A_270 = tpu.vector_load %arg11[%get3A_268, %get3A_269] {strides = array<i32>} : memref<80x128xf32, #tpu.memory_space<vmem>>, vector<16xf32>,
        %mul3A_271 = arith.mulf %get3A_267, %get3A_270 : vector<16xf32>
        %add3A_272 = arith.addf %add3A_264, %mul3A_271 : vector<16xf32>
        %get3A_273 = arith.index_cast %add3A_225 : i32 to index
        %get3A_274 = arith.constant 96 : index
        %get3A_275 = tpu.vector_load %arg9[%get3A_273, %get3A_274] {strides = array<i32>} : memref<80x128xf32, #tpu.memory_space<vmem>>, vector<16xf32>,
        %get3A_276 = arith.index_cast %add3A_225 : i32 to index
        %get3A_277 = arith.constant 96 : index
        %get3A_278 = tpu.vector_load %arg11[%get3A_276, %get3A_277] {strides = array<i32>} : memref<80x128xf32, #tpu.memory_space<vmem>>, vector<16xf32>,
        %mul3A_279 = arith.mulf %get3A_275, %get3A_278 : vector<16xf32>
        %add3A_280 = arith.addf %add3A_272, %mul3A_279 : vector<16xf32>
        %get3A_281 = arith.index_cast %add3A_225 : i32 to index
        %get3A_282 = arith.constant 112 : index
        %get3A_283 = tpu.vector_load %arg9[%get3A_281, %get3A_282] {strides = array<i32>} : memref<80x128xf32, #tpu.memory_space<vmem>>, vector<16xf32>,
        %get3A_284 = arith.index_cast %add3A_225 : i32 to index
        %get3A_285 = arith.constant 112 : index
        %get3A_286 = tpu.vector_load %arg11[%get3A_284, %get3A_285] {strides = array<i32>} : memref<80x128xf32, #tpu.memory_space<vmem>>, vector<16xf32>,
        %mul3A_287 = arith.mulf %get3A_283, %get3A_286 : vector<16xf32>
        %add3A_288 = arith.addf %add3A_280, %mul3A_287 : vector<16xf32>
        %swap3A_289 = arith.index_cast %add3A_225 : i32 to index
        %swap3A_290 = arith.constant 0 : index
        %swap3A_291 = tpu.vector_load %arg13[%swap3A_289, %swap3A_290] {strides = array<i32>} : memref<80x16xf32, #tpu.memory_space<vmem>>, vector<16xf32>,
        tpu.vector_store %arg13[%swap3A_289, %swap3A_290], %add3A_288 {strides = array<i32>} : memref<80x16xf32, #tpu.memory_space<vmem>>, vector<16xf32>,
        %mul3A_292 = arith.constant 4 : i32
        %mul3A_293 = arith.muli %scan3A_153, %mul3A_292 : i32
        %add3A_294 = arith.constant 2 : i32
        %add3A_295 = arith.addi %mul3A_293, %add3A_294 : i32
        %get3A_296 = arith.index_cast %add3A_295 : i32 to index
        %get3A_297 = arith.constant 0 : index
        %get3A_298 = tpu.vector_load %arg9[%get3A_296, %get3A_297] {strides = array<i32>} : memref<80x128xf32, #tpu.memory_space<vmem>>, vector<16xf32>,
        %get3A_299 = arith.index_cast %add3A_295 : i32 to index
        %get3A_300 = arith.constant 0 : index
        %get3A_301 = tpu.vector_load %arg11[%get3A_299, %get3A_300] {strides = array<i32>} : memref<80x128xf32, #tpu.memory_space<vmem>>, vector<16xf32>,
        %mul3A_302 = arith.mulf %get3A_298, %get3A_301 : vector<16xf32>
        %get3A_303 = arith.index_cast %add3A_295 : i32 to index
        %get3A_304 = arith.constant 16 : index
        %get3A_305 = tpu.vector_load %arg9[%get3A_303, %get3A_304] {strides = array<i32>} : memref<80x128xf32, #tpu.memory_space<vmem>>, vector<16xf32>,
        %get3A_306 = arith.index_cast %add3A_295 : i32 to index
        %get3A_307 = arith.constant 16 : index
        %get3A_308 = tpu.vector_load %arg11[%get3A_306, %get3A_307] {strides = array<i32>} : memref<80x128xf32, #tpu.memory_space<vmem>>, vector<16xf32>,
        %mul3A_309 = arith.mulf %get3A_305, %get3A_308 : vector<16xf32>
        %add3A_310 = arith.addf %mul3A_302, %mul3A_309 : vector<16xf32>
        %get3A_311 = arith.index_cast %add3A_295 : i32 to index
        %get3A_312 = arith.constant 32 : index
        %get3A_313 = tpu.vector_load %arg9[%get3A_311, %get3A_312] {strides = array<i32>} : memref<80x128xf32, #tpu.memory_space<vmem>>, vector<16xf32>,
        %get3A_314 = arith.index_cast %add3A_295 : i32 to index
        %get3A_315 = arith.constant 32 : index
        %get3A_316 = tpu.vector_load %arg11[%get3A_314, %get3A_315] {strides = array<i32>} : memref<80x128xf32, #tpu.memory_space<vmem>>, vector<16xf32>,
        %mul3A_317 = arith.mulf %get3A_313, %get3A_316 : vector<16xf32>
        %add3A_318 = arith.addf %add3A_310, %mul3A_317 : vector<16xf32>
        %get3A_319 = arith.index_cast %add3A_295 : i32 to index
        %get3A_320 = arith.constant 48 : index
        %get3A_321 = tpu.vector_load %arg9[%get3A_319, %get3A_320] {strides = array<i32>} : memref<80x128xf32, #tpu.memory_space<vmem>>, vector<16xf32>,
        %get3A_322 = arith.index_cast %add3A_295 : i32 to index
        %get3A_323 = arith.constant 48 : index
        %get3A_324 = tpu.vector_load %arg11[%get3A_322, %get3A_323] {strides = array<i32>} : memref<80x128xf32, #tpu.memory_space<vmem>>, vector<16xf32>,
        %mul3A_325 = arith.mulf %get3A_321, %get3A_324 : vector<16xf32>
        %add3A_326 = arith.addf %add3A_318, %mul3A_325 : vector<16xf32>
        %get3A_327 = arith.index_cast %add3A_295 : i32 to index
        %get3A_328 = arith.constant 64 : index
        %get3A_329 = tpu.vector_load %arg9[%get3A_327, %get3A_328] {strides = array<i32>} : memref<80x128xf32, #tpu.memory_space<vmem>>, vector<16xf32>,
        %get3A_330 = arith.index_cast %add3A_295 : i32 to index
        %get3A_331 = arith.constant 64 : index
        %get3A_332 = tpu.vector_load %arg11[%get3A_330, %get3A_331] {strides = array<i32>} : memref<80x128xf32, #tpu.memory_space<vmem>>, vector<16xf32>,
        %mul3A_333 = arith.mulf %get3A_329, %get3A_332 : vector<16xf32>
        %add3A_334 = arith.addf %add3A_326, %mul3A_333 : vector<16xf32>
        %get3A_335 = arith.index_cast %add3A_295 : i32 to index
        %get3A_336 = arith.constant 80 : index
        %get3A_337 = tpu.vector_load %arg9[%get3A_335, %get3A_336] {strides = array<i32>} : memref<80x128xf32, #tpu.memory_space<vmem>>, vector<16xf32>,
        %get3A_338 = arith.index_cast %add3A_295 : i32 to index
        %get3A_339 = arith.constant 80 : index
        %get3A_340 = tpu.vector_load %arg11[%get3A_338, %get3A_339] {strides = array<i32>} : memref<80x128xf32, #tpu.memory_space<vmem>>, vector<16xf32>,
        %mul3A_341 = arith.mulf %get3A_337, %get3A_340 : vector<16xf32>
        %add3A_342 = arith.addf %add3A_334, %mul3A_341 : vector<16xf32>
        %get3A_343 = arith.index_cast %add3A_295 : i32 to index
        %get3A_344 = arith.constant 96 : index
        %get3A_345 = tpu.vector_load %arg9[%get3A_343, %get3A_344] {strides = array<i32>} : memref<80x128xf32, #tpu.memory_space<vmem>>, vector<16xf32>,
        %get3A_346 = arith.index_cast %add3A_295 : i32 to index
        %get3A_347 = arith.constant 96 : index
        %get3A_348 = tpu.vector_load %arg11[%get3A_346, %get3A_347] {strides = array<i32>} : memref<80x128xf32, #tpu.memory_space<vmem>>, vector<16xf32>,
        %mul3A_349 = arith.mulf %get3A_345, %get3A_348 : vector<16xf32>
        %add3A_350 = arith.addf %add3A_342, %mul3A_349 : vector<16xf32>
        %get3A_351 = arith.index_cast %add3A_295 : i32 to index
        %get3A_352 = arith.constant 112 : index
        %get3A_353 = tpu.vector_load %arg9[%get3A_351, %get3A_352] {strides = array<i32>} : memref<80x128xf32, #tpu.memory_space<vmem>>, vector<16xf32>,
        %get3A_354 = arith.index_cast %add3A_295 : i32 to index
        %get3A_355 = arith.constant 112 : index
        %get3A_356 = tpu.vector_load %arg11[%get3A_354, %get3A_355] {strides = array<i32>} : memref<80x128xf32, #tpu.memory_space<vmem>>, vector<16xf32>,
        %mul3A_357 = arith.mulf %get3A_353, %get3A_356 : vector<16xf32>
        %add3A_358 = arith.addf %add3A_350, %mul3A_357 : vector<16xf32>
        %swap3A_359 = arith.index_cast %add3A_295 : i32 to index
        %swap3A_360 = arith.constant 0 : index
        %swap3A_361 = tpu.vector_load %arg13[%swap3A_359, %swap3A_360] {strides = array<i32>} : memref<80x16xf32, #tpu.memory_space<vmem>>, vector<16xf32>,
        tpu.vector_store %arg13[%swap3A_359, %swap3A_360], %add3A_358 {strides = array<i32>} : memref<80x16xf32, #tpu.memory_space<vmem>>, vector<16xf32>,
        %mul3A_362 = arith.constant 4 : i32
        %mul3A_363 = arith.muli %scan3A_153, %mul3A_362 : i32
        %add3A_364 = arith.constant 3 : i32
        %add3A_365 = arith.addi %mul3A_363, %add3A_364 : i32
        %get3A_366 = arith.index_cast %add3A_365 : i32 to index
        %get3A_367 = arith.constant 0 : index
        %get3A_368 = tpu.vector_load %arg9[%get3A_366, %get3A_367] {strides = array<i32>} : memref<80x128xf32, #tpu.memory_space<vmem>>, vector<16xf32>,
        %get3A_369 = arith.index_cast %add3A_365 : i32 to index
        %get3A_370 = arith.constant 0 : index
        %get3A_371 = tpu.vector_load %arg11[%get3A_369, %get3A_370] {strides = array<i32>} : memref<80x128xf32, #tpu.memory_space<vmem>>, vector<16xf32>,
        %mul3A_372 = arith.mulf %get3A_368, %get3A_371 : vector<16xf32>
        %get3A_373 = arith.index_cast %add3A_365 : i32 to index
        %get3A_374 = arith.constant 16 : index
        %get3A_375 = tpu.vector_load %arg9[%get3A_373, %get3A_374] {strides = array<i32>} : memref<80x128xf32, #tpu.memory_space<vmem>>, vector<16xf32>,
        %get3A_376 = arith.index_cast %add3A_365 : i32 to index
        %get3A_377 = arith.constant 16 : index
        %get3A_378 = tpu.vector_load %arg11[%get3A_376, %get3A_377] {strides = array<i32>} : memref<80x128xf32, #tpu.memory_space<vmem>>, vector<16xf32>,
        %mul3A_379 = arith.mulf %get3A_375, %get3A_378 : vector<16xf32>
        %add3A_380 = arith.addf %mul3A_372, %mul3A_379 : vector<16xf32>
        %get3A_381 = arith.index_cast %add3A_365 : i32 to index
        %get3A_382 = arith.constant 32 : index
        %get3A_383 = tpu.vector_load %arg9[%get3A_381, %get3A_382] {strides = array<i32>} : memref<80x128xf32, #tpu.memory_space<vmem>>, vector<16xf32>,
        %get3A_384 = arith.index_cast %add3A_365 : i32 to index
        %get3A_385 = arith.constant 32 : index
        %get3A_386 = tpu.vector_load %arg11[%get3A_384, %get3A_385] {strides = array<i32>} : memref<80x128xf32, #tpu.memory_space<vmem>>, vector<16xf32>,
        %mul3A_387 = arith.mulf %get3A_383, %get3A_386 : vector<16xf32>
        %add3A_388 = arith.addf %add3A_380, %mul3A_387 : vector<16xf32>
        %get3A_389 = arith.index_cast %add3A_365 : i32 to index
        %get3A_390 = arith.constant 48 : index
        %get3A_391 = tpu.vector_load %arg9[%get3A_389, %get3A_390] {strides = array<i32>} : memref<80x128xf32, #tpu.memory_space<vmem>>, vector<16xf32>,
        %get3A_392 = arith.index_cast %add3A_365 : i32 to index
        %get3A_393 = arith.constant 48 : index
        %get3A_394 = tpu.vector_load %arg11[%get3A_392, %get3A_393] {strides = array<i32>} : memref<80x128xf32, #tpu.memory_space<vmem>>, vector<16xf32>,
        %mul3A_395 = arith.mulf %get3A_391, %get3A_394 : vector<16xf32>
        %add3A_396 = arith.addf %add3A_388, %mul3A_395 : vector<16xf32>
        %get3A_397 = arith.index_cast %add3A_365 : i32 to index
        %get3A_398 = arith.constant 64 : index
        %get3A_399 = tpu.vector_load %arg9[%get3A_397, %get3A_398] {strides = array<i32>} : memref<80x128xf32, #tpu.memory_space<vmem>>, vector<16xf32>,
        %get3A_400 = arith.index_cast %add3A_365 : i32 to index
        %get3A_401 = arith.constant 64 : index
        %get3A_402 = tpu.vector_load %arg11[%get3A_400, %get3A_401] {strides = array<i32>} : memref<80x128xf32, #tpu.memory_space<vmem>>, vector<16xf32>,
        %mul3A_403 = arith.mulf %get3A_399, %get3A_402 : vector<16xf32>
        %add3A_404 = arith.addf %add3A_396, %mul3A_403 : vector<16xf32>
        %get3A_405 = arith.index_cast %add3A_365 : i32 to index
        %get3A_406 = arith.constant 80 : index
        %get3A_407 = tpu.vector_load %arg9[%get3A_405, %get3A_406] {strides = array<i32>} : memref<80x128xf32, #tpu.memory_space<vmem>>, vector<16xf32>,
        %get3A_408 = arith.index_cast %add3A_365 : i32 to index
        %get3A_409 = arith.constant 80 : index
        %get3A_410 = tpu.vector_load %arg11[%get3A_408, %get3A_409] {strides = array<i32>} : memref<80x128xf32, #tpu.memory_space<vmem>>, vector<16xf32>,
        %mul3A_411 = arith.mulf %get3A_407, %get3A_410 : vector<16xf32>
        %add3A_412 = arith.addf %add3A_404, %mul3A_411 : vector<16xf32>
        %get3A_413 = arith.index_cast %add3A_365 : i32 to index
        %get3A_414 = arith.constant 96 : index
        %get3A_415 = tpu.vector_load %arg9[%get3A_413, %get3A_414] {strides = array<i32>} : memref<80x128xf32, #tpu.memory_space<vmem>>, vector<16xf32>,
        %get3A_416 = arith.index_cast %add3A_365 : i32 to index
        %get3A_417 = arith.constant 96 : index
        %get3A_418 = tpu.vector_load %arg11[%get3A_416, %get3A_417] {strides = array<i32>} : memref<80x128xf32, #tpu.memory_space<vmem>>, vector<16xf32>,
        %mul3A_419 = arith.mulf %get3A_415, %get3A_418 : vector<16xf32>
        %add3A_420 = arith.addf %add3A_412, %mul3A_419 : vector<16xf32>
        %get3A_421 = arith.index_cast %add3A_365 : i32 to index
        %get3A_422 = arith.constant 112 : index
        %get3A_423 = tpu.vector_load %arg9[%get3A_421, %get3A_422] {strides = array<i32>} : memref<80x128xf32, #tpu.memory_space<vmem>>, vector<16xf32>,
        %get3A_424 = arith.index_cast %add3A_365 : i32 to index
        %get3A_425 = arith.constant 112 : index
        %get3A_426 = tpu.vector_load %arg11[%get3A_424, %get3A_425] {strides = array<i32>} : memref<80x128xf32, #tpu.memory_space<vmem>>, vector<16xf32>,
        %mul3A_427 = arith.mulf %get3A_423, %get3A_426 : vector<16xf32>
        %add3A_428 = arith.addf %add3A_420, %mul3A_427 : vector<16xf32>
        %swap3A_429 = arith.index_cast %add3A_365 : i32 to index
        %swap3A_430 = arith.constant 0 : index
        %swap3A_431 = tpu.vector_load %arg13[%swap3A_429, %swap3A_430] {strides = array<i32>} : memref<80x16xf32, #tpu.memory_space<vmem>>, vector<16xf32>,
        tpu.vector_store %arg13[%swap3A_429, %swap3A_430], %add3A_428 {strides = array<i32>} : memref<80x16xf32, #tpu.memory_space<vmem>>, vector<16xf32>,
      }
      %scan3A_100 = arith.constant 20 : i32
      %mul3A_101 = arith.constant 10000 : i32
      %mul3A_102 = arith.muli %add3A, %mul3A_101 : i32
      %mul3A_103 = arith.constant 80 : i32
      %mul3A_104 = arith.muli %add3A_74, %mul3A_103 : i32
      %add3A_105 = arith.addi %mul3A_102, %mul3A_104 : i32
      %dma_start3A_106 = arith.constant 0 : i32
      %dma_start3A_107 = tpu.memref_slice %arg6[%add3A_105, %dma_start3A_106] : memref<320000x16xf32, #tpu.memory_space<hbm>> -> memref<80x16xf32, #tpu.memory_space<hbm>>
      %dma_start3A_108 = arith.constant 0 : i32
      %dma_start3A_109 = tpu.memref_slice %arg6[%add3A_105, %dma_start3A_108] : memref<320000x16xf32, #tpu.memory_space<hbm>> -> memref<80x16xf32, #tpu.memory_space<hbm>>
      tpu.enqueue_dma source(%arg13 : memref<80x16xf32, #tpu.memory_space<vmem>>) target(%dma_start3A_109 : memref<80x16xf32, #tpu.memory_space<hbm>>) target_semaphore(%arg19 : memref<!tpu.dma_semaphore, #tpu.memory_space<semaphore_mem>>)
      %mul3A_110 = arith.constant 2 : i32
      %mul3A_111 = arith.muli %scan3A_70, %mul3A_110 : i32
      %add3A_112 = arith.constant 1 : i32
      %add3A_113 = arith.addi %mul3A_111, %add3A_112 : i32
      %add3A_114 = arith.constant 1 : i32
      %add3A_115 = arith.addi %add3A_113, %add3A_114 : i32
      %lt3A_116 = arith.constant 125 : i32
      %lt3A_117 = arith.cmpi slt, %add3A_115, %lt3A_116 : i32
      %convert_element_type3A_118 = arith.extui %lt3A_117 : i1 to i32
      %cond3A_119 = arith.constant 0 : i32
      %cond3A_120 = arith.cmpi ne, %convert_element_type3A_118, %cond3A_119 : i32
      scf.if %cond3A_120 {
        %add3A_153 = arith.constant 1 : i32
        %add3A_154 = arith.addi %add3A_113, %add3A_153 : i32
        %dma_start3A_155 = arith.constant 0 : i32
        %dma_start3A_156 = tpu.memref_slice %arg7[%add3A_154, %dma_start3A_155] : memref<125x80xi32, #tpu.memory_space<vmem>> -> memref<1x80xi32, #tpu.memory_space<vmem>>
        %dma_start3A_157 = tpu.memref_squeeze %dma_start3A_156 : memref<1x80xi32, #tpu.memory_space<vmem>> -> memref<80xi32, #tpu.memory_space<vmem>>
        %dma_start3A_158 = arith.constant 0 : i32
        %dma_start3A_159 = arith.constant 0 : i32
        %dma_start3A_160 = tpu.memref_slice %arg2[%dma_start3A_158, %dma_start3A_159] : memref<10000x128xf32, #tpu.memory_space<hbm>> -> memref<10000x128xf32, #tpu.memory_space<hbm>>
        tpu.enqueue_indirect_dma source(%dma_start3A_160 : memref<10000x128xf32, #tpu.memory_space<hbm>>) target(%arg9 : memref<80x128xf32, #tpu.memory_space<vmem>>) offsets(%dma_start3A_157 : memref<80xi32, #tpu.memory_space<vmem>>) semaphore(%arg15 : memref<!tpu.dma_semaphore, #tpu.memory_space<semaphore_mem>>)
        %add3A_161 = arith.constant 1 : i32
        %add3A_162 = arith.addi %add3A_113, %add3A_161 : i32
        %dma_start3A_163 = arith.constant 0 : i32
        %dma_start3A_164 = tpu.memref_slice %arg8[%add3A_162, %dma_start3A_163] : memref<125x80xi32, #tpu.memory_space<vmem>> -> memref<1x80xi32, #tpu.memory_space<vmem>>
        %dma_start3A_165 = tpu.memref_squeeze %dma_start3A_164 : memref<1x80xi32, #tpu.memory_space<vmem>> -> memref<80xi32, #tpu.memory_space<vmem>>
        %dma_start3A_166 = arith.constant 0 : i32
        %dma_start3A_167 = arith.constant 0 : i32
        %dma_start3A_168 = tpu.memref_slice %arg3[%dma_start3A_166, %dma_start3A_167] : memref<10000x128xf32, #tpu.memory_space<hbm>> -> memref<10000x128xf32, #tpu.memory_space<hbm>>
        tpu.enqueue_indirect_dma source(%dma_start3A_168 : memref<10000x128xf32, #tpu.memory_space<hbm>>) target(%arg11 : memref<80x128xf32, #tpu.memory_space<vmem>>) offsets(%dma_start3A_165 : memref<80xi32, #tpu.memory_space<vmem>>) semaphore(%arg17 : memref<!tpu.dma_semaphore, #tpu.memory_space<semaphore_mem>>)
      } else {
      }
      %dma_wait3A_121 = arith.constant 0 : i32
      %dma_wait3A_122 = tpu.memref_slice %arg7[%add3A_113, %dma_wait3A_121] : memref<125x80xi32, #tpu.memory_space<vmem>> -> memref<1x80xi32, #tpu.memory_space<vmem>>
      %dma_wait3A_123 = tpu.memref_squeeze %dma_wait3A_122 : memref<1x80xi32, #tpu.memory_space<vmem>> -> memref<80xi32, #tpu.memory_space<vmem>>
      %dma_wait3A_124 = arith.constant 0 : i32
      %dma_wait3A_125 = arith.constant 0 : i32
      %dma_wait3A_126 = tpu.memref_slice %arg2[%dma_wait3A_124, %dma_wait3A_125] : memref<10000x128xf32, #tpu.memory_space<hbm>> -> memref<10000x128xf32, #tpu.memory_space<hbm>>
      tpu.wait_indirect_dma semaphore(%arg16 : memref<!tpu.dma_semaphore, #tpu.memory_space<semaphore_mem>>) src(%dma_wait3A_126 : memref<10000x128xf32, #tpu.memory_space<hbm>>) dst(%arg10 : memref<80x128xf32, #tpu.memory_space<vmem>>)
      %dma_wait3A_127 = arith.constant 0 : i32
      %dma_wait3A_128 = tpu.memref_slice %arg8[%add3A_113, %dma_wait3A_127] : memref<125x80xi32, #tpu.memory_space<vmem>> -> memref<1x80xi32, #tpu.memory_space<vmem>>
      %dma_wait3A_129 = tpu.memref_squeeze %dma_wait3A_128 : memref<1x80xi32, #tpu.memory_space<vmem>> -> memref<80xi32, #tpu.memory_space<vmem>>
      %dma_wait3A_130 = arith.constant 0 : i32
      %dma_wait3A_131 = arith.constant 0 : i32
      %dma_wait3A_132 = tpu.memref_slice %arg3[%dma_wait3A_130, %dma_wait3A_131] : memref<10000x128xf32, #tpu.memory_space<hbm>> -> memref<10000x128xf32, #tpu.memory_space<hbm>>
      tpu.wait_indirect_dma semaphore(%arg18 : memref<!tpu.dma_semaphore, #tpu.memory_space<semaphore_mem>>) src(%dma_wait3A_132 : memref<10000x128xf32, #tpu.memory_space<hbm>>) dst(%arg12 : memref<80x128xf32, #tpu.memory_space<vmem>>)
      %ge3A_133 = arith.constant 2 : i32
      %ge3A_134 = arith.cmpi sge, %add3A_113, %ge3A_133 : i32
      %convert_element_type3A_135 = arith.extui %ge3A_134 : i1 to i32
      %cond3A_136 = arith.constant 0 : i32
      %cond3A_137 = arith.cmpi ne, %convert_element_type3A_135, %cond3A_136 : i32
      scf.if %cond3A_137 {
        %mul3A_153 = arith.constant 10000 : i32
        %mul3A_154 = arith.muli %add3A, %mul3A_153 : i32
        %sub3A = arith.constant 2 : i32
        %sub3A_155 = arith.subi %add3A_113, %sub3A : i32
        %mul3A_156 = arith.constant 80 : i32
        %mul3A_157 = arith.muli %sub3A_155, %mul3A_156 : i32
        %add3A_158 = arith.addi %mul3A_154, %mul3A_157 : i32
        %dma_wait3A_159 = arith.constant 0 : i32
        %dma_wait3A_160 = tpu.memref_slice %arg6[%add3A_158, %dma_wait3A_159] : memref<320000x16xf32, #tpu.memory_space<hbm>> -> memref<80x16xf32, #tpu.memory_space<hbm>>
        %dma_wait3A_161 = arith.constant 0 : i32
        %dma_wait3A_162 = tpu.memref_slice %arg6[%add3A_158, %dma_wait3A_161] : memref<320000x16xf32, #tpu.memory_space<hbm>> -> memref<80x16xf32, #tpu.memory_space<hbm>>
        tpu.wait_dma2 semaphore(%arg20 : memref<!tpu.dma_semaphore, #tpu.memory_space<semaphore_mem>>) src(%arg14 : memref<80x16xf32, #tpu.memory_space<vmem>>) dst(%dma_wait3A_162 : memref<80x16xf32, #tpu.memory_space<hbm>>)
      } else {
      }
      %scan3A_138 = arith.constant 0 : i32
      %scan3A_139 = arith.constant 0 : i32
      %scan3A_140 = arith.constant 20 : i32
      %scan3A_141 = arith.addi %scan3A_139, %scan3A_140 : i32
      %scan3A_142 = arith.constant 1 : i32
      scf.for %scan3A_153 = %scan3A_139 to %scan3A_141 step %scan3A_142  : i32 {
        %mul3A_154 = arith.constant 4 : i32
        %mul3A_155 = arith.muli %scan3A_153, %mul3A_154 : i32
        %add3A_156 = arith.constant 0 : i32
        %add3A_157 = arith.addi %mul3A_155, %add3A_156 : i32
        %get3A = arith.index_cast %add3A_157 : i32 to index
        %get3A_158 = arith.constant 0 : index
        %get3A_159 = tpu.vector_load %arg10[%get3A, %get3A_158] {strides = array<i32>} : memref<80x128xf32, #tpu.memory_space<vmem>>, vector<16xf32>,
        %get3A_160 = arith.index_cast %add3A_157 : i32 to index
        %get3A_161 = arith.constant 0 : index
        %get3A_162 = tpu.vector_load %arg12[%get3A_160, %get3A_161] {strides = array<i32>} : memref<80x128xf32, #tpu.memory_space<vmem>>, vector<16xf32>,
        %mul3A_163 = arith.mulf %get3A_159, %get3A_162 : vector<16xf32>
        %get3A_164 = arith.index_cast %add3A_157 : i32 to index
        %get3A_165 = arith.constant 16 : index
        %get3A_166 = tpu.vector_load %arg10[%get3A_164, %get3A_165] {strides = array<i32>} : memref<80x128xf32, #tpu.memory_space<vmem>>, vector<16xf32>,
        %get3A_167 = arith.index_cast %add3A_157 : i32 to index
        %get3A_168 = arith.constant 16 : index
        %get3A_169 = tpu.vector_load %arg12[%get3A_167, %get3A_168] {strides = array<i32>} : memref<80x128xf32, #tpu.memory_space<vmem>>, vector<16xf32>,
        %mul3A_170 = arith.mulf %get3A_166, %get3A_169 : vector<16xf32>
        %add3A_171 = arith.addf %mul3A_163, %mul3A_170 : vector<16xf32>
        %get3A_172 = arith.index_cast %add3A_157 : i32 to index
        %get3A_173 = arith.constant 32 : index
        %get3A_174 = tpu.vector_load %arg10[%get3A_172, %get3A_173] {strides = array<i32>} : memref<80x128xf32, #tpu.memory_space<vmem>>, vector<16xf32>,
        %get3A_175 = arith.index_cast %add3A_157 : i32 to index
        %get3A_176 = arith.constant 32 : index
        %get3A_177 = tpu.vector_load %arg12[%get3A_175, %get3A_176] {strides = array<i32>} : memref<80x128xf32, #tpu.memory_space<vmem>>, vector<16xf32>,
        %mul3A_178 = arith.mulf %get3A_174, %get3A_177 : vector<16xf32>
        %add3A_179 = arith.addf %add3A_171, %mul3A_178 : vector<16xf32>
        %get3A_180 = arith.index_cast %add3A_157 : i32 to index
        %get3A_181 = arith.constant 48 : index
        %get3A_182 = tpu.vector_load %arg10[%get3A_180, %get3A_181] {strides = array<i32>} : memref<80x128xf32, #tpu.memory_space<vmem>>, vector<16xf32>,
        %get3A_183 = arith.index_cast %add3A_157 : i32 to index
        %get3A_184 = arith.constant 48 : index
        %get3A_185 = tpu.vector_load %arg12[%get3A_183, %get3A_184] {strides = array<i32>} : memref<80x128xf32, #tpu.memory_space<vmem>>, vector<16xf32>,
        %mul3A_186 = arith.mulf %get3A_182, %get3A_185 : vector<16xf32>
        %add3A_187 = arith.addf %add3A_179, %mul3A_186 : vector<16xf32>
        %get3A_188 = arith.index_cast %add3A_157 : i32 to index
        %get3A_189 = arith.constant 64 : index
        %get3A_190 = tpu.vector_load %arg10[%get3A_188, %get3A_189] {strides = array<i32>} : memref<80x128xf32, #tpu.memory_space<vmem>>, vector<16xf32>,
        %get3A_191 = arith.index_cast %add3A_157 : i32 to index
        %get3A_192 = arith.constant 64 : index
        %get3A_193 = tpu.vector_load %arg12[%get3A_191, %get3A_192] {strides = array<i32>} : memref<80x128xf32, #tpu.memory_space<vmem>>, vector<16xf32>,
        %mul3A_194 = arith.mulf %get3A_190, %get3A_193 : vector<16xf32>
        %add3A_195 = arith.addf %add3A_187, %mul3A_194 : vector<16xf32>
        %get3A_196 = arith.index_cast %add3A_157 : i32 to index
        %get3A_197 = arith.constant 80 : index
        %get3A_198 = tpu.vector_load %arg10[%get3A_196, %get3A_197] {strides = array<i32>} : memref<80x128xf32, #tpu.memory_space<vmem>>, vector<16xf32>,
        %get3A_199 = arith.index_cast %add3A_157 : i32 to index
        %get3A_200 = arith.constant 80 : index
        %get3A_201 = tpu.vector_load %arg12[%get3A_199, %get3A_200] {strides = array<i32>} : memref<80x128xf32, #tpu.memory_space<vmem>>, vector<16xf32>,
        %mul3A_202 = arith.mulf %get3A_198, %get3A_201 : vector<16xf32>
        %add3A_203 = arith.addf %add3A_195, %mul3A_202 : vector<16xf32>
        %get3A_204 = arith.index_cast %add3A_157 : i32 to index
        %get3A_205 = arith.constant 96 : index
        %get3A_206 = tpu.vector_load %arg10[%get3A_204, %get3A_205] {strides = array<i32>} : memref<80x128xf32, #tpu.memory_space<vmem>>, vector<16xf32>,
        %get3A_207 = arith.index_cast %add3A_157 : i32 to index
        %get3A_208 = arith.constant 96 : index
        %get3A_209 = tpu.vector_load %arg12[%get3A_207, %get3A_208] {strides = array<i32>} : memref<80x128xf32, #tpu.memory_space<vmem>>, vector<16xf32>,
        %mul3A_210 = arith.mulf %get3A_206, %get3A_209 : vector<16xf32>
        %add3A_211 = arith.addf %add3A_203, %mul3A_210 : vector<16xf32>
        %get3A_212 = arith.index_cast %add3A_157 : i32 to index
        %get3A_213 = arith.constant 112 : index
        %get3A_214 = tpu.vector_load %arg10[%get3A_212, %get3A_213] {strides = array<i32>} : memref<80x128xf32, #tpu.memory_space<vmem>>, vector<16xf32>,
        %get3A_215 = arith.index_cast %add3A_157 : i32 to index
        %get3A_216 = arith.constant 112 : index
        %get3A_217 = tpu.vector_load %arg12[%get3A_215, %get3A_216] {strides = array<i32>} : memref<80x128xf32, #tpu.memory_space<vmem>>, vector<16xf32>,
        %mul3A_218 = arith.mulf %get3A_214, %get3A_217 : vector<16xf32>
        %add3A_219 = arith.addf %add3A_211, %mul3A_218 : vector<16xf32>
        %swap3A = arith.index_cast %add3A_157 : i32 to index
        %swap3A_220 = arith.constant 0 : index
        %swap3A_221 = tpu.vector_load %arg14[%swap3A, %swap3A_220] {strides = array<i32>} : memref<80x16xf32, #tpu.memory_space<vmem>>, vector<16xf32>,
        tpu.vector_store %arg14[%swap3A, %swap3A_220], %add3A_219 {strides = array<i32>} : memref<80x16xf32, #tpu.memory_space<vmem>>, vector<16xf32>,
        %mul3A_222 = arith.constant 4 : i32
        %mul3A_223 = arith.muli %scan3A_153, %mul3A_222 : i32
        %add3A_224 = arith.constant 1 : i32
        %add3A_225 = arith.addi %mul3A_223, %add3A_224 : i32
        %get3A_226 = arith.index_cast %add3A_225 : i32 to index
        %get3A_227 = arith.constant 0 : index
        %get3A_228 = tpu.vector_load %arg10[%get3A_226, %get3A_227] {strides = array<i32>} : memref<80x128xf32, #tpu.memory_space<vmem>>, vector<16xf32>,
        %get3A_229 = arith.index_cast %add3A_225 : i32 to index
        %get3A_230 = arith.constant 0 : index
        %get3A_231 = tpu.vector_load %arg12[%get3A_229, %get3A_230] {strides = array<i32>} : memref<80x128xf32, #tpu.memory_space<vmem>>, vector<16xf32>,
        %mul3A_232 = arith.mulf %get3A_228, %get3A_231 : vector<16xf32>
        %get3A_233 = arith.index_cast %add3A_225 : i32 to index
        %get3A_234 = arith.constant 16 : index
        %get3A_235 = tpu.vector_load %arg10[%get3A_233, %get3A_234] {strides = array<i32>} : memref<80x128xf32, #tpu.memory_space<vmem>>, vector<16xf32>,
        %get3A_236 = arith.index_cast %add3A_225 : i32 to index
        %get3A_237 = arith.constant 16 : index
        %get3A_238 = tpu.vector_load %arg12[%get3A_236, %get3A_237] {strides = array<i32>} : memref<80x128xf32, #tpu.memory_space<vmem>>, vector<16xf32>,
        %mul3A_239 = arith.mulf %get3A_235, %get3A_238 : vector<16xf32>
        %add3A_240 = arith.addf %mul3A_232, %mul3A_239 : vector<16xf32>
        %get3A_241 = arith.index_cast %add3A_225 : i32 to index
        %get3A_242 = arith.constant 32 : index
        %get3A_243 = tpu.vector_load %arg10[%get3A_241, %get3A_242] {strides = array<i32>} : memref<80x128xf32, #tpu.memory_space<vmem>>, vector<16xf32>,
        %get3A_244 = arith.index_cast %add3A_225 : i32 to index
        %get3A_245 = arith.constant 32 : index
        %get3A_246 = tpu.vector_load %arg12[%get3A_244, %get3A_245] {strides = array<i32>} : memref<80x128xf32, #tpu.memory_space<vmem>>, vector<16xf32>,
        %mul3A_247 = arith.mulf %get3A_243, %get3A_246 : vector<16xf32>
        %add3A_248 = arith.addf %add3A_240, %mul3A_247 : vector<16xf32>
        %get3A_249 = arith.index_cast %add3A_225 : i32 to index
        %get3A_250 = arith.constant 48 : index
        %get3A_251 = tpu.vector_load %arg10[%get3A_249, %get3A_250] {strides = array<i32>} : memref<80x128xf32, #tpu.memory_space<vmem>>, vector<16xf32>,
        %get3A_252 = arith.index_cast %add3A_225 : i32 to index
        %get3A_253 = arith.constant 48 : index
        %get3A_254 = tpu.vector_load %arg12[%get3A_252, %get3A_253] {strides = array<i32>} : memref<80x128xf32, #tpu.memory_space<vmem>>, vector<16xf32>,
        %mul3A_255 = arith.mulf %get3A_251, %get3A_254 : vector<16xf32>
        %add3A_256 = arith.addf %add3A_248, %mul3A_255 : vector<16xf32>
        %get3A_257 = arith.index_cast %add3A_225 : i32 to index
        %get3A_258 = arith.constant 64 : index
        %get3A_259 = tpu.vector_load %arg10[%get3A_257, %get3A_258] {strides = array<i32>} : memref<80x128xf32, #tpu.memory_space<vmem>>, vector<16xf32>,
        %get3A_260 = arith.index_cast %add3A_225 : i32 to index
        %get3A_261 = arith.constant 64 : index
        %get3A_262 = tpu.vector_load %arg12[%get3A_260, %get3A_261] {strides = array<i32>} : memref<80x128xf32, #tpu.memory_space<vmem>>, vector<16xf32>,
        %mul3A_263 = arith.mulf %get3A_259, %get3A_262 : vector<16xf32>
        %add3A_264 = arith.addf %add3A_256, %mul3A_263 : vector<16xf32>
        %get3A_265 = arith.index_cast %add3A_225 : i32 to index
        %get3A_266 = arith.constant 80 : index
        %get3A_267 = tpu.vector_load %arg10[%get3A_265, %get3A_266] {strides = array<i32>} : memref<80x128xf32, #tpu.memory_space<vmem>>, vector<16xf32>,
        %get3A_268 = arith.index_cast %add3A_225 : i32 to index
        %get3A_269 = arith.constant 80 : index
        %get3A_270 = tpu.vector_load %arg12[%get3A_268, %get3A_269] {strides = array<i32>} : memref<80x128xf32, #tpu.memory_space<vmem>>, vector<16xf32>,
        %mul3A_271 = arith.mulf %get3A_267, %get3A_270 : vector<16xf32>
        %add3A_272 = arith.addf %add3A_264, %mul3A_271 : vector<16xf32>
        %get3A_273 = arith.index_cast %add3A_225 : i32 to index
        %get3A_274 = arith.constant 96 : index
        %get3A_275 = tpu.vector_load %arg10[%get3A_273, %get3A_274] {strides = array<i32>} : memref<80x128xf32, #tpu.memory_space<vmem>>, vector<16xf32>,
        %get3A_276 = arith.index_cast %add3A_225 : i32 to index
        %get3A_277 = arith.constant 96 : index
        %get3A_278 = tpu.vector_load %arg12[%get3A_276, %get3A_277] {strides = array<i32>} : memref<80x128xf32, #tpu.memory_space<vmem>>, vector<16xf32>,
        %mul3A_279 = arith.mulf %get3A_275, %get3A_278 : vector<16xf32>
        %add3A_280 = arith.addf %add3A_272, %mul3A_279 : vector<16xf32>
        %get3A_281 = arith.index_cast %add3A_225 : i32 to index
        %get3A_282 = arith.constant 112 : index
        %get3A_283 = tpu.vector_load %arg10[%get3A_281, %get3A_282] {strides = array<i32>} : memref<80x128xf32, #tpu.memory_space<vmem>>, vector<16xf32>,
        %get3A_284 = arith.index_cast %add3A_225 : i32 to index
        %get3A_285 = arith.constant 112 : index
        %get3A_286 = tpu.vector_load %arg12[%get3A_284, %get3A_285] {strides = array<i32>} : memref<80x128xf32, #tpu.memory_space<vmem>>, vector<16xf32>,
        %mul3A_287 = arith.mulf %get3A_283, %get3A_286 : vector<16xf32>
        %add3A_288 = arith.addf %add3A_280, %mul3A_287 : vector<16xf32>
        %swap3A_289 = arith.index_cast %add3A_225 : i32 to index
        %swap3A_290 = arith.constant 0 : index
        %swap3A_291 = tpu.vector_load %arg14[%swap3A_289, %swap3A_290] {strides = array<i32>} : memref<80x16xf32, #tpu.memory_space<vmem>>, vector<16xf32>,
        tpu.vector_store %arg14[%swap3A_289, %swap3A_290], %add3A_288 {strides = array<i32>} : memref<80x16xf32, #tpu.memory_space<vmem>>, vector<16xf32>,
        %mul3A_292 = arith.constant 4 : i32
        %mul3A_293 = arith.muli %scan3A_153, %mul3A_292 : i32
        %add3A_294 = arith.constant 2 : i32
        %add3A_295 = arith.addi %mul3A_293, %add3A_294 : i32
        %get3A_296 = arith.index_cast %add3A_295 : i32 to index
        %get3A_297 = arith.constant 0 : index
        %get3A_298 = tpu.vector_load %arg10[%get3A_296, %get3A_297] {strides = array<i32>} : memref<80x128xf32, #tpu.memory_space<vmem>>, vector<16xf32>,
        %get3A_299 = arith.index_cast %add3A_295 : i32 to index
        %get3A_300 = arith.constant 0 : index
        %get3A_301 = tpu.vector_load %arg12[%get3A_299, %get3A_300] {strides = array<i32>} : memref<80x128xf32, #tpu.memory_space<vmem>>, vector<16xf32>,
        %mul3A_302 = arith.mulf %get3A_298, %get3A_301 : vector<16xf32>
        %get3A_303 = arith.index_cast %add3A_295 : i32 to index
        %get3A_304 = arith.constant 16 : index
        %get3A_305 = tpu.vector_load %arg10[%get3A_303, %get3A_304] {strides = array<i32>} : memref<80x128xf32, #tpu.memory_space<vmem>>, vector<16xf32>,
        %get3A_306 = arith.index_cast %add3A_295 : i32 to index
        %get3A_307 = arith.constant 16 : index
        %get3A_308 = tpu.vector_load %arg12[%get3A_306, %get3A_307] {strides = array<i32>} : memref<80x128xf32, #tpu.memory_space<vmem>>, vector<16xf32>,
        %mul3A_309 = arith.mulf %get3A_305, %get3A_308 : vector<16xf32>
        %add3A_310 = arith.addf %mul3A_302, %mul3A_309 : vector<16xf32>
        %get3A_311 = arith.index_cast %add3A_295 : i32 to index
        %get3A_312 = arith.constant 32 : index
        %get3A_313 = tpu.vector_load %arg10[%get3A_311, %get3A_312] {strides = array<i32>} : memref<80x128xf32, #tpu.memory_space<vmem>>, vector<16xf32>,
        %get3A_314 = arith.index_cast %add3A_295 : i32 to index
        %get3A_315 = arith.constant 32 : index
        %get3A_316 = tpu.vector_load %arg12[%get3A_314, %get3A_315] {strides = array<i32>} : memref<80x128xf32, #tpu.memory_space<vmem>>, vector<16xf32>,
        %mul3A_317 = arith.mulf %get3A_313, %get3A_316 : vector<16xf32>
        %add3A_318 = arith.addf %add3A_310, %mul3A_317 : vector<16xf32>
        %get3A_319 = arith.index_cast %add3A_295 : i32 to index
        %get3A_320 = arith.constant 48 : index
        %get3A_321 = tpu.vector_load %arg10[%get3A_319, %get3A_320] {strides = array<i32>} : memref<80x128xf32, #tpu.memory_space<vmem>>, vector<16xf32>,
        %get3A_322 = arith.index_cast %add3A_295 : i32 to index
        %get3A_323 = arith.constant 48 : index
        %get3A_324 = tpu.vector_load %arg12[%get3A_322, %get3A_323] {strides = array<i32>} : memref<80x128xf32, #tpu.memory_space<vmem>>, vector<16xf32>,
        %mul3A_325 = arith.mulf %get3A_321, %get3A_324 : vector<16xf32>
        %add3A_326 = arith.addf %add3A_318, %mul3A_325 : vector<16xf32>
        %get3A_327 = arith.index_cast %add3A_295 : i32 to index
        %get3A_328 = arith.constant 64 : index
        %get3A_329 = tpu.vector_load %arg10[%get3A_327, %get3A_328] {strides = array<i32>} : memref<80x128xf32, #tpu.memory_space<vmem>>, vector<16xf32>,
        %get3A_330 = arith.index_cast %add3A_295 : i32 to index
        %get3A_331 = arith.constant 64 : index
        %get3A_332 = tpu.vector_load %arg12[%get3A_330, %get3A_331] {strides = array<i32>} : memref<80x128xf32, #tpu.memory_space<vmem>>, vector<16xf32>,
        %mul3A_333 = arith.mulf %get3A_329, %get3A_332 : vector<16xf32>
        %add3A_334 = arith.addf %add3A_326, %mul3A_333 : vector<16xf32>
        %get3A_335 = arith.index_cast %add3A_295 : i32 to index
        %get3A_336 = arith.constant 80 : index
        %get3A_337 = tpu.vector_load %arg10[%get3A_335, %get3A_336] {strides = array<i32>} : memref<80x128xf32, #tpu.memory_space<vmem>>, vector<16xf32>,
        %get3A_338 = arith.index_cast %add3A_295 : i32 to index
        %get3A_339 = arith.constant 80 : index
        %get3A_340 = tpu.vector_load %arg12[%get3A_338, %get3A_339] {strides = array<i32>} : memref<80x128xf32, #tpu.memory_space<vmem>>, vector<16xf32>,
        %mul3A_341 = arith.mulf %get3A_337, %get3A_340 : vector<16xf32>
        %add3A_342 = arith.addf %add3A_334, %mul3A_341 : vector<16xf32>
        %get3A_343 = arith.index_cast %add3A_295 : i32 to index
        %get3A_344 = arith.constant 96 : index
        %get3A_345 = tpu.vector_load %arg10[%get3A_343, %get3A_344] {strides = array<i32>} : memref<80x128xf32, #tpu.memory_space<vmem>>, vector<16xf32>,
        %get3A_346 = arith.index_cast %add3A_295 : i32 to index
        %get3A_347 = arith.constant 96 : index
        %get3A_348 = tpu.vector_load %arg12[%get3A_346, %get3A_347] {strides = array<i32>} : memref<80x128xf32, #tpu.memory_space<vmem>>, vector<16xf32>,
        %mul3A_349 = arith.mulf %get3A_345, %get3A_348 : vector<16xf32>
        %add3A_350 = arith.addf %add3A_342, %mul3A_349 : vector<16xf32>
        %get3A_351 = arith.index_cast %add3A_295 : i32 to index
        %get3A_352 = arith.constant 112 : index
        %get3A_353 = tpu.vector_load %arg10[%get3A_351, %get3A_352] {strides = array<i32>} : memref<80x128xf32, #tpu.memory_space<vmem>>, vector<16xf32>,
        %get3A_354 = arith.index_cast %add3A_295 : i32 to index
        %get3A_355 = arith.constant 112 : index
        %get3A_356 = tpu.vector_load %arg12[%get3A_354, %get3A_355] {strides = array<i32>} : memref<80x128xf32, #tpu.memory_space<vmem>>, vector<16xf32>,
        %mul3A_357 = arith.mulf %get3A_353, %get3A_356 : vector<16xf32>
        %add3A_358 = arith.addf %add3A_350, %mul3A_357 : vector<16xf32>
        %swap3A_359 = arith.index_cast %add3A_295 : i32 to index
        %swap3A_360 = arith.constant 0 : index
        %swap3A_361 = tpu.vector_load %arg14[%swap3A_359, %swap3A_360] {strides = array<i32>} : memref<80x16xf32, #tpu.memory_space<vmem>>, vector<16xf32>,
        tpu.vector_store %arg14[%swap3A_359, %swap3A_360], %add3A_358 {strides = array<i32>} : memref<80x16xf32, #tpu.memory_space<vmem>>, vector<16xf32>,
        %mul3A_362 = arith.constant 4 : i32
        %mul3A_363 = arith.muli %scan3A_153, %mul3A_362 : i32
        %add3A_364 = arith.constant 3 : i32
        %add3A_365 = arith.addi %mul3A_363, %add3A_364 : i32
        %get3A_366 = arith.index_cast %add3A_365 : i32 to index
        %get3A_367 = arith.constant 0 : index
        %get3A_368 = tpu.vector_load %arg10[%get3A_366, %get3A_367] {strides = array<i32>} : memref<80x128xf32, #tpu.memory_space<vmem>>, vector<16xf32>,
        %get3A_369 = arith.index_cast %add3A_365 : i32 to index
        %get3A_370 = arith.constant 0 : index
        %get3A_371 = tpu.vector_load %arg12[%get3A_369, %get3A_370] {strides = array<i32>} : memref<80x128xf32, #tpu.memory_space<vmem>>, vector<16xf32>,
        %mul3A_372 = arith.mulf %get3A_368, %get3A_371 : vector<16xf32>
        %get3A_373 = arith.index_cast %add3A_365 : i32 to index
        %get3A_374 = arith.constant 16 : index
        %get3A_375 = tpu.vector_load %arg10[%get3A_373, %get3A_374] {strides = array<i32>} : memref<80x128xf32, #tpu.memory_space<vmem>>, vector<16xf32>,
        %get3A_376 = arith.index_cast %add3A_365 : i32 to index
        %get3A_377 = arith.constant 16 : index
        %get3A_378 = tpu.vector_load %arg12[%get3A_376, %get3A_377] {strides = array<i32>} : memref<80x128xf32, #tpu.memory_space<vmem>>, vector<16xf32>,
        %mul3A_379 = arith.mulf %get3A_375, %get3A_378 : vector<16xf32>
        %add3A_380 = arith.addf %mul3A_372, %mul3A_379 : vector<16xf32>
        %get3A_381 = arith.index_cast %add3A_365 : i32 to index
        %get3A_382 = arith.constant 32 : index
        %get3A_383 = tpu.vector_load %arg10[%get3A_381, %get3A_382] {strides = array<i32>} : memref<80x128xf32, #tpu.memory_space<vmem>>, vector<16xf32>,
        %get3A_384 = arith.index_cast %add3A_365 : i32 to index
        %get3A_385 = arith.constant 32 : index
        %get3A_386 = tpu.vector_load %arg12[%get3A_384, %get3A_385] {strides = array<i32>} : memref<80x128xf32, #tpu.memory_space<vmem>>, vector<16xf32>,
        %mul3A_387 = arith.mulf %get3A_383, %get3A_386 : vector<16xf32>
        %add3A_388 = arith.addf %add3A_380, %mul3A_387 : vector<16xf32>
        %get3A_389 = arith.index_cast %add3A_365 : i32 to index
        %get3A_390 = arith.constant 48 : index
        %get3A_391 = tpu.vector_load %arg10[%get3A_389, %get3A_390] {strides = array<i32>} : memref<80x128xf32, #tpu.memory_space<vmem>>, vector<16xf32>,
        %get3A_392 = arith.index_cast %add3A_365 : i32 to index
        %get3A_393 = arith.constant 48 : index
        %get3A_394 = tpu.vector_load %arg12[%get3A_392, %get3A_393] {strides = array<i32>} : memref<80x128xf32, #tpu.memory_space<vmem>>, vector<16xf32>,
        %mul3A_395 = arith.mulf %get3A_391, %get3A_394 : vector<16xf32>
        %add3A_396 = arith.addf %add3A_388, %mul3A_395 : vector<16xf32>
        %get3A_397 = arith.index_cast %add3A_365 : i32 to index
        %get3A_398 = arith.constant 64 : index
        %get3A_399 = tpu.vector_load %arg10[%get3A_397, %get3A_398] {strides = array<i32>} : memref<80x128xf32, #tpu.memory_space<vmem>>, vector<16xf32>,
        %get3A_400 = arith.index_cast %add3A_365 : i32 to index
        %get3A_401 = arith.constant 64 : index
        %get3A_402 = tpu.vector_load %arg12[%get3A_400, %get3A_401] {strides = array<i32>} : memref<80x128xf32, #tpu.memory_space<vmem>>, vector<16xf32>,
        %mul3A_403 = arith.mulf %get3A_399, %get3A_402 : vector<16xf32>
        %add3A_404 = arith.addf %add3A_396, %mul3A_403 : vector<16xf32>
        %get3A_405 = arith.index_cast %add3A_365 : i32 to index
        %get3A_406 = arith.constant 80 : index
        %get3A_407 = tpu.vector_load %arg10[%get3A_405, %get3A_406] {strides = array<i32>} : memref<80x128xf32, #tpu.memory_space<vmem>>, vector<16xf32>,
        %get3A_408 = arith.index_cast %add3A_365 : i32 to index
        %get3A_409 = arith.constant 80 : index
        %get3A_410 = tpu.vector_load %arg12[%get3A_408, %get3A_409] {strides = array<i32>} : memref<80x128xf32, #tpu.memory_space<vmem>>, vector<16xf32>,
        %mul3A_411 = arith.mulf %get3A_407, %get3A_410 : vector<16xf32>
        %add3A_412 = arith.addf %add3A_404, %mul3A_411 : vector<16xf32>
        %get3A_413 = arith.index_cast %add3A_365 : i32 to index
        %get3A_414 = arith.constant 96 : index
        %get3A_415 = tpu.vector_load %arg10[%get3A_413, %get3A_414] {strides = array<i32>} : memref<80x128xf32, #tpu.memory_space<vmem>>, vector<16xf32>,
        %get3A_416 = arith.index_cast %add3A_365 : i32 to index
        %get3A_417 = arith.constant 96 : index
        %get3A_418 = tpu.vector_load %arg12[%get3A_416, %get3A_417] {strides = array<i32>} : memref<80x128xf32, #tpu.memory_space<vmem>>, vector<16xf32>,
        %mul3A_419 = arith.mulf %get3A_415, %get3A_418 : vector<16xf32>
        %add3A_420 = arith.addf %add3A_412, %mul3A_419 : vector<16xf32>
        %get3A_421 = arith.index_cast %add3A_365 : i32 to index
        %get3A_422 = arith.constant 112 : index
        %get3A_423 = tpu.vector_load %arg10[%get3A_421, %get3A_422] {strides = array<i32>} : memref<80x128xf32, #tpu.memory_space<vmem>>, vector<16xf32>,
        %get3A_424 = arith.index_cast %add3A_365 : i32 to index
        %get3A_425 = arith.constant 112 : index
        %get3A_426 = tpu.vector_load %arg12[%get3A_424, %get3A_425] {strides = array<i32>} : memref<80x128xf32, #tpu.memory_space<vmem>>, vector<16xf32>,
        %mul3A_427 = arith.mulf %get3A_423, %get3A_426 : vector<16xf32>
        %add3A_428 = arith.addf %add3A_420, %mul3A_427 : vector<16xf32>
        %swap3A_429 = arith.index_cast %add3A_365 : i32 to index
        %swap3A_430 = arith.constant 0 : index
        %swap3A_431 = tpu.vector_load %arg14[%swap3A_429, %swap3A_430] {strides = array<i32>} : memref<80x16xf32, #tpu.memory_space<vmem>>, vector<16xf32>,
        tpu.vector_store %arg14[%swap3A_429, %swap3A_430], %add3A_428 {strides = array<i32>} : memref<80x16xf32, #tpu.memory_space<vmem>>, vector<16xf32>,
      }
      %scan3A_143 = arith.constant 20 : i32
      %mul3A_144 = arith.constant 10000 : i32
      %mul3A_145 = arith.muli %add3A, %mul3A_144 : i32
      %mul3A_146 = arith.constant 80 : i32
      %mul3A_147 = arith.muli %add3A_113, %mul3A_146 : i32
      %add3A_148 = arith.addi %mul3A_145, %mul3A_147 : i32
      %dma_start3A_149 = arith.constant 0 : i32
      %dma_start3A_150 = tpu.memref_slice %arg6[%add3A_148, %dma_start3A_149] : memref<320000x16xf32, #tpu.memory_space<hbm>> -> memref<80x16xf32, #tpu.memory_space<hbm>>
      %dma_start3A_151 = arith.constant 0 : i32
      %dma_start3A_152 = tpu.memref_slice %arg6[%add3A_148, %dma_start3A_151] : memref<320000x16xf32, #tpu.memory_space<hbm>> -> memref<80x16xf32, #tpu.memory_space<hbm>>
      tpu.enqueue_dma source(%arg14 : memref<80x16xf32, #tpu.memory_space<vmem>>) target(%dma_start3A_152 : memref<80x16xf32, #tpu.memory_space<hbm>>) target_semaphore(%arg20 : memref<!tpu.dma_semaphore, #tpu.memory_space<semaphore_mem>>)
    }
    %scan3A_18 = arith.constant 62 : i32
    %dma_wait3A = arith.constant 124 : i32
    %dma_wait3A_19 = arith.constant 0 : i32
    %dma_wait3A_20 = tpu.memref_slice %arg7[%dma_wait3A, %dma_wait3A_19] : memref<125x80xi32, #tpu.memory_space<vmem>> -> memref<1x80xi32, #tpu.memory_space<vmem>>
    %dma_wait3A_21 = tpu.memref_squeeze %dma_wait3A_20 : memref<1x80xi32, #tpu.memory_space<vmem>> -> memref<80xi32, #tpu.memory_space<vmem>>
    %dma_wait3A_22 = arith.constant 0 : i32
    %dma_wait3A_23 = arith.constant 0 : i32
    %dma_wait3A_24 = tpu.memref_slice %arg2[%dma_wait3A_22, %dma_wait3A_23] : memref<10000x128xf32, #tpu.memory_space<hbm>> -> memref<10000x128xf32, #tpu.memory_space<hbm>>
    tpu.wait_indirect_dma semaphore(%arg15 : memref<!tpu.dma_semaphore, #tpu.memory_space<semaphore_mem>>) src(%dma_wait3A_24 : memref<10000x128xf32, #tpu.memory_space<hbm>>) dst(%arg9 : memref<80x128xf32, #tpu.memory_space<vmem>>)
    %dma_wait3A_25 = arith.constant 124 : i32
    %dma_wait3A_26 = arith.constant 0 : i32
    %dma_wait3A_27 = tpu.memref_slice %arg8[%dma_wait3A_25, %dma_wait3A_26] : memref<125x80xi32, #tpu.memory_space<vmem>> -> memref<1x80xi32, #tpu.memory_space<vmem>>
    %dma_wait3A_28 = tpu.memref_squeeze %dma_wait3A_27 : memref<1x80xi32, #tpu.memory_space<vmem>> -> memref<80xi32, #tpu.memory_space<vmem>>
    %dma_wait3A_29 = arith.constant 0 : i32
    %dma_wait3A_30 = arith.constant 0 : i32
    %dma_wait3A_31 = tpu.memref_slice %arg3[%dma_wait3A_29, %dma_wait3A_30] : memref<10000x128xf32, #tpu.memory_space<hbm>> -> memref<10000x128xf32, #tpu.memory_space<hbm>>
    tpu.wait_indirect_dma semaphore(%arg17 : memref<!tpu.dma_semaphore, #tpu.memory_space<semaphore_mem>>) src(%dma_wait3A_31 : memref<10000x128xf32, #tpu.memory_space<hbm>>) dst(%arg11 : memref<80x128xf32, #tpu.memory_space<vmem>>)
    %mul3A_32 = arith.constant 10000 : i32
    %mul3A_33 = arith.muli %add3A, %mul3A_32 : i32
    %add3A_34 = arith.constant 9760 : i32
    %add3A_35 = arith.addi %mul3A_33, %add3A_34 : i32
    %dma_wait3A_36 = arith.constant 0 : i32
    %dma_wait3A_37 = tpu.memref_slice %arg6[%add3A_35, %dma_wait3A_36] : memref<320000x16xf32, #tpu.memory_space<hbm>> -> memref<80x16xf32, #tpu.memory_space<hbm>>
    %dma_wait3A_38 = arith.constant 0 : i32
    %dma_wait3A_39 = tpu.memref_slice %arg6[%add3A_35, %dma_wait3A_38] : memref<320000x16xf32, #tpu.memory_space<hbm>> -> memref<80x16xf32, #tpu.memory_space<hbm>>
    tpu.wait_dma2 semaphore(%arg19 : memref<!tpu.dma_semaphore, #tpu.memory_space<semaphore_mem>>) src(%arg13 : memref<80x16xf32, #tpu.memory_space<vmem>>) dst(%dma_wait3A_39 : memref<80x16xf32, #tpu.memory_space<hbm>>)
    %scan3A_40 = arith.constant 0 : i32
    %scan3A_41 = arith.constant 0 : i32
    %scan3A_42 = arith.constant 20 : i32
    %scan3A_43 = arith.addi %scan3A_41, %scan3A_42 : i32
    %scan3A_44 = arith.constant 1 : i32
    scf.for %scan3A_70 = %scan3A_41 to %scan3A_43 step %scan3A_44  : i32 {
      %mul3A_71 = arith.constant 4 : i32
      %mul3A_72 = arith.muli %scan3A_70, %mul3A_71 : i32
      %add3A_73 = arith.constant 0 : i32
      %add3A_74 = arith.addi %mul3A_72, %add3A_73 : i32
      %get3A = arith.index_cast %add3A_74 : i32 to index
      %get3A_75 = arith.constant 0 : index
      %get3A_76 = tpu.vector_load %arg9[%get3A, %get3A_75] {strides = array<i32>} : memref<80x128xf32, #tpu.memory_space<vmem>>, vector<16xf32>,
      %get3A_77 = arith.index_cast %add3A_74 : i32 to index
      %get3A_78 = arith.constant 0 : index
      %get3A_79 = tpu.vector_load %arg11[%get3A_77, %get3A_78] {strides = array<i32>} : memref<80x128xf32, #tpu.memory_space<vmem>>, vector<16xf32>,
      %mul3A_80 = arith.mulf %get3A_76, %get3A_79 : vector<16xf32>
      %get3A_81 = arith.index_cast %add3A_74 : i32 to index
      %get3A_82 = arith.constant 16 : index
      %get3A_83 = tpu.vector_load %arg9[%get3A_81, %get3A_82] {strides = array<i32>} : memref<80x128xf32, #tpu.memory_space<vmem>>, vector<16xf32>,
      %get3A_84 = arith.index_cast %add3A_74 : i32 to index
      %get3A_85 = arith.constant 16 : index
      %get3A_86 = tpu.vector_load %arg11[%get3A_84, %get3A_85] {strides = array<i32>} : memref<80x128xf32, #tpu.memory_space<vmem>>, vector<16xf32>,
      %mul3A_87 = arith.mulf %get3A_83, %get3A_86 : vector<16xf32>
      %add3A_88 = arith.addf %mul3A_80, %mul3A_87 : vector<16xf32>
      %get3A_89 = arith.index_cast %add3A_74 : i32 to index
      %get3A_90 = arith.constant 32 : index
      %get3A_91 = tpu.vector_load %arg9[%get3A_89, %get3A_90] {strides = array<i32>} : memref<80x128xf32, #tpu.memory_space<vmem>>, vector<16xf32>,
      %get3A_92 = arith.index_cast %add3A_74 : i32 to index
      %get3A_93 = arith.constant 32 : index
      %get3A_94 = tpu.vector_load %arg11[%get3A_92, %get3A_93] {strides = array<i32>} : memref<80x128xf32, #tpu.memory_space<vmem>>, vector<16xf32>,
      %mul3A_95 = arith.mulf %get3A_91, %get3A_94 : vector<16xf32>
      %add3A_96 = arith.addf %add3A_88, %mul3A_95 : vector<16xf32>
      %get3A_97 = arith.index_cast %add3A_74 : i32 to index
      %get3A_98 = arith.constant 48 : index
      %get3A_99 = tpu.vector_load %arg9[%get3A_97, %get3A_98] {strides = array<i32>} : memref<80x128xf32, #tpu.memory_space<vmem>>, vector<16xf32>,
      %get3A_100 = arith.index_cast %add3A_74 : i32 to index
      %get3A_101 = arith.constant 48 : index
      %get3A_102 = tpu.vector_load %arg11[%get3A_100, %get3A_101] {strides = array<i32>} : memref<80x128xf32, #tpu.memory_space<vmem>>, vector<16xf32>,
      %mul3A_103 = arith.mulf %get3A_99, %get3A_102 : vector<16xf32>
      %add3A_104 = arith.addf %add3A_96, %mul3A_103 : vector<16xf32>
      %get3A_105 = arith.index_cast %add3A_74 : i32 to index
      %get3A_106 = arith.constant 64 : index
      %get3A_107 = tpu.vector_load %arg9[%get3A_105, %get3A_106] {strides = array<i32>} : memref<80x128xf32, #tpu.memory_space<vmem>>, vector<16xf32>,
      %get3A_108 = arith.index_cast %add3A_74 : i32 to index
      %get3A_109 = arith.constant 64 : index
      %get3A_110 = tpu.vector_load %arg11[%get3A_108, %get3A_109] {strides = array<i32>} : memref<80x128xf32, #tpu.memory_space<vmem>>, vector<16xf32>,
      %mul3A_111 = arith.mulf %get3A_107, %get3A_110 : vector<16xf32>
      %add3A_112 = arith.addf %add3A_104, %mul3A_111 : vector<16xf32>
      %get3A_113 = arith.index_cast %add3A_74 : i32 to index
      %get3A_114 = arith.constant 80 : index
      %get3A_115 = tpu.vector_load %arg9[%get3A_113, %get3A_114] {strides = array<i32>} : memref<80x128xf32, #tpu.memory_space<vmem>>, vector<16xf32>,
      %get3A_116 = arith.index_cast %add3A_74 : i32 to index
      %get3A_117 = arith.constant 80 : index
      %get3A_118 = tpu.vector_load %arg11[%get3A_116, %get3A_117] {strides = array<i32>} : memref<80x128xf32, #tpu.memory_space<vmem>>, vector<16xf32>,
      %mul3A_119 = arith.mulf %get3A_115, %get3A_118 : vector<16xf32>
      %add3A_120 = arith.addf %add3A_112, %mul3A_119 : vector<16xf32>
      %get3A_121 = arith.index_cast %add3A_74 : i32 to index
      %get3A_122 = arith.constant 96 : index
      %get3A_123 = tpu.vector_load %arg9[%get3A_121, %get3A_122] {strides = array<i32>} : memref<80x128xf32, #tpu.memory_space<vmem>>, vector<16xf32>,
      %get3A_124 = arith.index_cast %add3A_74 : i32 to index
      %get3A_125 = arith.constant 96 : index
      %get3A_126 = tpu.vector_load %arg11[%get3A_124, %get3A_125] {strides = array<i32>} : memref<80x128xf32, #tpu.memory_space<vmem>>, vector<16xf32>,
      %mul3A_127 = arith.mulf %get3A_123, %get3A_126 : vector<16xf32>
      %add3A_128 = arith.addf %add3A_120, %mul3A_127 : vector<16xf32>
      %get3A_129 = arith.index_cast %add3A_74 : i32 to index
      %get3A_130 = arith.constant 112 : index
      %get3A_131 = tpu.vector_load %arg9[%get3A_129, %get3A_130] {strides = array<i32>} : memref<80x128xf32, #tpu.memory_space<vmem>>, vector<16xf32>,
      %get3A_132 = arith.index_cast %add3A_74 : i32 to index
      %get3A_133 = arith.constant 112 : index
      %get3A_134 = tpu.vector_load %arg11[%get3A_132, %get3A_133] {strides = array<i32>} : memref<80x128xf32, #tpu.memory_space<vmem>>, vector<16xf32>,
      %mul3A_135 = arith.mulf %get3A_131, %get3A_134 : vector<16xf32>
      %add3A_136 = arith.addf %add3A_128, %mul3A_135 : vector<16xf32>
      %swap3A = arith.index_cast %add3A_74 : i32 to index
      %swap3A_137 = arith.constant 0 : index
      %swap3A_138 = tpu.vector_load %arg13[%swap3A, %swap3A_137] {strides = array<i32>} : memref<80x16xf32, #tpu.memory_space<vmem>>, vector<16xf32>,
      tpu.vector_store %arg13[%swap3A, %swap3A_137], %add3A_136 {strides = array<i32>} : memref<80x16xf32, #tpu.memory_space<vmem>>, vector<16xf32>,
      %mul3A_139 = arith.constant 4 : i32
      %mul3A_140 = arith.muli %scan3A_70, %mul3A_139 : i32
      %add3A_141 = arith.constant 1 : i32
      %add3A_142 = arith.addi %mul3A_140, %add3A_141 : i32
      %get3A_143 = arith.index_cast %add3A_142 : i32 to index
      %get3A_144 = arith.constant 0 : index
      %get3A_145 = tpu.vector_load %arg9[%get3A_143, %get3A_144] {strides = array<i32>} : memref<80x128xf32, #tpu.memory_space<vmem>>, vector<16xf32>,
      %get3A_146 = arith.index_cast %add3A_142 : i32 to index
      %get3A_147 = arith.constant 0 : index
      %get3A_148 = tpu.vector_load %arg11[%get3A_146, %get3A_147] {strides = array<i32>} : memref<80x128xf32, #tpu.memory_space<vmem>>, vector<16xf32>,
      %mul3A_149 = arith.mulf %get3A_145, %get3A_148 : vector<16xf32>
      %get3A_150 = arith.index_cast %add3A_142 : i32 to index
      %get3A_151 = arith.constant 16 : index
      %get3A_152 = tpu.vector_load %arg9[%get3A_150, %get3A_151] {strides = array<i32>} : memref<80x128xf32, #tpu.memory_space<vmem>>, vector<16xf32>,
      %get3A_153 = arith.index_cast %add3A_142 : i32 to index
      %get3A_154 = arith.constant 16 : index
      %get3A_155 = tpu.vector_load %arg11[%get3A_153, %get3A_154] {strides = array<i32>} : memref<80x128xf32, #tpu.memory_space<vmem>>, vector<16xf32>,
      %mul3A_156 = arith.mulf %get3A_152, %get3A_155 : vector<16xf32>
      %add3A_157 = arith.addf %mul3A_149, %mul3A_156 : vector<16xf32>
      %get3A_158 = arith.index_cast %add3A_142 : i32 to index
      %get3A_159 = arith.constant 32 : index
      %get3A_160 = tpu.vector_load %arg9[%get3A_158, %get3A_159] {strides = array<i32>} : memref<80x128xf32, #tpu.memory_space<vmem>>, vector<16xf32>,
      %get3A_161 = arith.index_cast %add3A_142 : i32 to index
      %get3A_162 = arith.constant 32 : index
      %get3A_163 = tpu.vector_load %arg11[%get3A_161, %get3A_162] {strides = array<i32>} : memref<80x128xf32, #tpu.memory_space<vmem>>, vector<16xf32>,
      %mul3A_164 = arith.mulf %get3A_160, %get3A_163 : vector<16xf32>
      %add3A_165 = arith.addf %add3A_157, %mul3A_164 : vector<16xf32>
      %get3A_166 = arith.index_cast %add3A_142 : i32 to index
      %get3A_167 = arith.constant 48 : index
      %get3A_168 = tpu.vector_load %arg9[%get3A_166, %get3A_167] {strides = array<i32>} : memref<80x128xf32, #tpu.memory_space<vmem>>, vector<16xf32>,
      %get3A_169 = arith.index_cast %add3A_142 : i32 to index
      %get3A_170 = arith.constant 48 : index
      %get3A_171 = tpu.vector_load %arg11[%get3A_169, %get3A_170] {strides = array<i32>} : memref<80x128xf32, #tpu.memory_space<vmem>>, vector<16xf32>,
      %mul3A_172 = arith.mulf %get3A_168, %get3A_171 : vector<16xf32>
      %add3A_173 = arith.addf %add3A_165, %mul3A_172 : vector<16xf32>
      %get3A_174 = arith.index_cast %add3A_142 : i32 to index
      %get3A_175 = arith.constant 64 : index
      %get3A_176 = tpu.vector_load %arg9[%get3A_174, %get3A_175] {strides = array<i32>} : memref<80x128xf32, #tpu.memory_space<vmem>>, vector<16xf32>,
      %get3A_177 = arith.index_cast %add3A_142 : i32 to index
      %get3A_178 = arith.constant 64 : index
      %get3A_179 = tpu.vector_load %arg11[%get3A_177, %get3A_178] {strides = array<i32>} : memref<80x128xf32, #tpu.memory_space<vmem>>, vector<16xf32>,
      %mul3A_180 = arith.mulf %get3A_176, %get3A_179 : vector<16xf32>
      %add3A_181 = arith.addf %add3A_173, %mul3A_180 : vector<16xf32>
      %get3A_182 = arith.index_cast %add3A_142 : i32 to index
      %get3A_183 = arith.constant 80 : index
      %get3A_184 = tpu.vector_load %arg9[%get3A_182, %get3A_183] {strides = array<i32>} : memref<80x128xf32, #tpu.memory_space<vmem>>, vector<16xf32>,
      %get3A_185 = arith.index_cast %add3A_142 : i32 to index
      %get3A_186 = arith.constant 80 : index
      %get3A_187 = tpu.vector_load %arg11[%get3A_185, %get3A_186] {strides = array<i32>} : memref<80x128xf32, #tpu.memory_space<vmem>>, vector<16xf32>,
      %mul3A_188 = arith.mulf %get3A_184, %get3A_187 : vector<16xf32>
      %add3A_189 = arith.addf %add3A_181, %mul3A_188 : vector<16xf32>
      %get3A_190 = arith.index_cast %add3A_142 : i32 to index
      %get3A_191 = arith.constant 96 : index
      %get3A_192 = tpu.vector_load %arg9[%get3A_190, %get3A_191] {strides = array<i32>} : memref<80x128xf32, #tpu.memory_space<vmem>>, vector<16xf32>,
      %get3A_193 = arith.index_cast %add3A_142 : i32 to index
      %get3A_194 = arith.constant 96 : index
      %get3A_195 = tpu.vector_load %arg11[%get3A_193, %get3A_194] {strides = array<i32>} : memref<80x128xf32, #tpu.memory_space<vmem>>, vector<16xf32>,
      %mul3A_196 = arith.mulf %get3A_192, %get3A_195 : vector<16xf32>
      %add3A_197 = arith.addf %add3A_189, %mul3A_196 : vector<16xf32>
      %get3A_198 = arith.index_cast %add3A_142 : i32 to index
      %get3A_199 = arith.constant 112 : index
      %get3A_200 = tpu.vector_load %arg9[%get3A_198, %get3A_199] {strides = array<i32>} : memref<80x128xf32, #tpu.memory_space<vmem>>, vector<16xf32>,
      %get3A_201 = arith.index_cast %add3A_142 : i32 to index
      %get3A_202 = arith.constant 112 : index
      %get3A_203 = tpu.vector_load %arg11[%get3A_201, %get3A_202] {strides = array<i32>} : memref<80x128xf32, #tpu.memory_space<vmem>>, vector<16xf32>,
      %mul3A_204 = arith.mulf %get3A_200, %get3A_203 : vector<16xf32>
      %add3A_205 = arith.addf %add3A_197, %mul3A_204 : vector<16xf32>
      %swap3A_206 = arith.index_cast %add3A_142 : i32 to index
      %swap3A_207 = arith.constant 0 : index
      %swap3A_208 = tpu.vector_load %arg13[%swap3A_206, %swap3A_207] {strides = array<i32>} : memref<80x16xf32, #tpu.memory_space<vmem>>, vector<16xf32>,
      tpu.vector_store %arg13[%swap3A_206, %swap3A_207], %add3A_205 {strides = array<i32>} : memref<80x16xf32, #tpu.memory_space<vmem>>, vector<16xf32>,
      %mul3A_209 = arith.constant 4 : i32
      %mul3A_210 = arith.muli %scan3A_70, %mul3A_209 : i32
      %add3A_211 = arith.constant 2 : i32
      %add3A_212 = arith.addi %mul3A_210, %add3A_211 : i32
      %get3A_213 = arith.index_cast %add3A_212 : i32 to index
      %get3A_214 = arith.constant 0 : index
      %get3A_215 = tpu.vector_load %arg9[%get3A_213, %get3A_214] {strides = array<i32>} : memref<80x128xf32, #tpu.memory_space<vmem>>, vector<16xf32>,
      %get3A_216 = arith.index_cast %add3A_212 : i32 to index
      %get3A_217 = arith.constant 0 : index
      %get3A_218 = tpu.vector_load %arg11[%get3A_216, %get3A_217] {strides = array<i32>} : memref<80x128xf32, #tpu.memory_space<vmem>>, vector<16xf32>,
      %mul3A_219 = arith.mulf %get3A_215, %get3A_218 : vector<16xf32>
      %get3A_220 = arith.index_cast %add3A_212 : i32 to index
      %get3A_221 = arith.constant 16 : index
      %get3A_222 = tpu.vector_load %arg9[%get3A_220, %get3A_221] {strides = array<i32>} : memref<80x128xf32, #tpu.memory_space<vmem>>, vector<16xf32>,
      %get3A_223 = arith.index_cast %add3A_212 : i32 to index
      %get3A_224 = arith.constant 16 : index
      %get3A_225 = tpu.vector_load %arg11[%get3A_223, %get3A_224] {strides = array<i32>} : memref<80x128xf32, #tpu.memory_space<vmem>>, vector<16xf32>,
      %mul3A_226 = arith.mulf %get3A_222, %get3A_225 : vector<16xf32>
      %add3A_227 = arith.addf %mul3A_219, %mul3A_226 : vector<16xf32>
      %get3A_228 = arith.index_cast %add3A_212 : i32 to index
      %get3A_229 = arith.constant 32 : index
      %get3A_230 = tpu.vector_load %arg9[%get3A_228, %get3A_229] {strides = array<i32>} : memref<80x128xf32, #tpu.memory_space<vmem>>, vector<16xf32>,
      %get3A_231 = arith.index_cast %add3A_212 : i32 to index
      %get3A_232 = arith.constant 32 : index
      %get3A_233 = tpu.vector_load %arg11[%get3A_231, %get3A_232] {strides = array<i32>} : memref<80x128xf32, #tpu.memory_space<vmem>>, vector<16xf32>,
      %mul3A_234 = arith.mulf %get3A_230, %get3A_233 : vector<16xf32>
      %add3A_235 = arith.addf %add3A_227, %mul3A_234 : vector<16xf32>
      %get3A_236 = arith.index_cast %add3A_212 : i32 to index
      %get3A_237 = arith.constant 48 : index
      %get3A_238 = tpu.vector_load %arg9[%get3A_236, %get3A_237] {strides = array<i32>} : memref<80x128xf32, #tpu.memory_space<vmem>>, vector<16xf32>,
      %get3A_239 = arith.index_cast %add3A_212 : i32 to index
      %get3A_240 = arith.constant 48 : index
      %get3A_241 = tpu.vector_load %arg11[%get3A_239, %get3A_240] {strides = array<i32>} : memref<80x128xf32, #tpu.memory_space<vmem>>, vector<16xf32>,
      %mul3A_242 = arith.mulf %get3A_238, %get3A_241 : vector<16xf32>
      %add3A_243 = arith.addf %add3A_235, %mul3A_242 : vector<16xf32>
      %get3A_244 = arith.index_cast %add3A_212 : i32 to index
      %get3A_245 = arith.constant 64 : index
      %get3A_246 = tpu.vector_load %arg9[%get3A_244, %get3A_245] {strides = array<i32>} : memref<80x128xf32, #tpu.memory_space<vmem>>, vector<16xf32>,
      %get3A_247 = arith.index_cast %add3A_212 : i32 to index
      %get3A_248 = arith.constant 64 : index
      %get3A_249 = tpu.vector_load %arg11[%get3A_247, %get3A_248] {strides = array<i32>} : memref<80x128xf32, #tpu.memory_space<vmem>>, vector<16xf32>,
      %mul3A_250 = arith.mulf %get3A_246, %get3A_249 : vector<16xf32>
      %add3A_251 = arith.addf %add3A_243, %mul3A_250 : vector<16xf32>
      %get3A_252 = arith.index_cast %add3A_212 : i32 to index
      %get3A_253 = arith.constant 80 : index
      %get3A_254 = tpu.vector_load %arg9[%get3A_252, %get3A_253] {strides = array<i32>} : memref<80x128xf32, #tpu.memory_space<vmem>>, vector<16xf32>,
      %get3A_255 = arith.index_cast %add3A_212 : i32 to index
      %get3A_256 = arith.constant 80 : index
      %get3A_257 = tpu.vector_load %arg11[%get3A_255, %get3A_256] {strides = array<i32>} : memref<80x128xf32, #tpu.memory_space<vmem>>, vector<16xf32>,
      %mul3A_258 = arith.mulf %get3A_254, %get3A_257 : vector<16xf32>
      %add3A_259 = arith.addf %add3A_251, %mul3A_258 : vector<16xf32>
      %get3A_260 = arith.index_cast %add3A_212 : i32 to index
      %get3A_261 = arith.constant 96 : index
      %get3A_262 = tpu.vector_load %arg9[%get3A_260, %get3A_261] {strides = array<i32>} : memref<80x128xf32, #tpu.memory_space<vmem>>, vector<16xf32>,
      %get3A_263 = arith.index_cast %add3A_212 : i32 to index
      %get3A_264 = arith.constant 96 : index
      %get3A_265 = tpu.vector_load %arg11[%get3A_263, %get3A_264] {strides = array<i32>} : memref<80x128xf32, #tpu.memory_space<vmem>>, vector<16xf32>,
      %mul3A_266 = arith.mulf %get3A_262, %get3A_265 : vector<16xf32>
      %add3A_267 = arith.addf %add3A_259, %mul3A_266 : vector<16xf32>
      %get3A_268 = arith.index_cast %add3A_212 : i32 to index
      %get3A_269 = arith.constant 112 : index
      %get3A_270 = tpu.vector_load %arg9[%get3A_268, %get3A_269] {strides = array<i32>} : memref<80x128xf32, #tpu.memory_space<vmem>>, vector<16xf32>,
      %get3A_271 = arith.index_cast %add3A_212 : i32 to index
      %get3A_272 = arith.constant 112 : index
      %get3A_273 = tpu.vector_load %arg11[%get3A_271, %get3A_272] {strides = array<i32>} : memref<80x128xf32, #tpu.memory_space<vmem>>, vector<16xf32>,
      %mul3A_274 = arith.mulf %get3A_270, %get3A_273 : vector<16xf32>
      %add3A_275 = arith.addf %add3A_267, %mul3A_274 : vector<16xf32>
      %swap3A_276 = arith.index_cast %add3A_212 : i32 to index
      %swap3A_277 = arith.constant 0 : index
      %swap3A_278 = tpu.vector_load %arg13[%swap3A_276, %swap3A_277] {strides = array<i32>} : memref<80x16xf32, #tpu.memory_space<vmem>>, vector<16xf32>,
      tpu.vector_store %arg13[%swap3A_276, %swap3A_277], %add3A_275 {strides = array<i32>} : memref<80x16xf32, #tpu.memory_space<vmem>>, vector<16xf32>,
      %mul3A_279 = arith.constant 4 : i32
      %mul3A_280 = arith.muli %scan3A_70, %mul3A_279 : i32
      %add3A_281 = arith.constant 3 : i32
      %add3A_282 = arith.addi %mul3A_280, %add3A_281 : i32
      %get3A_283 = arith.index_cast %add3A_282 : i32 to index
      %get3A_284 = arith.constant 0 : index
      %get3A_285 = tpu.vector_load %arg9[%get3A_283, %get3A_284] {strides = array<i32>} : memref<80x128xf32, #tpu.memory_space<vmem>>, vector<16xf32>,
      %get3A_286 = arith.index_cast %add3A_282 : i32 to index
      %get3A_287 = arith.constant 0 : index
      %get3A_288 = tpu.vector_load %arg11[%get3A_286, %get3A_287] {strides = array<i32>} : memref<80x128xf32, #tpu.memory_space<vmem>>, vector<16xf32>,
      %mul3A_289 = arith.mulf %get3A_285, %get3A_288 : vector<16xf32>
      %get3A_290 = arith.index_cast %add3A_282 : i32 to index
      %get3A_291 = arith.constant 16 : index
      %get3A_292 = tpu.vector_load %arg9[%get3A_290, %get3A_291] {strides = array<i32>} : memref<80x128xf32, #tpu.memory_space<vmem>>, vector<16xf32>,
      %get3A_293 = arith.index_cast %add3A_282 : i32 to index
      %get3A_294 = arith.constant 16 : index
      %get3A_295 = tpu.vector_load %arg11[%get3A_293, %get3A_294] {strides = array<i32>} : memref<80x128xf32, #tpu.memory_space<vmem>>, vector<16xf32>,
      %mul3A_296 = arith.mulf %get3A_292, %get3A_295 : vector<16xf32>
      %add3A_297 = arith.addf %mul3A_289, %mul3A_296 : vector<16xf32>
      %get3A_298 = arith.index_cast %add3A_282 : i32 to index
      %get3A_299 = arith.constant 32 : index
      %get3A_300 = tpu.vector_load %arg9[%get3A_298, %get3A_299] {strides = array<i32>} : memref<80x128xf32, #tpu.memory_space<vmem>>, vector<16xf32>,
      %get3A_301 = arith.index_cast %add3A_282 : i32 to index
      %get3A_302 = arith.constant 32 : index
      %get3A_303 = tpu.vector_load %arg11[%get3A_301, %get3A_302] {strides = array<i32>} : memref<80x128xf32, #tpu.memory_space<vmem>>, vector<16xf32>,
      %mul3A_304 = arith.mulf %get3A_300, %get3A_303 : vector<16xf32>
      %add3A_305 = arith.addf %add3A_297, %mul3A_304 : vector<16xf32>
      %get3A_306 = arith.index_cast %add3A_282 : i32 to index
      %get3A_307 = arith.constant 48 : index
      %get3A_308 = tpu.vector_load %arg9[%get3A_306, %get3A_307] {strides = array<i32>} : memref<80x128xf32, #tpu.memory_space<vmem>>, vector<16xf32>,
      %get3A_309 = arith.index_cast %add3A_282 : i32 to index
      %get3A_310 = arith.constant 48 : index
      %get3A_311 = tpu.vector_load %arg11[%get3A_309, %get3A_310] {strides = array<i32>} : memref<80x128xf32, #tpu.memory_space<vmem>>, vector<16xf32>,
      %mul3A_312 = arith.mulf %get3A_308, %get3A_311 : vector<16xf32>
      %add3A_313 = arith.addf %add3A_305, %mul3A_312 : vector<16xf32>
      %get3A_314 = arith.index_cast %add3A_282 : i32 to index
      %get3A_315 = arith.constant 64 : index
      %get3A_316 = tpu.vector_load %arg9[%get3A_314, %get3A_315] {strides = array<i32>} : memref<80x128xf32, #tpu.memory_space<vmem>>, vector<16xf32>,
      %get3A_317 = arith.index_cast %add3A_282 : i32 to index
      %get3A_318 = arith.constant 64 : index
      %get3A_319 = tpu.vector_load %arg11[%get3A_317, %get3A_318] {strides = array<i32>} : memref<80x128xf32, #tpu.memory_space<vmem>>, vector<16xf32>,
      %mul3A_320 = arith.mulf %get3A_316, %get3A_319 : vector<16xf32>
      %add3A_321 = arith.addf %add3A_313, %mul3A_320 : vector<16xf32>
      %get3A_322 = arith.index_cast %add3A_282 : i32 to index
      %get3A_323 = arith.constant 80 : index
      %get3A_324 = tpu.vector_load %arg9[%get3A_322, %get3A_323] {strides = array<i32>} : memref<80x128xf32, #tpu.memory_space<vmem>>, vector<16xf32>,
      %get3A_325 = arith.index_cast %add3A_282 : i32 to index
      %get3A_326 = arith.constant 80 : index
      %get3A_327 = tpu.vector_load %arg11[%get3A_325, %get3A_326] {strides = array<i32>} : memref<80x128xf32, #tpu.memory_space<vmem>>, vector<16xf32>,
      %mul3A_328 = arith.mulf %get3A_324, %get3A_327 : vector<16xf32>
      %add3A_329 = arith.addf %add3A_321, %mul3A_328 : vector<16xf32>
      %get3A_330 = arith.index_cast %add3A_282 : i32 to index
      %get3A_331 = arith.constant 96 : index
      %get3A_332 = tpu.vector_load %arg9[%get3A_330, %get3A_331] {strides = array<i32>} : memref<80x128xf32, #tpu.memory_space<vmem>>, vector<16xf32>,
      %get3A_333 = arith.index_cast %add3A_282 : i32 to index
      %get3A_334 = arith.constant 96 : index
      %get3A_335 = tpu.vector_load %arg11[%get3A_333, %get3A_334] {strides = array<i32>} : memref<80x128xf32, #tpu.memory_space<vmem>>, vector<16xf32>,
      %mul3A_336 = arith.mulf %get3A_332, %get3A_335 : vector<16xf32>
      %add3A_337 = arith.addf %add3A_329, %mul3A_336 : vector<16xf32>
      %get3A_338 = arith.index_cast %add3A_282 : i32 to index
      %get3A_339 = arith.constant 112 : index
      %get3A_340 = tpu.vector_load %arg9[%get3A_338, %get3A_339] {strides = array<i32>} : memref<80x128xf32, #tpu.memory_space<vmem>>, vector<16xf32>,
      %get3A_341 = arith.index_cast %add3A_282 : i32 to index
      %get3A_342 = arith.constant 112 : index
      %get3A_343 = tpu.vector_load %arg11[%get3A_341, %get3A_342] {strides = array<i32>} : memref<80x128xf32, #tpu.memory_space<vmem>>, vector<16xf32>,
      %mul3A_344 = arith.mulf %get3A_340, %get3A_343 : vector<16xf32>
      %add3A_345 = arith.addf %add3A_337, %mul3A_344 : vector<16xf32>
      %swap3A_346 = arith.index_cast %add3A_282 : i32 to index
      %swap3A_347 = arith.constant 0 : index
      %swap3A_348 = tpu.vector_load %arg13[%swap3A_346, %swap3A_347] {strides = array<i32>} : memref<80x16xf32, #tpu.memory_space<vmem>>, vector<16xf32>,
      tpu.vector_store %arg13[%swap3A_346, %swap3A_347], %add3A_345 {strides = array<i32>} : memref<80x16xf32, #tpu.memory_space<vmem>>, vector<16xf32>,
    }
    %scan3A_45 = arith.constant 20 : i32
    %mul3A_46 = arith.constant 10000 : i32
    %mul3A_47 = arith.muli %add3A, %mul3A_46 : i32
    %add3A_48 = arith.constant 9920 : i32
    %add3A_49 = arith.addi %mul3A_47, %add3A_48 : i32
    %dma_start3A_50 = arith.constant 0 : i32
    %dma_start3A_51 = tpu.memref_slice %arg6[%add3A_49, %dma_start3A_50] : memref<320000x16xf32, #tpu.memory_space<hbm>> -> memref<80x16xf32, #tpu.memory_space<hbm>>
    %dma_start3A_52 = arith.constant 0 : i32
    %dma_start3A_53 = tpu.memref_slice %arg6[%add3A_49, %dma_start3A_52] : memref<320000x16xf32, #tpu.memory_space<hbm>> -> memref<80x16xf32, #tpu.memory_space<hbm>>
    tpu.enqueue_dma source(%arg13 : memref<80x16xf32, #tpu.memory_space<vmem>>) target(%dma_start3A_53 : memref<80x16xf32, #tpu.memory_space<hbm>>) target_semaphore(%arg19 : memref<!tpu.dma_semaphore, #tpu.memory_space<semaphore_mem>>)
    %mul3A_54 = arith.constant 10000 : i32
    %mul3A_55 = arith.muli %add3A, %mul3A_54 : i32
    %add3A_56 = arith.constant 9920 : i32
    %add3A_57 = arith.addi %mul3A_55, %add3A_56 : i32
    %dma_wait3A_58 = arith.constant 0 : i32
    %dma_wait3A_59 = tpu.memref_slice %arg6[%add3A_57, %dma_wait3A_58] : memref<320000x16xf32, #tpu.memory_space<hbm>> -> memref<80x16xf32, #tpu.memory_space<hbm>>
    %dma_wait3A_60 = arith.constant 0 : i32
    %dma_wait3A_61 = tpu.memref_slice %arg6[%add3A_57, %dma_wait3A_60] : memref<320000x16xf32, #tpu.memory_space<hbm>> -> memref<80x16xf32, #tpu.memory_space<hbm>>
    tpu.wait_dma2 semaphore(%arg19 : memref<!tpu.dma_semaphore, #tpu.memory_space<semaphore_mem>>) src(%arg13 : memref<80x16xf32, #tpu.memory_space<vmem>>) dst(%dma_wait3A_61 : memref<80x16xf32, #tpu.memory_space<hbm>>)
    %mul3A_62 = arith.constant 10000 : i32
    %mul3A_63 = arith.muli %add3A, %mul3A_62 : i32
    %add3A_64 = arith.constant 9840 : i32
    %add3A_65 = arith.addi %mul3A_63, %add3A_64 : i32
    %dma_wait3A_66 = arith.constant 0 : i32
    %dma_wait3A_67 = tpu.memref_slice %arg6[%add3A_65, %dma_wait3A_66] : memref<320000x16xf32, #tpu.memory_space<hbm>> -> memref<80x16xf32, #tpu.memory_space<hbm>>
    %dma_wait3A_68 = arith.constant 0 : i32
    %dma_wait3A_69 = tpu.memref_slice %arg6[%add3A_65, %dma_wait3A_68] : memref<320000x16xf32, #tpu.memory_space<hbm>> -> memref<80x16xf32, #tpu.memory_space<hbm>>
    tpu.wait_dma2 semaphore(%arg20 : memref<!tpu.dma_semaphore, #tpu.memory_space<semaphore_mem>>) src(%arg14 : memref<80x16xf32, #tpu.memory_space<vmem>>) dst(%dma_wait3A_69 : memref<80x16xf32, #tpu.memory_space<hbm>>)
    return
  }
}

#map = affine_map<(d0, d1) -> (0, 0)>
module attributes {stable_mosaic.version = 14 : i64} {
  func.func @_deg_body(%arg0: i32, %arg1: i32, %arg2: memref<32x10000xi32, #tpu.memory_space<hbm>>, %arg3: memref<32x10000xf32, #tpu.memory_space<hbm>>, %arg4: memref<10000xi32, #tpu.memory_space<vmem>>, %arg5: memref<10000xf32, #tpu.memory_space<vmem>>) attributes {dimension_semantics = [#tpu.dimension_semantics<core_parallel>, #tpu.dimension_semantics<subcore_parallel>], iteration_bounds = array<i64: 2, 16>, scalar_prefetch = 0 : i64, scratch_operands = 2 : i64, tpu.core_type = #tpu.core_type<sc_vector_subcore>, window_params = [{transform_indices = #map}, {transform_indices = #map}]} {
    %mul3A = arith.constant 16 : i32
    %mul3A_0 = arith.muli %arg0, %mul3A : i32
    %add3A = arith.addi %mul3A_0, %arg1 : i32
    "tpu.region"() ({
      %run_scoped3A = tpu.sem_alloc : memref<!tpu.dma_semaphore, #tpu.memory_space<semaphore_mem>>
      %dma_start3A = arith.constant 0 : i32
      %dma_start3A_15 = tpu.memref_slice %arg2[%add3A, %dma_start3A] : memref<32x10000xi32, #tpu.memory_space<hbm>> -> memref<1x10000xi32, #tpu.memory_space<hbm>>
      %dma_start3A_16 = tpu.memref_squeeze %dma_start3A_15 : memref<1x10000xi32, #tpu.memory_space<hbm>> -> memref<10000xi32, #tpu.memory_space<hbm>>
      %dma_start3A_17 = arith.constant 0 : i32
      %dma_start3A_18 = tpu.memref_slice %arg2[%add3A, %dma_start3A_17] : memref<32x10000xi32, #tpu.memory_space<hbm>> -> memref<1x10000xi32, #tpu.memory_space<hbm>>
      %dma_start3A_19 = tpu.memref_squeeze %dma_start3A_18 : memref<1x10000xi32, #tpu.memory_space<hbm>> -> memref<10000xi32, #tpu.memory_space<hbm>>
      tpu.enqueue_dma source(%dma_start3A_19 : memref<10000xi32, #tpu.memory_space<hbm>>) target(%arg4 : memref<10000xi32, #tpu.memory_space<vmem>>) target_semaphore(%run_scoped3A : memref<!tpu.dma_semaphore, #tpu.memory_space<semaphore_mem>>)
      %dma_wait3A = arith.constant 0 : i32
      %dma_wait3A_20 = tpu.memref_slice %arg2[%add3A, %dma_wait3A] : memref<32x10000xi32, #tpu.memory_space<hbm>> -> memref<1x10000xi32, #tpu.memory_space<hbm>>
      %dma_wait3A_21 = tpu.memref_squeeze %dma_wait3A_20 : memref<1x10000xi32, #tpu.memory_space<hbm>> -> memref<10000xi32, #tpu.memory_space<hbm>>
      %dma_wait3A_22 = arith.constant 0 : i32
      %dma_wait3A_23 = tpu.memref_slice %arg2[%add3A, %dma_wait3A_22] : memref<32x10000xi32, #tpu.memory_space<hbm>> -> memref<1x10000xi32, #tpu.memory_space<hbm>>
      %dma_wait3A_24 = tpu.memref_squeeze %dma_wait3A_23 : memref<1x10000xi32, #tpu.memory_space<hbm>> -> memref<10000xi32, #tpu.memory_space<hbm>>
      tpu.wait_dma2 semaphore(%run_scoped3A : memref<!tpu.dma_semaphore, #tpu.memory_space<semaphore_mem>>) src(%dma_wait3A_24 : memref<10000xi32, #tpu.memory_space<hbm>>) dst(%arg4 : memref<10000xi32, #tpu.memory_space<vmem>>)
      tpu.yield
    }) : () -> ()
    %broadcast_in_dim3A = arith.constant 0.000000e+00 : f32
    %broadcast_in_dim3A_1 = vector.broadcast %broadcast_in_dim3A : f32 to vector<16xf32>
    %scan3A = arith.constant 0 : i32
    %scan3A_2 = arith.constant 0 : i32
    %scan3A_3 = arith.constant 625 : i32
    %scan3A_4 = arith.addi %scan3A_2, %scan3A_3 : i32
    %scan3A_5 = arith.constant 1 : i32
    scf.for %scan3A_15 = %scan3A_2 to %scan3A_4 step %scan3A_5  : i32 {
      %mul3A_16 = arith.constant 16 : i32
      %mul3A_17 = arith.muli %scan3A_15, %mul3A_16 : i32
      %swap3A = arith.index_cast %mul3A_17 : i32 to index
      %swap3A_18 = tpu.vector_load %arg5[%swap3A] {strides = array<i32>} : memref<10000xf32, #tpu.memory_space<vmem>>, vector<16xf32>,
      tpu.vector_store %arg5[%swap3A], %broadcast_in_dim3A_1 {strides = array<i32>} : memref<10000xf32, #tpu.memory_space<vmem>>, vector<16xf32>,
    }
    %scan3A_6 = arith.constant 625 : i32
    %broadcast_in_dim3A_7 = arith.constant 1.000000e+00 : f32
    %broadcast_in_dim3A_8 = vector.broadcast %broadcast_in_dim3A_7 : f32 to vector<16xf32>
    %scan3A_9 = arith.constant 0 : i32
    %scan3A_10 = arith.constant 0 : i32
    %scan3A_11 = arith.constant 625 : i32
    %scan3A_12 = arith.addi %scan3A_10, %scan3A_11 : i32
    %scan3A_13 = arith.constant 1 : i32
    scf.for %scan3A_15 = %scan3A_10 to %scan3A_12 step %scan3A_13  : i32 {
      %mul3A_16 = arith.constant 16 : i32
      %mul3A_17 = arith.muli %scan3A_15, %mul3A_16 : i32
      %get3A = arith.index_cast %mul3A_17 : i32 to index
      %get3A_18 = tpu.vector_load %arg4[%get3A] {strides = array<i32>} : memref<10000xi32, #tpu.memory_space<vmem>>, vector<16xi32>,
      tpu.vector_store_idx %arg5[%get3A_18], %broadcast_in_dim3A_8 {add = true} : memref<10000xf32, #tpu.memory_space<vmem>>[vector<16xi32>], vector<16xf32>,
    }
    %scan3A_14 = arith.constant 625 : i32
    "tpu.region"() ({
      %run_scoped3A = tpu.sem_alloc : memref<!tpu.dma_semaphore, #tpu.memory_space<semaphore_mem>>
      %dma_start3A = arith.constant 0 : i32
      %dma_start3A_15 = tpu.memref_slice %arg3[%add3A, %dma_start3A] : memref<32x10000xf32, #tpu.memory_space<hbm>> -> memref<1x10000xf32, #tpu.memory_space<hbm>>
      %dma_start3A_16 = tpu.memref_squeeze %dma_start3A_15 : memref<1x10000xf32, #tpu.memory_space<hbm>> -> memref<10000xf32, #tpu.memory_space<hbm>>
      %dma_start3A_17 = arith.constant 0 : i32
      %dma_start3A_18 = tpu.memref_slice %arg3[%add3A, %dma_start3A_17] : memref<32x10000xf32, #tpu.memory_space<hbm>> -> memref<1x10000xf32, #tpu.memory_space<hbm>>
      %dma_start3A_19 = tpu.memref_squeeze %dma_start3A_18 : memref<1x10000xf32, #tpu.memory_space<hbm>> -> memref<10000xf32, #tpu.memory_space<hbm>>
      tpu.enqueue_dma source(%arg5 : memref<10000xf32, #tpu.memory_space<vmem>>) target(%dma_start3A_19 : memref<10000xf32, #tpu.memory_space<hbm>>) target_semaphore(%run_scoped3A : memref<!tpu.dma_semaphore, #tpu.memory_space<semaphore_mem>>)
      %dma_wait3A = arith.constant 0 : i32
      %dma_wait3A_20 = tpu.memref_slice %arg3[%add3A, %dma_wait3A] : memref<32x10000xf32, #tpu.memory_space<hbm>> -> memref<1x10000xf32, #tpu.memory_space<hbm>>
      %dma_wait3A_21 = tpu.memref_squeeze %dma_wait3A_20 : memref<1x10000xf32, #tpu.memory_space<hbm>> -> memref<10000xf32, #tpu.memory_space<hbm>>
      %dma_wait3A_22 = arith.constant 0 : i32
      %dma_wait3A_23 = tpu.memref_slice %arg3[%add3A, %dma_wait3A_22] : memref<32x10000xf32, #tpu.memory_space<hbm>> -> memref<1x10000xf32, #tpu.memory_space<hbm>>
      %dma_wait3A_24 = tpu.memref_squeeze %dma_wait3A_23 : memref<1x10000xf32, #tpu.memory_space<hbm>> -> memref<10000xf32, #tpu.memory_space<hbm>>
      tpu.wait_dma2 semaphore(%run_scoped3A : memref<!tpu.dma_semaphore, #tpu.memory_space<semaphore_mem>>) src(%arg5 : memref<10000xf32, #tpu.memory_space<vmem>>) dst(%dma_wait3A_24 : memref<10000xf32, #tpu.memory_space<hbm>>)
      tpu.yield
    }) : () -> ()
    return
  }
}

module attributes {stable_mosaic.version = 14 : i64} {
  func.func @_pre_body(%arg0: memref<10000x128xf32, #tpu.memory_space<vmem>>, %arg1: memref<128x128xf32, #tpu.memory_space<vmem>>, %arg2: memref<1x128xf32, #tpu.memory_space<vmem>>, %arg3: memref<128x128xf32, #tpu.memory_space<vmem>>, %arg4: memref<384x128xf32, #tpu.memory_space<vmem>>, %arg5: memref<384x128xf32, #tpu.memory_space<vmem>>, %arg6: memref<1x384xf32, #tpu.memory_space<vmem>>, %arg7: memref<1x384xf32, #tpu.memory_space<vmem>>, %arg8: memref<32x10000xf32, #tpu.memory_space<vmem>>, %arg9: memref<10000x128xf32, #tpu.memory_space<vmem>>, %arg10: memref<10000x128xf32, #tpu.memory_space<vmem>>, %arg11: memref<10000x1xf32, #tpu.memory_space<vmem>>, %arg12: memref<10000x1xf32, #tpu.memory_space<vmem>>) attributes {dimension_semantics = [], scalar_prefetch = 0 : i64, scratch_operands = 0 : i64, tpu.core_type = #tpu.core_type<tc>} {
    %get3A = arith.constant 0 : index
    %get3A_0 = arith.constant 0 : index
    %get3A_1 = vector.load %arg3[%get3A, %get3A_0] : memref<128x128xf32, #tpu.memory_space<vmem>>, vector<128x128xf32>
    %get3A_2 = arith.constant 0 : index
    %get3A_3 = arith.constant 0 : index
    %get3A_4 = vector.load %arg4[%get3A_2, %get3A_3] : memref<384x128xf32, #tpu.memory_space<vmem>>, vector<384x128xf32>
    %dot_general3A = arith.constant dense<0.000000e+00> : vector<128x384xf32>
    %dot_general3A_5 = tpu.matmul %get3A_1, %get3A_4, %dot_general3A {dimension_numbers = #tpu.dot_dimension_numbers<[1], [1], [0], [0], [0, 0, 1, 0], [], []>, transpose_lhs_hint = false} : vector<128x128xf32>, vector<384x128xf32>, vector<128x384xf32> -> vector<128x384xf32>
    %get3A_6 = arith.constant 0 : index
    %get3A_7 = arith.constant 0 : index
    %get3A_8 = vector.load %arg6[%get3A_6, %get3A_7] : memref<1x384xf32, #tpu.memory_space<vmem>>, vector<1x384xf32>
    %add3A = vector.broadcast %get3A_8 : vector<1x384xf32> to vector<128x384xf32>
    %add3A_9 = arith.addf %dot_general3A_5, %add3A : vector<128x384xf32>
    %get3A_10 = arith.constant 0 : index
    %get3A_11 = arith.constant 0 : index
    %get3A_12 = vector.load %arg5[%get3A_10, %get3A_11] : memref<384x128xf32, #tpu.memory_space<vmem>>, vector<384x128xf32>
    %dot_general3A_13 = arith.constant dense<0.000000e+00> : vector<128x384xf32>
    %dot_general3A_14 = tpu.matmul %get3A_1, %get3A_12, %dot_general3A_13 {dimension_numbers = #tpu.dot_dimension_numbers<[1], [1], [0], [0], [0, 0, 1, 0], [], []>, transpose_lhs_hint = false} : vector<128x128xf32>, vector<384x128xf32>, vector<128x384xf32> -> vector<128x384xf32>
    %get3A_15 = arith.constant 0 : index
    %get3A_16 = arith.constant 0 : index
    %get3A_17 = vector.load %arg7[%get3A_15, %get3A_16] : memref<1x384xf32, #tpu.memory_space<vmem>>, vector<1x384xf32>
    %add3A_18 = vector.broadcast %get3A_17 : vector<1x384xf32> to vector<128x384xf32>
    %add3A_19 = arith.addf %dot_general3A_14, %add3A_18 : vector<128x384xf32>
    %slice3A = vector.extract_strided_slice %add3A_9 {offsets = [0, 0], sizes = [128, 128], strides = [1, 1]} : vector<128x384xf32> to vector<128x128xf32>
    %slice3A_20 = vector.extract_strided_slice %add3A_9 {offsets = [0, 128], sizes = [128, 128], strides = [1, 1]} : vector<128x384xf32> to vector<128x128xf32>
    %slice3A_21 = vector.extract_strided_slice %add3A_9 {offsets = [0, 256], sizes = [128, 128], strides = [1, 1]} : vector<128x384xf32> to vector<128x128xf32>
    %slice3A_22 = vector.extract_strided_slice %add3A_19 {offsets = [0, 0], sizes = [128, 128], strides = [1, 1]} : vector<128x384xf32> to vector<128x128xf32>
    %slice3A_23 = vector.extract_strided_slice %add3A_19 {offsets = [0, 128], sizes = [128, 128], strides = [1, 1]} : vector<128x384xf32> to vector<128x128xf32>
    %slice3A_24 = vector.extract_strided_slice %add3A_19 {offsets = [0, 256], sizes = [128, 128], strides = [1, 1]} : vector<128x384xf32> to vector<128x128xf32>
    %add3A_25 = arith.addf %slice3A, %slice3A_22 : vector<128x128xf32>
    %logistic3A = arith.negf %add3A_25 : vector<128x128xf32>
    %logistic3A_26 = math.exp %logistic3A : vector<128x128xf32>
    %logistic3A_27 = arith.constant 1.000000e+00 : f32
    %logistic3A_28 = vector.broadcast %logistic3A_27 : f32 to vector<128x128xf32>
    %logistic3A_29 = arith.addf %logistic3A_28, %logistic3A_26 : vector<128x128xf32>
    %logistic3A_30 = arith.divf %logistic3A_28, %logistic3A_29 : vector<128x128xf32>
    %add3A_31 = arith.addf %slice3A_20, %slice3A_23 : vector<128x128xf32>
    %logistic3A_32 = arith.negf %add3A_31 : vector<128x128xf32>
    %logistic3A_33 = math.exp %logistic3A_32 : vector<128x128xf32>
    %logistic3A_34 = arith.constant 1.000000e+00 : f32
    %logistic3A_35 = vector.broadcast %logistic3A_34 : f32 to vector<128x128xf32>
    %logistic3A_36 = arith.addf %logistic3A_35, %logistic3A_33 : vector<128x128xf32>
    %logistic3A_37 = arith.divf %logistic3A_35, %logistic3A_36 : vector<128x128xf32>
    %mul3A = arith.mulf %logistic3A_30, %slice3A_24 : vector<128x128xf32>
    %add3A_38 = arith.addf %slice3A_21, %mul3A : vector<128x128xf32>
    %tanh3A = math.tanh %add3A_38 : vector<128x128xf32>
    %sub3A = arith.constant 1.000000e+00 : f32
    %sub3A_39 = vector.broadcast %sub3A : f32 to vector<128x128xf32>
    %sub3A_40 = arith.subf %sub3A_39, %logistic3A_37 : vector<128x128xf32>
    %mul3A_41 = arith.mulf %sub3A_40, %tanh3A : vector<128x128xf32>
    %mul3A_42 = arith.mulf %logistic3A_37, %get3A_1 : vector<128x128xf32>
    %add3A_43 = arith.addf %mul3A_41, %mul3A_42 : vector<128x128xf32>
    %get3A_44 = arith.constant 0 : index
    %get3A_45 = arith.constant 0 : index
    %get3A_46 = vector.load %arg1[%get3A_44, %get3A_45] : memref<128x128xf32, #tpu.memory_space<vmem>>, vector<128x128xf32>
    %dot_general3A_47 = arith.constant dense<0.000000e+00> : vector<128x128xf32>
    %dot_general3A_48 = tpu.matmul %get3A_46, %add3A_43, %dot_general3A_47 {dimension_numbers = #tpu.dot_dimension_numbers<[0], [0], [1], [1], [0, 1, 1, 1], [], []>, transpose_lhs_hint = false} : vector<128x128xf32>, vector<128x128xf32>, vector<128x128xf32> -> vector<128x128xf32>
    %get3A_49 = arith.constant 0 : index
    %get3A_50 = arith.constant 0 : index
    %get3A_51 = vector.load %arg2[%get3A_49, %get3A_50] : memref<1x128xf32, #tpu.memory_space<vmem>>, vector<1x128xf32>
    %dot_general3A_52 = arith.constant dense<0.000000e+00> : vector<1x128xf32>
    %dot_general3A_53 = tpu.matmul %get3A_51, %add3A_43, %dot_general3A_52 {dimension_numbers = #tpu.dot_dimension_numbers<[1], [0], [0], [1], [0, 0, 1, 1], [], []>, transpose_lhs_hint = false} : vector<1x128xf32>, vector<128x128xf32>, vector<1x128xf32> -> vector<1x128xf32>
    %get3A_54 = arith.constant 0 : index
    %get3A_55 = arith.constant 0 : index
    %get3A_56 = vector.load %arg0[%get3A_54, %get3A_55] : memref<10000x128xf32, #tpu.memory_space<vmem>>, vector<10000x128xf32>
    %dot_general3A_57 = arith.constant dense<0.000000e+00> : vector<10000x128xf32>
    %dot_general3A_58 = tpu.matmul %get3A_56, %dot_general3A_48, %dot_general3A_57 {dimension_numbers = #tpu.dot_dimension_numbers<[1], [0], [0], [1], [0, 0, 1, 1], [], []>, transpose_lhs_hint = false} : vector<10000x128xf32>, vector<128x128xf32>, vector<10000x128xf32> -> vector<10000x128xf32>
    %add3A_59 = vector.broadcast %dot_general3A_53 : vector<1x128xf32> to vector<10000x128xf32>
    %add3A_60 = arith.addf %dot_general3A_58, %add3A_59 : vector<10000x128xf32>
    %swap3A = arith.constant 0 : index
    %swap3A_61 = arith.constant 0 : index
    %swap3A_62 = vector.load %arg9[%swap3A, %swap3A_61] : memref<10000x128xf32, #tpu.memory_space<vmem>>, vector<10000x128xf32>
    tpu.vector_store %arg9[%swap3A, %swap3A_61], %add3A_60 {strides = array<i32>} : memref<10000x128xf32, #tpu.memory_space<vmem>>, vector<10000x128xf32>,
    %get3A_63 = arith.constant 0 : index
    %get3A_64 = arith.constant 0 : index
    %get3A_65 = vector.load %arg8[%get3A_63, %get3A_64] : memref<32x10000xf32, #tpu.memory_space<vmem>>, vector<32x10000xf32>
    %reduce_sum3A = arith.constant dense<0.000000e+00> : vector<10000xf32>
    %reduce_sum3A_66 = vector.multi_reduction <add>, %get3A_65, %reduce_sum3A [0] : vector<32x10000xf32> to vector<10000xf32>
    %add3A_67 = arith.constant 1.000000e+00 : f32
    %add3A_68 = vector.broadcast %add3A_67 : f32 to vector<10000xf32>
    %add3A_69 = arith.addf %add3A_68, %reduce_sum3A_66 : vector<10000xf32>
    %rsqrt3A = math.rsqrt %add3A_69 : vector<10000xf32>
    %broadcast_in_dim3A = vector.shape_cast %rsqrt3A : vector<10000xf32> to vector<10000x1xf32>
    %swap3A_70 = arith.constant 0 : index
    %swap3A_71 = arith.constant 0 : index
    %swap3A_72 = vector.load %arg11[%swap3A_70, %swap3A_71] : memref<10000x1xf32, #tpu.memory_space<vmem>>, vector<10000x1xf32>
    tpu.vector_store %arg11[%swap3A_70, %swap3A_71], %broadcast_in_dim3A {strides = array<i32>} : memref<10000x1xf32, #tpu.memory_space<vmem>>, vector<10000x1xf32>,
    %div3A = arith.constant 1.000000e+00 : f32
    %div3A_73 = vector.broadcast %div3A : f32 to vector<10000xf32>
    %div3A_74 = arith.divf %div3A_73, %add3A_69 : vector<10000xf32>
    %broadcast_in_dim3A_75 = vector.shape_cast %div3A_74 : vector<10000xf32> to vector<10000x1xf32>
    %swap3A_76 = arith.constant 0 : index
    %swap3A_77 = arith.constant 0 : index
    %swap3A_78 = vector.load %arg12[%swap3A_76, %swap3A_77] : memref<10000x1xf32, #tpu.memory_space<vmem>>, vector<10000x1xf32>
    tpu.vector_store %arg12[%swap3A_76, %swap3A_77], %broadcast_in_dim3A_75 {strides = array<i32>} : memref<10000x1xf32, #tpu.memory_space<vmem>>, vector<10000x1xf32>,
    %broadcast_in_dim3A_79 = vector.shape_cast %rsqrt3A : vector<10000xf32> to vector<10000x1xf32>
    %mul3A_80 = vector.broadcast %broadcast_in_dim3A_79 : vector<10000x1xf32> to vector<10000x128xf32>
    %mul3A_81 = arith.mulf %add3A_60, %mul3A_80 : vector<10000x128xf32>
    %swap3A_82 = arith.constant 0 : index
    %swap3A_83 = arith.constant 0 : index
    %swap3A_84 = vector.load %arg10[%swap3A_82, %swap3A_83] : memref<10000x128xf32, #tpu.memory_space<vmem>>, vector<10000x128xf32>
    tpu.vector_store %arg10[%swap3A_82, %swap3A_83], %mul3A_81 {strides = array<i32>} : memref<10000x128xf32, #tpu.memory_space<vmem>>, vector<10000x128xf32>,
    return
  }
}

module attributes {stable_mosaic.version = 14 : i64} {
  func.func @_fin_body(%arg0: memref<2x5008x128xf32, #tpu.memory_space<vmem>>, %arg1: memref<10000x128xf32, #tpu.memory_space<vmem>>, %arg2: memref<10000x1xf32, #tpu.memory_space<vmem>>, %arg3: memref<10000x1xf32, #tpu.memory_space<vmem>>, %arg4: memref<1x128xf32, #tpu.memory_space<vmem>>, %arg5: memref<1x128xf32, #tpu.memory_space<vmem>>, %arg6: memref<10000x128xf32, #tpu.memory_space<vmem>>, %arg7: memref<10000x128xf32, #tpu.memory_space<vmem>>) attributes {dimension_semantics = [], scalar_prefetch = 0 : i64, scratch_operands = 0 : i64, tpu.core_type = #tpu.core_type<tc>} {
    %get3A = arith.constant 0 : index
    %get3A_0 = arith.constant 0 : index
    %get3A_1 = arith.constant 0 : index
    %get3A_2 = vector.load %arg0[%get3A, %get3A_0, %get3A_1] : memref<2x5008x128xf32, #tpu.memory_space<vmem>>, vector<1x5000x128xf32>
    %get3A_3 = vector.shape_cast %get3A_2 : vector<1x5000x128xf32> to vector<5000x128xf32>
    %get3A_4 = arith.constant 1 : index
    %get3A_5 = arith.constant 0 : index
    %get3A_6 = arith.constant 0 : index
    %get3A_7 = vector.load %arg0[%get3A_4, %get3A_5, %get3A_6] : memref<2x5008x128xf32, #tpu.memory_space<vmem>>, vector<1x5000x128xf32>
    %get3A_8 = vector.shape_cast %get3A_7 : vector<1x5000x128xf32> to vector<5000x128xf32>
    %concatenate3A = tpu.concatenate %get3A_3, %get3A_8 in 0 : vector<5000x128xf32>, vector<5000x128xf32> -> vector<10000x128xf32>
    %get3A_9 = arith.constant 0 : index
    %get3A_10 = arith.constant 0 : index
    %get3A_11 = vector.load %arg2[%get3A_9, %get3A_10] : memref<10000x1xf32, #tpu.memory_space<vmem>>, vector<10000x1xf32>
    %mul3A = vector.broadcast %get3A_11 : vector<10000x1xf32> to vector<10000x128xf32>
    %mul3A_12 = arith.mulf %concatenate3A, %mul3A : vector<10000x128xf32>
    %get3A_13 = arith.constant 0 : index
    %get3A_14 = arith.constant 0 : index
    %get3A_15 = vector.load %arg1[%get3A_13, %get3A_14] : memref<10000x128xf32, #tpu.memory_space<vmem>>, vector<10000x128xf32>
    %get3A_16 = arith.constant 0 : index
    %get3A_17 = arith.constant 0 : index
    %get3A_18 = vector.load %arg3[%get3A_16, %get3A_17] : memref<10000x1xf32, #tpu.memory_space<vmem>>, vector<10000x1xf32>
    %mul3A_19 = vector.broadcast %get3A_18 : vector<10000x1xf32> to vector<10000x128xf32>
    %mul3A_20 = arith.mulf %get3A_15, %mul3A_19 : vector<10000x128xf32>
    %add3A = arith.addf %mul3A_12, %mul3A_20 : vector<10000x128xf32>
    %get3A_21 = arith.constant 0 : index
    %get3A_22 = arith.constant 0 : index
    %get3A_23 = vector.load %arg4[%get3A_21, %get3A_22] : memref<1x128xf32, #tpu.memory_space<vmem>>, vector<1x128xf32>
    %add3A_24 = vector.broadcast %get3A_23 : vector<1x128xf32> to vector<10000x128xf32>
    %add3A_25 = arith.addf %add3A, %add3A_24 : vector<10000x128xf32>
    %max3A = arith.constant 0.000000e+00 : f32
    %max3A_26 = vector.broadcast %max3A : f32 to vector<10000x128xf32>
    %max3A_27 = arith.maximumf %add3A_25, %max3A_26 : vector<10000x128xf32>
    %swap3A = arith.constant 0 : index
    %swap3A_28 = arith.constant 0 : index
    %swap3A_29 = vector.load %arg7[%swap3A, %swap3A_28] : memref<10000x128xf32, #tpu.memory_space<vmem>>, vector<10000x128xf32>
    tpu.vector_store %arg7[%swap3A, %swap3A_28], %max3A_27 {strides = array<i32>} : memref<10000x128xf32, #tpu.memory_space<vmem>>, vector<10000x128xf32>,
    %get3A_30 = arith.constant 0 : index
    %get3A_31 = arith.constant 0 : index
    %get3A_32 = vector.load %arg5[%get3A_30, %get3A_31] : memref<1x128xf32, #tpu.memory_space<vmem>>, vector<1x128xf32>
    %mul3A_33 = vector.broadcast %get3A_32 : vector<1x128xf32> to vector<10000x128xf32>
    %mul3A_34 = arith.mulf %max3A_27, %mul3A_33 : vector<10000x128xf32>
    %swap3A_35 = arith.constant 0 : index
    %swap3A_36 = arith.constant 0 : index
    %swap3A_37 = vector.load %arg6[%swap3A_35, %swap3A_36] : memref<10000x128xf32, #tpu.memory_space<vmem>>, vector<10000x128xf32>
    tpu.vector_store %arg6[%swap3A_35, %swap3A_36], %mul3A_34 {strides = array<i32>} : memref<10000x128xf32, #tpu.memory_space<vmem>>, vector<10000x128xf32>,
    return
  }
}

module attributes {stable_mosaic.version = 14 : i64} {
  func.func @_red_body(%arg0: i32, %arg1: memref<8000x16xf32, #tpu.memory_space<vmem>>, %arg2: memref<1x1xf32, #tpu.memory_space<vmem>>, %arg3: memref<8000x1xf32, #tpu.memory_space<vmem>>) attributes {dimension_semantics = [#tpu.dimension_semantics<arbitrary>], iteration_bounds = array<i64: 40>, scalar_prefetch = 0 : i64, scratch_operands = 0 : i64, tpu.core_type = #tpu.core_type<tc>, window_params = [{transform_indices = @transform_0, window_bounds = array<i64: 8000, 16>}, {pipeline_mode = #tpu.pipeline_mode<synchronous>, transform_indices = @transform_1, window_bounds = array<i64: 1, 1>}, {transform_indices = @transform_2, window_bounds = array<i64: 8000, 1>}]} {
    %get3A = arith.constant 0 : index
    %get3A_0 = arith.constant 0 : index
    %get3A_1 = vector.load %arg1[%get3A, %get3A_0] : memref<8000x16xf32, #tpu.memory_space<vmem>>, vector<8000x16xf32>
    %reduce_sum3A = arith.constant dense<0.000000e+00> : vector<8000xf32>
    %reduce_sum3A_2 = vector.multi_reduction <add>, %get3A_1, %reduce_sum3A [1] : vector<8000x16xf32> to vector<8000xf32>
    %broadcast_in_dim3A = vector.shape_cast %reduce_sum3A_2 : vector<8000xf32> to vector<8000x1xf32>
    %get3A_3 = arith.constant 0 : index
    %get3A_4 = arith.constant 0 : index
    %get3A_5 = vector.load %arg2[%get3A_3, %get3A_4] : memref<1x1xf32, #tpu.memory_space<vmem>>, vector<1x1xf32>
    %add3A = vector.broadcast %get3A_5 : vector<1x1xf32> to vector<8000x1xf32>
    %add3A_6 = arith.addf %broadcast_in_dim3A, %add3A : vector<8000x1xf32>
    %swap3A = arith.constant 0 : index
    %swap3A_7 = arith.constant 0 : index
    %swap3A_8 = vector.load %arg3[%swap3A, %swap3A_7] : memref<8000x1xf32, #tpu.memory_space<vmem>>, vector<8000x1xf32>
    tpu.vector_store %arg3[%swap3A, %swap3A_7], %add3A_6 {strides = array<i32>} : memref<8000x1xf32, #tpu.memory_space<vmem>>, vector<8000x1xf32>,
    return
  }
  func.func @transform_0(%arg0: i32) -> (i32, i32) {
    %c0_i32 = arith.constant 0 : i32
    %c0_i32_0 = arith.constant 0 : i32
    return %arg0, %c0_i32 : i32, i32
  }
  func.func @transform_1(%arg0: i32) -> (i32, i32) {
    %c0_i32 = arith.constant 0 : i32
    %c0_i32_0 = arith.constant 0 : i32
    %c0_i32_1 = arith.constant 0 : i32
    return %c0_i32, %c0_i32_0 : i32, i32
  }
  func.func @transform_2(%arg0: i32) -> (i32, i32) {
    %c0_i32 = arith.constant 0 : i32
    %c0_i32_0 = arith.constant 0 : i32
    return %arg0, %c0_i32 : i32, i32
  }
}

</mosaic_0001>

<sc_bundles>
// kernel: kernel.11.cloned.1.call-start
scs
__scs_entry_jumppad:
0x0: {  	(pc) =	sbr.rel $0x88, $3  }
0x1: {  	(tag) =	ssettag $0x0;
	lr =	simm.s32 $0x1  }
0x2: {  	[smem:$0x3F94] =	sst lr;
	_ =	strace $0xD0000000  }
0x3: {  	_ = 	snop  }
0x4: {  	_ = 	snop  }
0x5: {  	_ = 	snop  }
0x6: {  	_ = 	snop  }
0x7: {  	_ = 	snop  }
__scs_overlays_trampoline_lowered:
0x8: {  	[smem:$0x3FA3] =	sst s0  }
0x9: {  	[smem:$0x3FA4] =	sst s1  }
0xa: {  	[smem:$0x3FA5] =	sst s2  }
0xb: {  	[smem:$0x3FA6] =	sst s3  }
0xc: {  	[smem:$0x3FA7] =	sst s4  }
0xd: {  	[smem:$0x3FA8] =	sst s5  }
0xe: {  	[smem:$0x3FA9] =	sst s6  }
0xf: {  	[smem:$0x3FAA] =	sst s7  }
0x10: {  	[smem:$0x3FAB] =	sst s8  }
0x11: {  	[smem:$0x3FAC] =	sst s9;
	s0 =	simm.s32 @!p0 $0x0  }
0x12: {  	s1 =	sld [smem:$0x3F92];
	s0 =	simm.s32 @p0 $0x1  }
0x13: {  	[smem:$0x3FAD] =	sst s0;
	s0 =	simm.s32 @!p1 $0x0  }
0x14: {  	s2 =	sld [smem:$0x3F91];
	s0 =	simm.s32 @p1 $0x1  }
0x15: {  	[smem:$0x3FAE] =	sst s0;
	s0 =	simm.s32 @!p2 $0x0  }
0x16: {  	s3 =	sld [smem:$0x3FDB];
	s0 =	simm.s32 @p2 $0x1  }
0x17: {  	s4 =	simm.s32 $0x1BF5;
	[smem:$0x3FB0] =	sst s0  }
0x18: {  	s0 =	sld [smem:$0x3F93];
	_ =	swait.ge [sflag:s4], $0x0  }
0x19: {  	s7 =	sld [smem:$0x3F94]  }
0x1a: {  	s8 =	sadd.s32 $0xFFFFE003, lr  }
0x1b: {  	s9 =	sadd.s32 $0xFFFFFEF7, lr;
	s5 =	simm.s32 $0xFFFFFFFF;
	p2 =	slt.u32 s8, $0xFFFFF086  }
0x1c: {  	p1 =	slt.u32 s9, $0xF7A;
	s5 =	simm.s32 @!p2 $0x0  }
0x1d: {  	s5 =	simm.s32 @p1 $0x1;
	p0 =	seq.s32 s7, s2  }
0x1e: {  	s7 =	smul.u32 @!p0 $0xF7A, s2;
	p2 =	seq.s32 @!p0 s5, $0x0  }
0x1f: {  	s9 =	smul.u32 $0xF7A, s1;
	s8 =	simm.s32 @!p0 $0x1BF5;
	p2 =	por !p2, p0  }
0x20: {  	[sflag:s8] =	ssyncset.s32 @!p0 $0xFFFFF086;
	s6 =	sadd.s32 @!p0 s3, s7;
	s7 =	simm.s32 @!p0 $0x108  }
0x21: {  	s3 =	sadd.s32 s3, s9;
	s6 =	sadd.s32 @!p0 $0x88, s6;
	s7 =	simm.s32 @p2 $0x1082  }
0x22: {  	[simem:s7], [sflag:s8] =	dma.local @!p0 [hbm:s6], $0xF7A  }
0x23: {  	s9 =	sor.u32 $0xD0000000, s2;
	s6 =	simm.s32 $0x108;
	_ =	swait.ge @!p0 [sflag:s8], $0x0  }
0x24: {  	s3 =	sadd.s32 $0x88, s3;
	s6 =	simm.s32 @!p1 $0x1082;
	[sflag:s4] =	ssyncset.s32 $0xFFFFF086  }
0x25: {  	[simem:s6], [sflag:s4] =	dma.local [hbm:s3], $0xF7A  }
0x26: {  	[smem:$0x3F94] =	sst s1;
	(tag) =	ssettag s2;
	_ =	strace s9  }
0x27: {  	s1 =	sld [smem:$0x3FA4]  }
0x28: {  	s2 =	sld [smem:$0x3FA5]  }
0x29: {  	s4 =	sld [smem:$0x3FA7]  }
0x2a: {  	p0 =	seq.s32 s5, $0x0;
	s5 =	sld [smem:$0x3FA8]  }
0x2b: {  	s6 =	sld [smem:$0x3FA9]  }
0x2c: {  	s7 =	sld [smem:$0x3FAA]  }
0x2d: {  	s3 =	simm.s32 $0x108;
	s8 =	sld [smem:$0x3FAB]  }
0x2e: {  	s3 =	simm.s32 @!p0 $0x1082;
	s9 =	sld [smem:$0x3FAC]  }
0x2f: {  	lr =	sadd.s32 s0, s3;
	s0 =	sld [smem:$0x3FA3]  }
0x30: {  	s3 =	sld [smem:$0x3FA6]  }
0x31: {  	[smem:$0x3FAF] =	sst s10  }
0x32: {  	s10 =	sld [smem:$0x3FAD];
	_ =	sdelay $0x3  }
0x33: {  	p0 =	seq.s32 s10, $0x1;
	s10 =	sld [smem:$0x3FAF];
	_ =	sdelay $0x3  }
0x34: {  	[smem:$0x3FAF] =	sst s10  }
0x35: {  	s10 =	sld [smem:$0x3FAE];
	_ =	sdelay $0x3  }
0x36: {  	p1 =	seq.s32 s10, $0x1;
	s10 =	sld [smem:$0x3FAF];
	_ =	sdelay $0x3  }
0x37: {  	[smem:$0x3FAF] =	sst s10  }
0x38: {  	s10 =	sld [smem:$0x3FB0]  }
0x39: {  	_ = 	snop;
	(pc) =	sbr.ind lr, $3  }
0x3a: {  	_ = 	snop  }
0x3b: {  	_ = 	snop  }
0x3c: {  	p2 =	seq.s32 s10, $0x1;
	s10 =	sld [smem:$0x3FAF]  }
0x3d: {  	_ =	shalt  }
0x3e: {  	_ =	shalt  }
0x3f: {  	_ =	shalt  }
0x40: {  	_ =	shalt  }
0x41: {  	_ =	shalt  }
0x42: {  	_ =	shalt  }
0x43: {  	_ =	shalt  }
0x44: {  	_ =	shalt  }
0x45: {  	_ =	shalt  }
0x46: {  	_ =	shalt  }
0x47: {  	_ =	shalt  }
0x48: {  	_ =	shalt  }
0x49: {  	_ =	shalt  }
0x4a: {  	_ =	shalt  }
0x4b: {  	_ =	shalt  }
0x4c: {  	_ =	shalt  }
0x4d: {  	_ =	shalt  }
0x4e: {  	_ =	shalt  }
0x4f: {  	_ =	shalt  }
0x50: {  	_ =	shalt  }
0x51: {  	_ =	shalt  }
0x52: {  	_ =	shalt  }
0x53: {  	_ =	shalt  }
0x54: {  	_ =	shalt  }
0x55: {  	_ =	shalt  }
0x56: {  	_ =	shalt  }
0x57: {  	_ =	shalt  }
0x58: {  	_ =	shalt  }
0x59: {  	_ =	shalt  }
0x5a: {  	_ =	shalt  }
0x5b: {  	_ =	shalt  }
0x5c: {  	_ =	shalt  }
0x5d: {  	_ =	shalt  }
0x5e: {  	_ =	shalt  }
0x5f: {  	_ =	shalt  }
0x60: {  	_ =	shalt  }
0x61: {  	_ =	shalt  }
0x62: {  	_ =	shalt  }
0x63: {  	_ =	shalt  }
0x64: {  	_ =	shalt  }
0x65: {  	_ =	shalt  }
0x66: {  	_ =	shalt  }
0x67: {  	_ =	shalt  }
0x68: {  	_ =	shalt  }
0x69: {  	_ =	shalt  }
0x6a: {  	_ =	shalt  }
0x6b: {  	_ =	shalt  }
0x6c: {  	_ =	shalt  }
0x6d: {  	_ =	shalt  }
0x6e: {  	_ =	shalt  }
0x6f: {  	_ =	shalt  }
0x70: {  	_ =	shalt  }
0x71: {  	_ =	shalt  }
0x72: {  	_ =	shalt  }
0x73: {  	_ =	shalt  }
0x74: {  	_ =	shalt  }
0x75: {  	_ =	shalt  }
0x76: {  	_ =	shalt  }
0x77: {  	_ =	shalt  }
0x78: {  	_ =	shalt  }
0x79: {  	_ =	shalt  }
0x7a: {  	_ =	shalt  }
0x7b: {  	_ =	shalt  }
0x7c: {  	_ =	shalt  }
0x7d: {  	_ =	shalt  }
0x7e: {  	_ =	shalt  }
0x7f: {  	_ =	shalt  }
0x80: {  	_ =	shalt  }
0x81: {  	_ =	shalt  }
0x82: {  	_ =	shalt  }
0x83: {  	_ =	shalt  }
0x84: {  	_ =	shalt  }
0x85: {  	_ =	shalt  }
0x86: {  	_ =	shalt  }
0x87: {  	_ =	shalt  }
.Lfunc_end0:
.L_simem_size_0:
called_computation.1_lowered:
.L_overlay_start_0:
0x88: {  	s2 =	sld [smem:$0x3FD9]  }
0x89: {  	s3 =	sld [smem:$0x3FFE];
	_ =	sdelay $0x1  }
0x8a: {  	s1 =	srdreg.scid  }
0x8b: {  	s0 =	sand.u32 $0x1, s1  }
0x8c: {  	s17 =	sshll.u32 s0, $0xA;
	s2 =	sadd.s32 s3, s2  }
0x8d: {  	s2 =	sadd.s32 s2, s17  }
0x8e: {  	[smem:$0x3FBB] =	sst s2  }
0x8f: {  	_ = 	snop  }
0x90: {  	s2 =	sld [smem:$0x3FD0];
	(tm) =	ssettm $0x1  }
0x91: {  	s18 =	sld [smem:$0x3FFB];
	_ =	sdelay $0x3  }
0x92: {  	_ =	strace s18  }
0x93: {  	s3 =	sld [smem:$0x3FFC];
	_ =	sdelay $0x3  }
0x94: {  	_ =	strace s3  }
0x95: {  	s3 =	sld [smem:$0x3FFD];
	_ =	sdelay $0x3  }
0x96: {  	_ =	strace s3  }
0x97: {  	_ =	strace $0x8FFFFFFF  }
0x98: {  	s19 =	sld [smem:$0x3FDB];
	_ =	sdelay $0x1  }
0x99: {  	s4 =	simm.s32 $_scs_section_size  }
0x9a: {  	s5 =	simm.s32 $_size__tile_overlayer_lowered;
	s6 =	simm.s32 $_tile_overlayer_lowered  }
0x9b: {  	s22 =	simm.s32 $0x1BFF;
	s21 =	sshll.u32 s6, $0x1;
	s3 =	sadd.s32 s4, s19  }
0x9c: {  	s7 =	simm.s32 $0x0;
	s20 =	sshll.u32 s5, $0x1;
	s5 =	sadd.s32 s21, s3  }
0x9d: {  	[timem:s7], [sflag:s22] =	dma.local [hbm:s5], s20  }
0x9e: {  	_ =	swait.ge [sflag:s22], s20  }
0x9f: {  	s4 =	ssub.s32 $0x0, s20;
	[sflag:s22] =	ssyncset.done $0x0  }
0xa0: {  	[sflag:s22] =	ssyncadd.s32 s4;
	_ =	sdelay $0x1  }
0xa1: {  	s23 =	simm.s32 $0x1B8B  }
0xa2: {  	_ =	swait.ge [sflag:s23], $0x1  }
0xa3: {  	[sflag:s23] =	ssyncset.done $0x0  }
0xa4: {  	s25 =	simm.s32 $0x1B8E;
	s24 =	sld [smem:$0x3FFE];
	[sflag:s23] =	ssyncadd.s32 $0xFFFFFFFF  }
0xa5: {  	s26 =	simm.s32 $execute0_lowered;
	[smem:$0x3FD2] =	sst s25  }
0xa6: {  	s5 =	sshll.u32 s26, $0x1;
	_ =	strace $0x80000049;
	[dreg:$0x1] =	wrdreg $0xFFFFFFFF  }
0xa7: {  	s28 =	simm.s32 $_size_execute0_lowered;
	s3 =	sadd.s32 s3, s5;
	[dreg:$0x0] =	wrdreg $0x0  }
0xa8: {  	s5 =	sshll.u32 s28, $0x1;
	[dreg:$0x2] =	wrdreg s3  }
0xa9: {  	[dreg:$0x3] =	wrdreg s5  }
0xaa: {  	[dreg:$0x4] =	wrdreg $0xC0  }
0xab: {  	_ =	task [dreg:s7], $0x5FFFF  }
0xac: {  	[dreg:$0x1] =	wrdreg $0xFFFFFFFF  }
0xad: {  	[dreg:$0x0] =	wrdreg $0x60  }
0xae: {  	[dreg:$0x2] =	wrdreg s24  }
0xaf: {  	[dreg:$0x3] =	wrdreg s2  }
0xb0: {  	[dreg:$0x4] =	wrdreg $0xD0000  }
0xb1: {  	[dreg:$0x5] =	wrdreg $0x9  }
0xb2: {  	_ =	task.clear_ibuf [dreg:s7], $0x6FFFF;
	_ =	strace $0x90000049  }
0xb3: {  	s29 =	simm.s32 $0x9;
	_ =	strace $0x8000004B  }
0xb4: {  	_ =	swait.ge [sflag:s29], $0x1  }
0xb5: {  	[sflag:s29] =	ssyncadd.s32 $0xFFFFFFFF  }
0xb6: {  	_ =	strace $0x9000004B  }
0xb7: {  	_ =	sfence  }
0xb8: {  	s30 =	sld [smem:$0x0];
	_ =	sdelay $0x2  }
0xb9: {  	s31 =	sshll.u32 s1, $0xD;
	s1 =	sshrl.u32 s1, $0x2  }
0xba: {  	s3 =	sand.u32 $0x4000, s31;
	s1 =	sadd.s32 s1, s30  }
0xbb: {  	s0 =	sor.u32 s3, s0;
	s1 =	sshll.u32 s1, $0x11  }
0xbc: {  	s0 =	sor.u32 s1, s0  }
0xbd: {  	s0 =	sadd.s32 $0x8F2B, s0  }
0xbe: {  	[sflag:s0] =	ssyncadd.remote.s32 $0x1  }
0xbf: {  	_ =	sfence.sel $0xFFFF  }
0xc0: {  	[dreg:$0x0] =	wrdreg $0xFFFFFFFF;
	(pc) =	sbr.abs _section_cstart, $3  }
0xc1: {  	[dreg:$0x1] =	wrdreg $0xFFFFFFFF  }
0xc2: {  	_ =	task.clear_ibuf [dreg:s7], $0x2FFFF;
	_ =	strace $0x9FFFFFFF  }
0xc3: {  	(tm) =	ssettm $0x7FFFFFFF  }
tec
execute0_lowered:
.L_overlay_start_1:
0x0: {  	(tag) =	ssettag $0x1  }
0x1: {  	s6 =	rddreg [dreg:$0x0]  }
0x2: {  	s1 =	rddreg [dreg:$0x1]  }
0x3: {  	s2 =	rddreg [dreg:$0x2]  }
0x4: {  	s0 =	rddreg [dreg:$0x3];
	s3 =	simm.s32 $0x0;
	s4 =	srdreg.scid  }
0x5: {  	s19 =	simm.s32 $0x8000;
	s20 =	simm.s32 $0xA800;
	s21 =	simm.s32 $0x1  }
0x6: {  	s23 =	simm.s32 $0x7E00;
	s24 =	simm.s32 $0x0;
	[smem:$0x7FF] =	sst s3  }
0x7: {  	s7 =	sand.u32 $0x1, s4;
	s5 =	sadd.s32 $0x35600, s6;
	s4 =	stileid.u32  }
0x8: {  	s9 =	sadd.s32 $0x25600, s6;
	s12 =	sadd.s32 $0x15600, s6;
	s11 =	smul.u32 $0x27000, s4  }
0x9: {  	s13 =	sadd.s32 $0x83A00, s6;
	s16 =	sadd.s32 $0x9C000, s2;
	s22 =	smul.u32 $0x1388, s7  }
0xa: {  	_ =	strace $0x8000004A;
	s8 =	ssub.s32 $0x2, s7;
	s28 =	smul.u32 $0x9C800, s7  }
0xb: {  	s26 =	sshll.u32 s4, $0x6;
	s29 =	sshll.u32 s4, $0xC;
	s17 =	smul.u32 $0x9C00, s4  }
0xc: {  	p0 =	sne.s32 s4, $0xF;
	s10 =	sshrl.u32 s8, $0x1;
	s6 =	sor.u32 $0x1C03, s26  }
0xd: {  	s7 =	sadd.s32 s9, s29;
	s16 =	sshrl.u32 @!p0 s16, $0x3;
	s14 =	ssub.s32 s8, s10  }
0xe: {  	s25 =	sshrl.u32 s11, $0x2;
	s8 =	sadd.s32 s12, s29;
	s11 =	sor.u32 $0x800, s29  }
0xf: {  	s17 =	sadd.s32 s17, s28;
	s18 =	sshrl.u32 s28, $0x3;
	v0 =	vmov s22;
	s22 =	simm.s32 $0x2  }
0x10: {  	s15 =	sadd.s32 s25, s2;
	s9 =	sadd.s32 s9, s11;
	s10 =	sadd.s32 s12, s11  }
0x11: {  	s30 =	sshrl.u32 s17, $0x3;
	s31 =	sadd.s32 s13, s18;
	s17 =	simm.s32 $0x4000  }
0x12: {  	s18 =	simm.s32 $0x50;
	s11 =	sadd.s32 s13, s30;
	s12 =	sadd.s32 $0x13800, s31  }
0x13: {  	s13 =	smax.u32 s14, $0x1;
	s14 =	sshrl.u32 s15, $0x3;
	s15 =	simm.s32 $0x3  }
.LBB2_1:
0x14: {  	[spmem:s14], [sflag:s6] =	dma.local [hbm:s1], $0x1380  }
0x15: {  	_ =	swait.ge [sflag:s15], $0x1380  }
0x16: {  	[sflag:s15] =	ssyncset.done $0x0  }
0x17: {  	s25 =	simm.s32 @!p0 $0x3;
	[sflag:s15] =	ssyncadd.s32 $0xFFFFEC80  }
0x18: {  	[spmem:s16], [sflag:s6] =	dma.local @!p0 [hbm:s1], $0x100  }
0x19: {  	_ =	swait.ge @!p0 [sflag:s25], $0x100  }
0x1a: {  	[sflag:s25] =	ssyncset.done @!p0 $0x0  }
0x1b: {  	[sflag:s25] =	ssyncadd.s32 @!p0 $0xFFFFFF00  }
0x1c: {  	[bflag:$0x0] =	sbarrier.arrive $0xFFFF  }
0x1d: {  	[tilespmem:s3], [sflag:$0x3] =	stream.linear.gather [hbm4b:s7+s3], $0x3E80, $0x38;
	[tilespmem:$0x16C80] =	vst v63  }
0x1e: {  	_ =	swait.ge [sflag:s15], $0x3E80  }
0x1f: {  	[sflag:s15] =	ssyncset.done $0x0  }
0x20: {  	[sflag:s15] =	ssyncadd.s32 $0xFFFFC180  }
0x21: {  	[tilespmem:s17], [sflag:$0x3] =	stream.linear.gather [hbm4b:s8+s3], $0x3E80, $0x38;
	[tilespmem:$0x16C80] =	vst v63  }
0x22: {  	_ =	swait.ge [sflag:s15], $0x3E80  }
0x23: {  	[sflag:s15] =	ssyncset.done $0x0  }
0x24: {  	s25 =	simm.s32 $0x0;
	[sflag:s15] =	ssyncadd.s32 $0xFFFFC180  }
0x25: {  	v3 =	vld [tilespmem:s25+$0x4000]  }
0x26: {  	v4 =	vld [tilespmem:s25+$0x4010]  }
0x27: {  	v2 =	vld [tilespmem:s25+$0x4020]  }
0x28: {  	s26 =	simm.s32 $0x200;
	v1 =	vld [tilespmem:s25+$0x4030]  }
.LBB2_2:
0x29: {  	p1 =	sne.s32 s26, $0xF800;
	v5 =	vld [tilespmem:s25+$0x4040]  }
0x2a: {  	v3 =	vsub.s32 v3, v0  }
0x2b: {  	v3 =	vmin.u32 v3, $0x1388;
	v4 =	vsub.s32 v4, v0  }
.Ltmp0:
0x2c: {  	s28 =	sshra.s32 s26, $0x2;
	[tilespmem:s25+$0x4000] =	vst v3;
	v4 =	vmin.u32 v4, $0x1388;
	v2 =	vsub.s32 v2, v0;
	(pc) =	sbr.rel @p1 .LBB2_2-.Ltmp0, $4  }
0x2d: {  	v3 =	vld [tilespmem:s28+$0x4000];
	[tilespmem:s25+$0x4010] =	vst v4;
	v2 =	vmin.u32 v2, $0x1388;
	v1 =	vsub.s32 v1, v0  }
0x2e: {  	v4 =	vld [tilespmem:s28+$0x4010];
	[tilespmem:s25+$0x4020] =	vst v2;
	v1 =	vmin.u32 v1, $0x1388;
	v5 =	vsub.s32 v5, v0  }
0x2f: {  	v2 =	vld [tilespmem:s28+$0x4020];
	[tilespmem:s25+$0x4030] =	vst v1;
	v5 =	vmin.u32 v5, $0x1388  }
0x30: {  	s26 =	sadd.s32 $0x200, s26;
	v1 =	vld [tilespmem:s28+$0x4030];
	[tilespmem:s25+$0x4040] =	vst v5;
	s25 =	smov.u32 s28  }
0x31: {  	v5 =	vld [tilespmem:s25+$0x4040]  }
0x32: {  	v3 =	vsub.s32 v3, v0  }
0x33: {  	v3 =	vmin.u32 v3, $0x1388;
	v4 =	vsub.s32 v4, v0  }
0x34: {  	[tilespmem:s25+$0x4000] =	vst v3;
	v3 =	vmin.u32 v4, $0x1388;
	v2 =	vsub.s32 v2, v0  }
0x35: {  	[tilespmem:s25+$0x4010] =	vst v3;
	v2 =	vmin.u32 v2, $0x1388;
	v1 =	vsub.s32 v1, v0  }
0x36: {  	[tilespmem:s25+$0x4020] =	vst v2;
	v1 =	vmin.u32 v1, $0x1388;
	v2 =	vsub.s32 v5, v0  }
0x37: {  	[tilespmem:s25+$0x4030] =	vst v1;
	v1 =	vmin.u32 v2, $0x1388  }
0x38: {  	s26 =	simm.s32 $0x0;
	[tilespmem:s25+$0x4040] =	vst v1  }
0x39: {  	[tilespmem:s19], [sflag:$0x1] =	stream.indirect.gather [hbm4b:s5+s18], $0x80, s26, s18, $0xb8;
	[tilespmem:$0x16C80] =	vst v63  }
0x3a: {  	s28 =	simm.s32 $0x80  }
0x3b: {  	[tilespmem:s20], [sflag:$0x2] =	stream.indirect.gather [hbm4b:s5+s18], $0x80, s28, s18, $0xb8;
	[tilespmem:$0x16C80] =	vst v63  }
0x3c: {  	_ =	swait.ge [sflag:s21], $0x2800  }
0x3d: {  	[sflag:s21] =	ssyncset.done $0x0  }
0x3e: {  	s29 =	simm.s32 $0x4000;
	[sflag:s21] =	ssyncadd.s32 $0xFFFFD800  }
0x3f: {  	[spmem:s2] =	stream.indirect.scatter.add.f32 [tilespmem:s19], [sflag:$0x3], $0x80, s29, s18, $0xb8;
	[tilespmem:$0x16C80] =	vst v63  }
0x40: {  	_ =	swait.ge [sflag:s15], $0x2800  }
0x41: {  	[sflag:s15] =	ssyncset.done $0x0  }
0x42: {  	s30 =	simm.s32 $0x100;
	[sflag:s15] =	ssyncadd.s32 $0xFFFFD800  }
0x43: {  	[tilespmem:s19], [sflag:$0x1] =	stream.indirect.gather [hbm4b:s5+s18], $0x80, s30, s18, $0xb8;
	[tilespmem:$0x16C80] =	vst v63  }
0x44: {  	_ =	swait.ge [sflag:s22], $0x2800  }
0x45: {  	[sflag:s22] =	ssyncset.done $0x0  }
0x46: {  	s31 =	simm.s32 $0x4080;
	[sflag:s22] =	ssyncadd.s32 $0xFFFFD800  }
0x47: {  	[spmem:s2] =	stream.indirect.scatter.add.f32 [tilespmem:s20], [sflag:$0x3], $0x80, s31, s18, $0xb8;
	[tilespmem:$0x16C80] =	vst v63  }
0x48: {  	_ =	swait.ge [sflag:s15], $0x2800  }
0x49: {  	s25 =	simm.s32 $0x100;
	s26 =	simm.s32 $0x800;
	[sflag:s15] =	ssyncset.done $0x0  }
.LBB2_4:
0x4a: {  	s28 =	sadd.s32 $0x80, s25  }
0x4b: {  	[sflag:s15] =	ssyncadd.s32 $0xFFFFD800;
	s29 =	smov.u32 s26;
	s30 =	sadd.s32 $0x400, s26  }
0x4c: {  	[tilespmem:s20], [sflag:$0x2] =	stream.indirect.gather [hbm4b:s5+s18], $0x80, s28, s18, $0xb8;
	[tilespmem:$0x16C80] =	vst v63  }
0x4d: {  	p1 =	sne.s32 s26, $0xF400;
	_ =	swait.ge [sflag:s21], $0x2800  }
0x4e: {  	[sflag:s21] =	ssyncset.done $0x0  }
0x4f: {  	s26 =	sadd.s32 $0x4000, s25;
	[sflag:s21] =	ssyncadd.s32 $0xFFFFD800  }
0x50: {  	[spmem:s2] =	stream.indirect.scatter.add.f32 [tilespmem:s19], [sflag:$0x3], $0x80, s26, s18, $0xb8;
	[tilespmem:$0x16C80] =	vst v63  }
0x51: {  	_ =	swait.ge [sflag:s15], $0x2800  }
0x52: {  	[sflag:s15] =	ssyncset.done $0x0  }
0x53: {  	s26 =	sadd.s32 $0x100, s25;
	[sflag:s15] =	ssyncadd.s32 $0xFFFFD800  }
0x54: {  	[tilespmem:s19], [sflag:$0x1] =	stream.indirect.gather [hbm4b:s5+s18], $0x80, s26, s18, $0xb8;
	[tilespmem:$0x16C80] =	vst v63  }
0x55: {  	_ =	swait.ge [sflag:s22], $0x2800  }
.Ltmp1:
0x56: {  	[sflag:s22] =	ssyncset.done $0x0;
	(pc) =	sbr.rel @p1 .LBB2_4-.Ltmp1, $4  }
0x57: {  	s25 =	sadd.s32 $0x4080, s25;
	[sflag:s22] =	ssyncadd.s32 $0xFFFFD800  }
0x58: {  	[spmem:s2] =	stream.indirect.scatter.add.f32 [tilespmem:s20], [sflag:$0x3], $0x80, s25, s18, $0xb8;
	[tilespmem:$0x16C80] =	vst v63  }
0x59: {  	_ =	swait.ge [sflag:s15], $0x2800  }
0x5a: {  	s26 =	smov.u32 s30;
	s25 =	sshra.s32 s29, $0x2;
	[sflag:s15] =	ssyncset.done $0x0  }
0x5b: {  	s26 =	sadd.s32 $0x80, s25;
	[sflag:s15] =	ssyncadd.s32 $0xFFFFD800  }
0x5c: {  	[tilespmem:s20], [sflag:$0x2] =	stream.indirect.gather [hbm4b:s5+s18], $0x80, s26, s18, $0xb8;
	[tilespmem:$0x16C80] =	vst v63  }
0x5d: {  	_ =	swait.ge [sflag:s21], $0x2800  }
0x5e: {  	[sflag:s21] =	ssyncset.done $0x0  }
0x5f: {  	s28 =	sadd.s32 $0x4000, s25;
	[sflag:s21] =	ssyncadd.s32 $0xFFFFD800  }
0x60: {  	[spmem:s2] =	stream.indirect.scatter.add.f32 [tilespmem:s19], [sflag:$0x3], $0x80, s28, s18, $0xb8;
	[tilespmem:$0x16C80] =	vst v63  }
0x61: {  	_ =	swait.ge [sflag:s15], $0x2800  }
0x62: {  	[sflag:s15] =	ssyncset.done $0x0  }
0x63: {  	s29 =	sadd.s32 $0x100, s25;
	[sflag:s15] =	ssyncadd.s32 $0xFFFFD800  }
0x64: {  	[tilespmem:s19], [sflag:$0x1] =	stream.indirect.gather [hbm4b:s5+s18], $0x80, s29, s18, $0xb8;
	[tilespmem:$0x16C80] =	vst v63  }
0x65: {  	_ =	swait.ge [sflag:s22], $0x2800  }
0x66: {  	[sflag:s22] =	ssyncset.done $0x0  }
0x67: {  	s30 =	sadd.s32 $0x4080, s25;
	[sflag:s22] =	ssyncadd.s32 $0xFFFFD800  }
0x68: {  	[spmem:s2] =	stream.indirect.scatter.add.f32 [tilespmem:s20], [sflag:$0x3], $0x80, s30, s18, $0xb8;
	[tilespmem:$0x16C80] =	vst v63  }
0x69: {  	_ =	swait.ge [sflag:s15], $0x2800  }
0x6a: {  	[sflag:s15] =	ssyncset.done $0x0  }
0x6b: {  	[sflag:s15] =	ssyncadd.s32 $0xFFFFD800  }
0x6c: {  	_ =	swait.ge [sflag:s21], $0x2800  }
0x6d: {  	[sflag:s21] =	ssyncset.done $0x0  }
0x6e: {  	[sflag:s21] =	ssyncadd.s32 $0xFFFFD800  }
0x6f: {  	[spmem:s2] =	stream.indirect.scatter.add.f32 [tilespmem:s19], [sflag:$0x3], $0x80, s23, s18, $0xb8;
	[tilespmem:$0x16C80] =	vst v63  }
0x70: {  	_ =	swait.ge [sflag:s15], $0x2800  }
0x71: {  	[sflag:s15] =	ssyncset.done $0x0  }
0x72: {  	s31 =	simm.s32 $0x0;
	[sflag:s15] =	ssyncadd.s32 $0xFFFFD800  }
0x73: {  	[tilespmem:s31], [sflag:$0x3] =	stream.linear.gather [hbm4b:s9+s31], $0x3E80, $0x38;
	[tilespmem:$0x16C80] =	vst v63  }
0x74: {  	_ =	swait.ge [sflag:s15], $0x3E80  }
0x75: {  	[sflag:s15] =	ssyncset.done $0x0  }
0x76: {  	[sflag:s15] =	ssyncadd.s32 $0xFFFFC180  }
0x77: {  	[tilespmem:s17], [sflag:$0x3] =	stream.linear.gather [hbm4b:s10+s31], $0x3E80, $0x38;
	[tilespmem:$0x16C80] =	vst v63  }
0x78: {  	_ =	swait.ge [sflag:s15], $0x3E80  }
0x79: {  	[sflag:s15] =	ssyncset.done $0x0  }
0x7a: {  	s25 =	simm.s32 $0x0;
	[sflag:s15] =	ssyncadd.s32 $0xFFFFC180  }
0x7b: {  	v3 =	vld [tilespmem:s25+$0x4000]  }
0x7c: {  	v4 =	vld [tilespmem:s25+$0x4010]  }
0x7d: {  	v2 =	vld [tilespmem:s25+$0x4020]  }
0x7e: {  	s26 =	simm.s32 $0x200;
	v1 =	vld [tilespmem:s25+$0x4030]  }
.LBB2_6:
0x7f: {  	p1 =	sne.s32 s26, $0xF800;
	v5 =	vld [tilespmem:s25+$0x4040]  }
0x80: {  	v3 =	vsub.s32 v3, v0  }
0x81: {  	v3 =	vmin.u32 v3, $0x1388;
	v4 =	vsub.s32 v4, v0  }
.Ltmp2:
0x82: {  	s28 =	sshra.s32 s26, $0x2;
	[tilespmem:s25+$0x4000] =	vst v3;
	v4 =	vmin.u32 v4, $0x1388;
	v2 =	vsub.s32 v2, v0;
	(pc) =	sbr.rel @p1 .LBB2_6-.Ltmp2, $4  }
0x83: {  	v3 =	vld [tilespmem:s28+$0x4000];
	[tilespmem:s25+$0x4010] =	vst v4;
	v2 =	vmin.u32 v2, $0x1388;
	v1 =	vsub.s32 v1, v0  }
0x84: {  	v4 =	vld [tilespmem:s28+$0x4010];
	[tilespmem:s25+$0x4020] =	vst v2;
	v1 =	vmin.u32 v1, $0x1388;
	v5 =	vsub.s32 v5, v0  }
0x85: {  	v2 =	vld [tilespmem:s28+$0x4020];
	[tilespmem:s25+$0x4030] =	vst v1;
	v5 =	vmin.u32 v5, $0x1388  }
0x86: {  	s26 =	sadd.s32 $0x200, s26;
	v1 =	vld [tilespmem:s28+$0x4030];
	[tilespmem:s25+$0x4040] =	vst v5;
	s25 =	smov.u32 s28  }
0x87: {  	v5 =	vld [tilespmem:s25+$0x4040]  }
0x88: {  	v3 =	vsub.s32 v3, v0  }
0x89: {  	v3 =	vmin.u32 v3, $0x1388;
	v4 =	vsub.s32 v4, v0  }
0x8a: {  	[tilespmem:s25+$0x4000] =	vst v3;
	v3 =	vmin.u32 v4, $0x1388;
	v2 =	vsub.s32 v2, v0  }
0x8b: {  	[tilespmem:s25+$0x4010] =	vst v3;
	v2 =	vmin.u32 v2, $0x1388;
	v1 =	vsub.s32 v1, v0  }
0x8c: {  	[tilespmem:s25+$0x4020] =	vst v2;
	v1 =	vmin.u32 v1, $0x1388;
	v2 =	vsub.s32 v5, v0  }
0x8d: {  	[tilespmem:s25+$0x4030] =	vst v1;
	v1 =	vmin.u32 v2, $0x1388  }
0x8e: {  	s26 =	simm.s32 $0x0;
	[tilespmem:s25+$0x4040] =	vst v1  }
0x8f: {  	[tilespmem:s19], [sflag:$0x1] =	stream.indirect.gather [hbm4b:s5+s18], $0x80, s26, s18, $0xb8;
	[tilespmem:$0x16C80] =	vst v63  }
0x90: {  	s28 =	simm.s32 $0x80  }
0x91: {  	[tilespmem:s20], [sflag:$0x2] =	stream.indirect.gather [hbm4b:s5+s18], $0x80, s28, s18, $0xb8;
	[tilespmem:$0x16C80] =	vst v63  }
0x92: {  	_ =	swait.ge [sflag:s21], $0x2800  }
0x93: {  	[sflag:s21] =	ssyncset.done $0x0  }
0x94: {  	s29 =	simm.s32 $0x4000;
	[sflag:s21] =	ssyncadd.s32 $0xFFFFD800  }
0x95: {  	[spmem:s2] =	stream.indirect.scatter.add.f32 [tilespmem:s19], [sflag:$0x3], $0x80, s29, s18, $0xb8;
	[tilespmem:$0x16C80] =	vst v63  }
0x96: {  	_ =	swait.ge [sflag:s15], $0x2800  }
0x97: {  	[sflag:s15] =	ssyncset.done $0x0  }
0x98: {  	s30 =	simm.s32 $0x100;
	[sflag:s15] =	ssyncadd.s32 $0xFFFFD800  }
0x99: {  	[tilespmem:s19], [sflag:$0x1] =	stream.indirect.gather [hbm4b:s5+s18], $0x80, s30, s18, $0xb8;
	[tilespmem:$0x16C80] =	vst v63  }
0x9a: {  	_ =	swait.ge [sflag:s22], $0x2800  }
0x9b: {  	[sflag:s22] =	ssyncset.done $0x0  }
0x9c: {  	s31 =	simm.s32 $0x4080;
	[sflag:s22] =	ssyncadd.s32 $0xFFFFD800  }
0x9d: {  	[spmem:s2] =	stream.indirect.scatter.add.f32 [tilespmem:s20], [sflag:$0x3], $0x80, s31, s18, $0xb8;
	[tilespmem:$0x16C80] =	vst v63  }
0x9e: {  	_ =	swait.ge [sflag:s15], $0x2800  }
0x9f: {  	s25 =	simm.s32 $0x100;
	s26 =	simm.s32 $0x800;
	[sflag:s15] =	ssyncset.done $0x0  }
.LBB2_8:
0xa0: {  	s28 =	sadd.s32 $0x80, s25  }
0xa1: {  	[sflag:s15] =	ssyncadd.s32 $0xFFFFD800;
	s29 =	smov.u32 s26;
	s30 =	sadd.s32 $0x400, s26  }
0xa2: {  	[tilespmem:s20], [sflag:$0x2] =	stream.indirect.gather [hbm4b:s5+s18], $0x80, s28, s18, $0xb8;
	[tilespmem:$0x16C80] =	vst v63  }
0xa3: {  	p1 =	sne.s32 s26, $0xF400;
	_ =	swait.ge [sflag:s21], $0x2800  }
0xa4: {  	[sflag:s21] =	ssyncset.done $0x0  }
0xa5: {  	s26 =	sadd.s32 $0x4000, s25;
	[sflag:s21] =	ssyncadd.s32 $0xFFFFD800  }
0xa6: {  	[spmem:s2] =	stream.indirect.scatter.add.f32 [tilespmem:s19], [sflag:$0x3], $0x80, s26, s18, $0xb8;
	[tilespmem:$0x16C80] =	vst v63  }
0xa7: {  	_ =	swait.ge [sflag:s15], $0x2800  }
0xa8: {  	[sflag:s15] =	ssyncset.done $0x0  }
0xa9: {  	s26 =	sadd.s32 $0x100, s25;
	[sflag:s15] =	ssyncadd.s32 $0xFFFFD800  }
0xaa: {  	[tilespmem:s19], [sflag:$0x1] =	stream.indirect.gather [hbm4b:s5+s18], $0x80, s26, s18, $0xb8;
	[tilespmem:$0x16C80] =	vst v63  }
0xab: {  	_ =	swait.ge [sflag:s22], $0x2800  }
.Ltmp3:
0xac: {  	[sflag:s22] =	ssyncset.done $0x0;
	(pc) =	sbr.rel @p1 .LBB2_8-.Ltmp3, $4  }
0xad: {  	s25 =	sadd.s32 $0x4080, s25;
	[sflag:s22] =	ssyncadd.s32 $0xFFFFD800  }
0xae: {  	[spmem:s2] =	stream.indirect.scatter.add.f32 [tilespmem:s20], [sflag:$0x3], $0x80, s25, s18, $0xb8;
	[tilespmem:$0x16C80] =	vst v63  }
0xaf: {  	_ =	swait.ge [sflag:s15], $0x2800  }
0xb0: {  	s26 =	smov.u32 s30;
	s25 =	sshra.s32 s29, $0x2;
	[sflag:s15] =	ssyncset.done $0x0  }
0xb1: {  	s26 =	sadd.s32 $0x80, s25;
	[sflag:s15] =	ssyncadd.s32 $0xFFFFD800  }
0xb2: {  	[tilespmem:s20], [sflag:$0x2] =	stream.indirect.gather [hbm4b:s5+s18], $0x80, s26, s18, $0xb8;
	[tilespmem:$0x16C80] =	vst v63  }
0xb3: {  	_ =	swait.ge [sflag:s21], $0x2800  }
0xb4: {  	[sflag:s21] =	ssyncset.done $0x0  }
0xb5: {  	s29 =	sadd.s32 $0x4000, s25;
	[sflag:s21] =	ssyncadd.s32 $0xFFFFD800  }
0xb6: {  	[spmem:s2] =	stream.indirect.scatter.add.f32 [tilespmem:s19], [sflag:$0x3], $0x80, s29, s18, $0xb8;
	[tilespmem:$0x16C80] =	vst v63  }
0xb7: {  	_ =	swait.ge [sflag:s15], $0x2800  }
0xb8: {  	[sflag:s15] =	ssyncset.done $0x0  }
0xb9: {  	s30 =	sadd.s32 $0x100, s25;
	[sflag:s15] =	ssyncadd.s32 $0xFFFFD800  }
0xba: {  	[tilespmem:s19], [sflag:$0x1] =	stream.indirect.gather [hbm4b:s5+s18], $0x80, s30, s18, $0xb8;
	[tilespmem:$0x16C80] =	vst v63  }
0xbb: {  	_ =	swait.ge [sflag:s22], $0x2800  }
0xbc: {  	[sflag:s22] =	ssyncset.done $0x0  }
0xbd: {  	s31 =	sadd.s32 $0x4080, s25;
	[sflag:s22] =	ssyncadd.s32 $0xFFFFD800  }
0xbe: {  	[spmem:s2] =	stream.indirect.scatter.add.f32 [tilespmem:s20], [sflag:$0x3], $0x80, s31, s18, $0xb8;
	[tilespmem:$0x16C80] =	vst v63  }
0xbf: {  	_ =	swait.ge [sflag:s15], $0x2800  }
0xc0: {  	[sflag:s15] =	ssyncset.done $0x0  }
0xc1: {  	[sflag:s15] =	ssyncadd.s32 $0xFFFFD800  }
0xc2: {  	_ =	swait.ge [sflag:s21], $0x2800  }
0xc3: {  	[sflag:s21] =	ssyncset.done $0x0  }
0xc4: {  	[sflag:s21] =	ssyncadd.s32 $0xFFFFD800  }
0xc5: {  	[spmem:s2] =	stream.indirect.scatter.add.f32 [tilespmem:s19], [sflag:$0x3], $0x80, s23, s18, $0xb8;
	[tilespmem:$0x16C80] =	vst v63  }
0xc6: {  	_ =	swait.ge [sflag:s15], $0x2800  }
0xc7: {  	[sflag:s15] =	ssyncset.done $0x0  }
0xc8: {  	[sflag:s15] =	ssyncadd.s32 $0xFFFFD800  }
0xc9: {  	[bflag:$0x0] =	sbarrier.arrive $0xFFFF  }
0xca: {  	[hbm:s11], [sflag:s6] =	dma.local [spmem:s14], $0x1380  }
0xcb: {  	s24 =	sadd.s32 $0x1, s24;
	_ =	swait.ge [sflag:s15], $0x1380  }
0xcc: {  	p1 =	sne.s32 s24, s13;
	[sflag:s15] =	ssyncset.done $0x0  }
.Ltmp4:
0xcd: {  	s25 =	simm.s32 @!p0 $0x3;
	[sflag:s15] =	ssyncadd.s32 $0xFFFFEC80;
	(pc) =	sbr.rel @p1 .LBB2_1-.Ltmp4, $4  }
0xce: {  	[hbm:s12], [sflag:s6] =	dma.local @!p0 [spmem:s16], $0x100  }
0xcf: {  	_ =	swait.ge @!p0 [sflag:s25], $0x100  }
0xd0: {  	[sflag:s25] =	ssyncset.done @!p0 $0x0  }
0xd1: {  	[sflag:s25] =	ssyncadd.s32 @!p0 $0xFFFFFF00  }
0xd2: {  	_ =	sfence.sel $0x180000  }
0xd3: {  	[bflag:$0x0] =	sbarrier.arrive $0xFFFF  }
0xd4: {  	p0 =	sne.s32 s4, $0x0;
	_ =	strace $0x9000004A  }
0xd5: {  	s0 =	sadd.s32 @!p0 $0x100000, s0;
	[bflag:$0x2] =	sbarrier.arrive $0xFFFF  }
0xd6: {  	[sflag:s0] =	ssyncadd.tile.s32 @!p0 $0x1;
	_ =	shalt  }
.Lfunc_end2:
_tile_overlayer_lowered:
.L_overlay_start_2:
0xd7: {  	(tag) =	ssettag $0x2  }
0xd8: {  	s0 =	rddreg [dreg:$0x0];
	s2 =	stileid.u32  }
0xd9: {  	s1 =	rddreg [dreg:$0x1];
	p0 =	sne.s32 s2, $0x0  }
0xda: {  	s3 =	rddreg [dreg:$0x2];
	[bflag:$0x3] =	sbarrier.arrive $0xFFFF;
	s2 =	simm.s32 @!p0 $0x1C03  }
0xdb: {  	[timem:s3], [sflag:s2] =	dma.local @!p0 [hbm:s0], s1  }
0xdc: {  	s0 =	simm.s32 @!p0 $0x3  }
0xdd: {  	_ =	swait.ge @!p0 [sflag:s0], s1  }
0xde: {  	s1 =	ssub.s32 @!p0 $0x0, s1;
	[sflag:s0] =	ssyncset.done @!p0 $0x0  }
0xdf: {  	[sflag:s0] =	ssyncadd.s32 @!p0 s1  }
0xe0: {  	[bflag:$0x3] =	sbarrier.arrive $0xFFFF  }
0xe1: {  	_ =	shalt  }

// kernel: kernel.14.cloned.1.call-start
scs
__scs_entry_jumppad:
0x0: {  	(pc) =	sbr.rel $0x88, $3  }
0x1: {  	(tag) =	ssettag $0x0;
	lr =	simm.s32 $0x1  }
0x2: {  	[smem:$0x3F94] =	sst lr;
	_ =	strace $0xD0000000  }
0x3: {  	_ = 	snop  }
0x4: {  	_ = 	snop  }
0x5: {  	_ = 	snop  }
0x6: {  	_ = 	snop  }
0x7: {  	_ = 	snop  }
__scs_overlays_trampoline_lowered:
0x8: {  	[smem:$0x3FA3] =	sst s0  }
0x9: {  	[smem:$0x3FA4] =	sst s1  }
0xa: {  	[smem:$0x3FA5] =	sst s2  }
0xb: {  	[smem:$0x3FA6] =	sst s3  }
0xc: {  	[smem:$0x3FA7] =	sst s4  }
0xd: {  	[smem:$0x3FA8] =	sst s5  }
0xe: {  	[smem:$0x3FA9] =	sst s6  }
0xf: {  	[smem:$0x3FAA] =	sst s7  }
0x10: {  	[smem:$0x3FAB] =	sst s8  }
0x11: {  	[smem:$0x3FAC] =	sst s9;
	s0 =	simm.s32 @!p0 $0x0  }
0x12: {  	s1 =	sld [smem:$0x3F92];
	s0 =	simm.s32 @p0 $0x1  }
0x13: {  	[smem:$0x3FAD] =	sst s0;
	s0 =	simm.s32 @!p1 $0x0  }
0x14: {  	s2 =	sld [smem:$0x3F91];
	s0 =	simm.s32 @p1 $0x1  }
0x15: {  	[smem:$0x3FAE] =	sst s0;
	s0 =	simm.s32 @!p2 $0x0  }
0x16: {  	s3 =	sld [smem:$0x3FDB];
	s0 =	simm.s32 @p2 $0x1  }
0x17: {  	s4 =	simm.s32 $0x1BF5;
	[smem:$0x3FB0] =	sst s0  }
0x18: {  	s0 =	sld [smem:$0x3F93];
	_ =	swait.ge [sflag:s4], $0x0  }
0x19: {  	s7 =	sld [smem:$0x3F94]  }
0x1a: {  	s8 =	sadd.s32 $0xFFFFE003, lr  }
0x1b: {  	s9 =	sadd.s32 $0xFFFFFEF7, lr;
	s5 =	simm.s32 $0xFFFFFFFF;
	p2 =	slt.u32 s8, $0xFFFFF086  }
0x1c: {  	p1 =	slt.u32 s9, $0xF7A;
	s5 =	simm.s32 @!p2 $0x0  }
0x1d: {  	s5 =	simm.s32 @p1 $0x1;
	p0 =	seq.s32 s7, s2  }
0x1e: {  	s7 =	smul.u32 @!p0 $0xF7A, s2;
	p2 =	seq.s32 @!p0 s5, $0x0  }
0x1f: {  	s9 =	smul.u32 $0xF7A, s1;
	s8 =	simm.s32 @!p0 $0x1BF5;
	p2 =	por !p2, p0  }
0x20: {  	[sflag:s8] =	ssyncset.s32 @!p0 $0xFFFFF086;
	s6 =	sadd.s32 @!p0 s3, s7;
	s7 =	simm.s32 @!p0 $0x108  }
0x21: {  	s3 =	sadd.s32 s3, s9;
	s6 =	sadd.s32 @!p0 $0x88, s6;
	s7 =	simm.s32 @p2 $0x1082  }
0x22: {  	[simem:s7], [sflag:s8] =	dma.local @!p0 [hbm:s6], $0xF7A  }
0x23: {  	s9 =	sor.u32 $0xD0000000, s2;
	s6 =	simm.s32 $0x108;
	_ =	swait.ge @!p0 [sflag:s8], $0x0  }
0x24: {  	s3 =	sadd.s32 $0x88, s3;
	s6 =	simm.s32 @!p1 $0x1082;
	[sflag:s4] =	ssyncset.s32 $0xFFFFF086  }
0x25: {  	[simem:s6], [sflag:s4] =	dma.local [hbm:s3], $0xF7A  }
0x26: {  	[smem:$0x3F94] =	sst s1;
	(tag) =	ssettag s2;
	_ =	strace s9  }
0x27: {  	s1 =	sld [smem:$0x3FA4]  }
0x28: {  	s2 =	sld [smem:$0x3FA5]  }
0x29: {  	s4 =	sld [smem:$0x3FA7]  }
0x2a: {  	p0 =	seq.s32 s5, $0x0;
	s5 =	sld [smem:$0x3FA8]  }
0x2b: {  	s6 =	sld [smem:$0x3FA9]  }
0x2c: {  	s7 =	sld [smem:$0x3FAA]  }
0x2d: {  	s3 =	simm.s32 $0x108;
	s8 =	sld [smem:$0x3FAB]  }
0x2e: {  	s3 =	simm.s32 @!p0 $0x1082;
	s9 =	sld [smem:$0x3FAC]  }
0x2f: {  	lr =	sadd.s32 s0, s3;
	s0 =	sld [smem:$0x3FA3]  }
0x30: {  	s3 =	sld [smem:$0x3FA6]  }
0x31: {  	[smem:$0x3FAF] =	sst s10  }
0x32: {  	s10 =	sld [smem:$0x3FAD];
	_ =	sdelay $0x3  }
0x33: {  	p0 =	seq.s32 s10, $0x1;
	s10 =	sld [smem:$0x3FAF];
	_ =	sdelay $0x3  }
0x34: {  	[smem:$0x3FAF] =	sst s10  }
0x35: {  	s10 =	sld [smem:$0x3FAE];
	_ =	sdelay $0x3  }
0x36: {  	p1 =	seq.s32 s10, $0x1;
	s10 =	sld [smem:$0x3FAF];
	_ =	sdelay $0x3  }
0x37: {  	[smem:$0x3FAF] =	sst s10  }
0x38: {  	s10 =	sld [smem:$0x3FB0]  }
0x39: {  	_ = 	snop;
	(pc) =	sbr.ind lr, $3  }
0x3a: {  	_ = 	snop  }
0x3b: {  	_ = 	snop  }
0x3c: {  	p2 =	seq.s32 s10, $0x1;
	s10 =	sld [smem:$0x3FAF]  }
0x3d: {  	_ =	shalt  }
0x3e: {  	_ =	shalt  }
0x3f: {  	_ =	shalt  }
0x40: {  	_ =	shalt  }
0x41: {  	_ =	shalt  }
0x42: {  	_ =	shalt  }
0x43: {  	_ =	shalt  }
0x44: {  	_ =	shalt  }
0x45: {  	_ =	shalt  }
0x46: {  	_ =	shalt  }
0x47: {  	_ =	shalt  }
0x48: {  	_ =	shalt  }
0x49: {  	_ =	shalt  }
0x4a: {  	_ =	shalt  }
0x4b: {  	_ =	shalt  }
0x4c: {  	_ =	shalt  }
0x4d: {  	_ =	shalt  }
0x4e: {  	_ =	shalt  }
0x4f: {  	_ =	shalt  }
0x50: {  	_ =	shalt  }
0x51: {  	_ =	shalt  }
0x52: {  	_ =	shalt  }
0x53: {  	_ =	shalt  }
0x54: {  	_ =	shalt  }
0x55: {  	_ =	shalt  }
0x56: {  	_ =	shalt  }
0x57: {  	_ =	shalt  }
0x58: {  	_ =	shalt  }
0x59: {  	_ =	shalt  }
0x5a: {  	_ =	shalt  }
0x5b: {  	_ =	shalt  }
0x5c: {  	_ =	shalt  }
0x5d: {  	_ =	shalt  }
0x5e: {  	_ =	shalt  }
0x5f: {  	_ =	shalt  }
0x60: {  	_ =	shalt  }
0x61: {  	_ =	shalt  }
0x62: {  	_ =	shalt  }
0x63: {  	_ =	shalt  }
0x64: {  	_ =	shalt  }
0x65: {  	_ =	shalt  }
0x66: {  	_ =	shalt  }
0x67: {  	_ =	shalt  }
0x68: {  	_ =	shalt  }
0x69: {  	_ =	shalt  }
0x6a: {  	_ =	shalt  }
0x6b: {  	_ =	shalt  }
0x6c: {  	_ =	shalt  }
0x6d: {  	_ =	shalt  }
0x6e: {  	_ =	shalt  }
0x6f: {  	_ =	shalt  }
0x70: {  	_ =	shalt  }
0x71: {  	_ =	shalt  }
0x72: {  	_ =	shalt  }
0x73: {  	_ =	shalt  }
0x74: {  	_ =	shalt  }
0x75: {  	_ =	shalt  }
0x76: {  	_ =	shalt  }
0x77: {  	_ =	shalt  }
0x78: {  	_ =	shalt  }
0x79: {  	_ =	shalt  }
0x7a: {  	_ =	shalt  }
0x7b: {  	_ =	shalt  }
0x7c: {  	_ =	shalt  }
0x7d: {  	_ =	shalt  }
0x7e: {  	_ =	shalt  }
0x7f: {  	_ =	shalt  }
0x80: {  	_ =	shalt  }
0x81: {  	_ =	shalt  }
0x82: {  	_ =	shalt  }
0x83: {  	_ =	shalt  }
0x84: {  	_ =	shalt  }
0x85: {  	_ =	shalt  }
0x86: {  	_ =	shalt  }
0x87: {  	_ =	shalt  }
.Lfunc_end0:
.L_simem_size_0:
called_computation.2_lowered:
.L_overlay_start_0:
0x88: {  	s2 =	sld [smem:$0x3FD9]  }
0x89: {  	s3 =	sld [smem:$0x3FFE];
	_ =	sdelay $0x1  }
0x8a: {  	s1 =	srdreg.scid  }
0x8b: {  	s0 =	sand.u32 $0x1, s1  }
0x8c: {  	s16 =	sshll.u32 s0, $0xA;
	s2 =	sadd.s32 s3, s2  }
0x8d: {  	s2 =	sadd.s32 s2, s16  }
0x8e: {  	[smem:$0x3FBB] =	sst s2  }
0x8f: {  	_ = 	snop  }
0x90: {  	(tm) =	ssettm $0x1  }
0x91: {  	s17 =	sld [smem:$0x3FFB];
	_ =	sdelay $0x3  }
0x92: {  	_ =	strace s17  }
0x93: {  	s2 =	sld [smem:$0x3FFC];
	_ =	sdelay $0x3  }
0x94: {  	_ =	strace s2  }
0x95: {  	s2 =	sld [smem:$0x3FFD];
	_ =	sdelay $0x3  }
0x96: {  	_ =	strace s2  }
0x97: {  	_ =	strace $0x8FFFFFFF  }
0x98: {  	s18 =	sld [smem:$0x3FDB];
	_ =	sdelay $0x1  }
0x99: {  	s19 =	simm.s32 $_scs_section_size  }
0x9a: {  	s4 =	simm.s32 $_size__tile_overlayer_lowered;
	s5 =	simm.s32 $_tile_overlayer_lowered  }
0x9b: {  	s22 =	simm.s32 $0x1BFF;
	s21 =	sshll.u32 s5, $0x1;
	s2 =	sadd.s32 s19, s18  }
0x9c: {  	s6 =	simm.s32 $0x0;
	s20 =	sshll.u32 s4, $0x1;
	s4 =	sadd.s32 s21, s2  }
0x9d: {  	[timem:s6], [sflag:s22] =	dma.local [hbm:s4], s20  }
0x9e: {  	_ =	swait.ge [sflag:s22], s20  }
0x9f: {  	s3 =	ssub.s32 $0x0, s20;
	[sflag:s22] =	ssyncset.done $0x0  }
0xa0: {  	[sflag:s22] =	ssyncadd.s32 s3;
	_ =	sdelay $0x1  }
0xa1: {  	s23 =	simm.s32 $0x1B8B  }
0xa2: {  	_ =	swait.ge [sflag:s23], $0x1  }
0xa3: {  	[sflag:s23] =	ssyncset.done $0x0  }
0xa4: {  	s25 =	simm.s32 $0x1B8E;
	s24 =	sld [smem:$0x3FFE];
	[sflag:s23] =	ssyncadd.s32 $0xFFFFFFFF  }
0xa5: {  	s26 =	simm.s32 $execute0_lowered;
	[smem:$0x3FD2] =	sst s25  }
0xa6: {  	s4 =	sshll.u32 s26, $0x1;
	_ =	strace $0x8000004C;
	[dreg:$0x1] =	wrdreg $0xFFFFFFFF  }
0xa7: {  	s28 =	simm.s32 $_size_execute0_lowered;
	s2 =	sadd.s32 s2, s4;
	[dreg:$0x0] =	wrdreg $0x0  }
0xa8: {  	s4 =	sshll.u32 s28, $0x1;
	[dreg:$0x2] =	wrdreg s2  }
0xa9: {  	[dreg:$0x3] =	wrdreg s4  }
0xaa: {  	[dreg:$0x4] =	wrdreg $0xC0  }
0xab: {  	_ =	task [dreg:s6], $0x5FFFF  }
0xac: {  	[dreg:$0x1] =	wrdreg $0xFFFFFFFF  }
0xad: {  	[dreg:$0x0] =	wrdreg $0x60  }
0xae: {  	[dreg:$0x2] =	wrdreg s24  }
0xaf: {  	[dreg:$0x3] =	wrdreg $0x9  }
0xb0: {  	_ =	task.clear_ibuf [dreg:s6], $0x4FFFF;
	_ =	strace $0x9000004C  }
0xb1: {  	s29 =	simm.s32 $0x9;
	_ =	strace $0x8000004E  }
0xb2: {  	_ =	swait.ge [sflag:s29], $0x1  }
0xb3: {  	[sflag:s29] =	ssyncadd.s32 $0xFFFFFFFF  }
0xb4: {  	_ =	strace $0x9000004E  }
0xb5: {  	_ =	sfence  }
0xb6: {  	s30 =	sld [smem:$0x0];
	_ =	sdelay $0x2  }
0xb7: {  	s31 =	sshll.u32 s1, $0xD;
	s1 =	sshrl.u32 s1, $0x2  }
0xb8: {  	s3 =	sand.u32 $0x4000, s31;
	s1 =	sadd.s32 s1, s30  }
0xb9: {  	s0 =	sor.u32 s3, s0;
	s1 =	sshll.u32 s1, $0x11  }
0xba: {  	s0 =	sor.u32 s1, s0  }
0xbb: {  	s0 =	sadd.s32 $0x8F2B, s0  }
0xbc: {  	[sflag:s0] =	ssyncadd.remote.s32 $0x1  }
0xbd: {  	_ =	sfence.sel $0xFFFF  }
0xbe: {  	[dreg:$0x0] =	wrdreg $0xFFFFFFFF;
	(pc) =	sbr.abs _section_cstart, $3  }
0xbf: {  	[dreg:$0x1] =	wrdreg $0xFFFFFFFF  }
0xc0: {  	_ =	task.clear_ibuf [dreg:s6], $0x2FFFF;
	_ =	strace $0x9FFFFFFF  }
0xc1: {  	(tm) =	ssettm $0x7FFFFFFF  }
tec
execute0_lowered:
.L_overlay_start_1:
0x0: {  	(tag) =	ssettag $0x1  }
0x1: {  	s0 =	rddreg [dreg:$0x0];
	s1 =	simm.s32 $0x0  }
0x2: {  	s2 =	srdreg.scid;
	s11 =	simm.s32 $0x7;
	s12 =	simm.s32 $0x4000  }
0x3: {  	s13 =	simm.s32 $0x50;
	s14 =	simm.s32 $0x8000;
	s15 =	simm.s32 $0xD000  }
0x4: {  	s16 =	simm.s32 $0xA800;
	s17 =	simm.s32 $0xF800;
	s18 =	simm.s32 $0x1  }
0x5: {  	s19 =	simm.s32 $0x3;
	s20 =	simm.s32 $0x12000;
	s21 =	simm.s32 $0x2  }
0x6: {  	s22 =	simm.s32 $0x4;
	s23 =	simm.s32 $0x14800;
	s24 =	simm.s32 $0x5  }
0x7: {  	s25 =	simm.s32 $0x6;
	s26 =	simm.s32 $0x0;
	s5 =	sand.u32 $0x1, s2  }
0x8: {  	[smem:$0x7FF] =	sst s1;
	s2 =	stileid.u32;
	s6 =	sshll.u32 s5, $0x4  }
0x9: {  	s3 =	sadd.s32 $0x11A00, s0;
	s4 =	sadd.s32 $0x38C00, s0;
	s8 =	sor.u32 s2, s6  }
0xa: {  	_ =	strace $0x8000004D;
	s7 =	ssub.s32 $0x2, s5;
	s9 =	smul.u32 $0x138800, s8  }
0xb: {  	s5 =	sadd.s32 $0xBAC00, s0;
	s31 =	sshrl.u32 s7, $0x1;
	s6 =	sshll.u32 s8, $0xB  }
0xc: {  	s8 =	smul.u32 $0x2710, s8;
	s10 =	sadd.s32 s6, s0;
	s9 =	sshrl.u32 s9, $0x3  }
0xd: {  	s0 =	ssub.s32 s7, s31;
	s6 =	sadd.s32 $0xAAC00, s10;
	s9 =	sadd.s32 s5, s9  }
0xe: {  	s7 =	sadd.s32 $0x1A00, s10;
	s10 =	smax.u32 s0, $0x1;
	s9 =	sadd.s32 $0x26C00, s9  }
.LBB2_1:
0xf: {  	[tilespmem:s1], [sflag:$0x7] =	stream.linear.gather [hbm4b:s6+s1], $0x3E80, $0x38;
	[tilespmem:$0x17000] =	vst v63  }
0x10: {  	_ =	swait.ge [sflag:s11], $0x3E80  }
0x11: {  	[sflag:s11] =	ssyncset.done $0x0  }
0x12: {  	[sflag:s11] =	ssyncadd.s32 $0xFFFFC180  }
0x13: {  	[tilespmem:s12], [sflag:$0x7] =	stream.linear.gather [hbm4b:s7+s1], $0x3E80, $0x38;
	[tilespmem:$0x17000] =	vst v63  }
0x14: {  	_ =	swait.ge [sflag:s11], $0x3E80  }
0x15: {  	[sflag:s11] =	ssyncset.done $0x0  }
0x16: {  	[sflag:s11] =	ssyncadd.s32 $0xFFFFC180  }
0x17: {  	[tilespmem:s14], [sflag:$0x1] =	stream.indirect.gather [hbm4b:s3+s13], $0x80, s1, s13, $0xb8;
	[tilespmem:$0x17000] =	vst v63  }
0x18: {  	s28 =	simm.s32 $0x0  }
0x19: {  	[tilespmem:s15], [sflag:$0x3] =	stream.indirect.gather [hbm4b:s4+s13], $0x80, s12, s13, $0xb8;
	[tilespmem:$0x17000] =	vst v63  }
.LBB2_2:
0x1a: {  	s29 =	sshllo.u32 s28, $0x1  }
0x1b: {  	s0 =	sshll.u32 s29, $0x7  }
0x1c: {  	[tilespmem:s16], [sflag:$0x2] =	stream.indirect.gather [hbm4b:s3+s13], $0x80, s0, s13, $0xb8;
	[tilespmem:$0x17000] =	vst v63  }
0x1d: {  	s0 =	sadd.s32 $0x4000, s0  }
0x1e: {  	[tilespmem:s17], [sflag:$0x4] =	stream.indirect.gather [hbm4b:s4+s13], $0x80, s0, s13, $0xb8;
	[tilespmem:$0x17000] =	vst v63  }
0x1f: {  	_ =	swait.ge [sflag:s18], $0x2800  }
0x20: {  	[sflag:s18] =	ssyncset.done $0x0  }
0x21: {  	[sflag:s18] =	ssyncadd.s32 $0xFFFFD800  }
0x22: {  	_ =	swait.ge [sflag:s19], $0x2800  }
0x23: {  	p0 =	seq.s32 s28, $0x0;
	[sflag:s19] =	ssyncset.done $0x0  }
0x24: {  	s0 =	simm.s32 @!p0 $0x5;
	[sflag:s19] =	ssyncadd.s32 $0xFFFFD800  }
0x25: {  	_ =	swait.ge @!p0 [sflag:s0], $0x2800  }
0x26: {  	[sflag:s0] =	ssyncset.done @!p0 $0x0  }
0x27: {  	s30 =	simm.s32 $0x0;
	[sflag:s0] =	ssyncadd.s32 @!p0 $0xFFFFD800  }
0x28: {  	v0 =	vld [tilespmem:s30+$0x8180]  }
0x29: {  	v1 =	vld [tilespmem:s30+$0xD180]  }
0x2a: {  	v2 =	vld [tilespmem:s30+$0x8190]  }
0x2b: {  	v3 =	vld [tilespmem:s30+$0xD190]  }
0x2c: {  	v4 =	vld [tilespmem:s30+$0x81A0]  }
0x2d: {  	v5 =	vld [tilespmem:s30+$0xD1A0]  }
0x2e: {  	v6 =	vld [tilespmem:s30+$0x81B0]  }
0x2f: {  	v7 =	vld [tilespmem:s30+$0xD1B0]  }
0x30: {  	v8 =	vld [tilespmem:s30+$0x81C0]  }
0x31: {  	v9 =	vld [tilespmem:s30+$0x8100]  }
0x32: {  	v10 =	vld [tilespmem:s30+$0x8110]  }
0x33: {  	v11 =	vld [tilespmem:s30+$0xD110]  }
0x34: {  	v12 =	vld [tilespmem:s30+$0x8020]  }
0x35: {  	v13 =	vld [tilespmem:s30+$0xD020]  }
0x36: {  	v14 =	vld [tilespmem:s30+$0x80A0]  }
0x37: {  	v15 =	vld [tilespmem:s30+$0xD0A0]  }
0x38: {  	v16 =	vld [tilespmem:s30+$0x8120]  }
0x39: {  	v17 =	vld [tilespmem:s30+$0xD120]  }
0x3a: {  	v18 =	vld [tilespmem:s30+$0x8030]  }
0x3b: {  	v19 =	vld [tilespmem:s30+$0xD030]  }
0x3c: {  	v20 =	vld [tilespmem:s30+$0x80B0]  }
0x3d: {  	v21 =	vld [tilespmem:s30+$0xD0B0]  }
0x3e: {  	v22 =	vld [tilespmem:s30+$0x8130]  }
0x3f: {  	v23 =	vld [tilespmem:s30+$0xD130]  }
0x40: {  	v24 =	vld [tilespmem:s30+$0x8040]  }
0x41: {  	v25 =	vld [tilespmem:s30+$0xD040]  }
0x42: {  	v26 =	vld [tilespmem:s30+$0x80C0]  }
0x43: {  	v27 =	vld [tilespmem:s30+$0xD0C0]  }
0x44: {  	v28 =	vld [tilespmem:s30+$0x8140]  }
0x45: {  	v29 =	vld [tilespmem:s30+$0xD140]  }
0x46: {  	v30 =	vld [tilespmem:s30+$0x8050]  }
0x47: {  	v31 =	vld [tilespmem:s30+$0xD050]  }
0x48: {  	v32 =	vld [tilespmem:s30+$0x80D0];
	v0 =	vmul.f32 v1, v0;
	v1 =	vmul.f32 v3, v2  }
0x49: {  	v2 =	vld [tilespmem:s30+$0xD1C0]  }
0x4a: {  	v3 =	vld [tilespmem:s30+$0x81D0];
	v0 =	vadd.f32 v1, v0;
	v1 =	vmul.f32 v5, v4  }
0x4b: {  	v4 =	vld [tilespmem:s30+$0xD1D0]  }
0x4c: {  	v5 =	vld [tilespmem:s30+$0x81E0];
	v0 =	vadd.f32 v1, v0;
	v1 =	vmul.f32 v7, v6  }
0x4d: {  	v6 =	vld [tilespmem:s30+$0xD1E0]  }
0x4e: {  	v7 =	vld [tilespmem:s30+$0x81F0];
	v0 =	vadd.f32 v1, v0;
	v1 =	vmul.f32 v2, v8  }
0x4f: {  	v2 =	vld [tilespmem:s30+$0xD1F0]  }
0x50: {  	v8 =	vld [tilespmem:s30+$0x8000];
	v0 =	vadd.f32 v1, v0;
	v1 =	vmul.f32 v4, v3  }
0x51: {  	v3 =	vld [tilespmem:s30+$0xD000]  }
0x52: {  	v4 =	vld [tilespmem:s30+$0x8010];
	v0 =	vadd.f32 v1, v0;
	v1 =	vmul.f32 v6, v5  }
0x53: {  	v5 =	vld [tilespmem:s30+$0xD010]  }
0x54: {  	v6 =	vld [tilespmem:s30+$0x8080];
	v0 =	vadd.f32 v1, v0;
	v1 =	vmul.f32 v2, v7  }
0x55: {  	v2 =	vld [tilespmem:s30+$0xD080]  }
0x56: {  	v7 =	vld [tilespmem:s30+$0x8090];
	v0 =	vadd.f32 v1, v0  }
0x57: {  	v1 =	vld [tilespmem:s30+$0xD090]  }
0x58: {  	[tilespmem:s30+$0x12180] =	vst v0;
	v0 =	vld [tilespmem:s30+$0xD100]  }
0x59: {  	v33 =	vld [tilespmem:s30+$0xD0D0]  }
0x5a: {  	v58 =	vld [tilespmem:s30+$0x8160];
	v3 =	vmul.f32 v3, v8;
	v4 =	vmul.f32 v5, v4  }
0x5b: {  	v60 =	vld [tilespmem:s30+$0x8070];
	v2 =	vmul.f32 v2, v6  }
0x5c: {  	v8 =	vld [tilespmem:s30+$0x8060];
	v3 =	vadd.f32 v4, v3;
	v4 =	vmul.f32 v13, v12;
	v1 =	vmul.f32 v1, v7  }
0x5d: {  	v5 =	vld [tilespmem:s30+$0x8150];
	v7 =	vmul.f32 v11, v10;
	v0 =	vmul.f32 v0, v9  }
0x5e: {  	v6 =	vld [tilespmem:s30+$0xD150];
	v3 =	vadd.f32 v4, v3;
	v1 =	vadd.f32 v1, v2;
	v2 =	vmul.f32 v15, v14  }
0x5f: {  	v4 =	vmul.f32 v17, v16;
	v10 =	vmul.f32 v19, v18;
	v11 =	vld [tilespmem:s30+$0xD0E0];
	v0 =	vadd.f32 v7, v0  }
0x60: {  	v9 =	vld [tilespmem:s30+$0xD060];
	v1 =	vadd.f32 v2, v1;
	v2 =	vmul.f32 v21, v20  }
0x61: {  	v3 =	vadd.f32 v10, v3;
	v10 =	vld [tilespmem:s30+$0xD160];
	v0 =	vadd.f32 v4, v0;
	v4 =	vmul.f32 v23, v22  }
0x62: {  	v59 =	vmul.f32 v27, v26;
	v7 =	vld [tilespmem:s30+$0x80E0];
	v1 =	vadd.f32 v2, v1;
	v2 =	vmul.f32 v25, v24  }
0x63: {  	v61 =	vld [tilespmem:s30+$0xD070];
	v0 =	vadd.f32 v4, v0;
	v4 =	vmul.f32 v29, v28  }
0x64: {  	v62 =	vld [tilespmem:s30+$0x80F0];
	v2 =	vadd.f32 v2, v3;
	v3 =	vadd.f32 v59, v1;
	v1 =	vmul.f32 v31, v30  }
0x65: {  	v63 =	vld [tilespmem:s30+$0xD0F0];
	v0 =	vadd.f32 v4, v0;
	v4 =	vmul.f32 v33, v32  }
0x66: {  	v5 =	vmul.f32 v6, v5;
	v6 =	vmul.f32 v9, v8;
	v2 =	vadd.f32 v1, v2;
	v1 =	vld [tilespmem:s30+$0x8170]  }
0x67: {  	s0 =	simm.s32 $0x200;
	v9 =	vmul.f32 v10, v58;
	v7 =	vmul.f32 v11, v7;
	v3 =	vadd.f32 v4, v3;
	v4 =	vld [tilespmem:s30+$0xD170]  }
0x68: {  	v10 =	vmul.f32 v61, v60;
	v5 =	vadd.f32 v5, v0;
	v8 =	vadd.f32 v6, v2;
	v0 =	vld [tilespmem:s0+$0x8180]  }
0x69: {  	v2 =	vld [tilespmem:s0+$0xD180];
	v6 =	vadd.f32 v7, v3  }
0x6a: {  	s31 =	simm.s32 $0x1000;
	v5 =	vadd.f32 v9, v5;
	v3 =	vld [tilespmem:s0+$0x8190];
	v7 =	vadd.f32 v10, v8;
	v8 =	vmul.f32 v63, v62  }
.LBB2_3:
0x6b: {  	p1 =	sne.s32 s31, $0x9800;
	v9 =	vld [tilespmem:s0+$0xD190]  }
0x6c: {  	v10 =	vld [tilespmem:s0+$0x81A0];
	[tilespmem:s30+$0x12000] =	vst v7;
	v6 =	vadd.f32 v8, v6;
	v1 =	vmul.f32 v4, v1  }
0x6d: {  	v4 =	vld [tilespmem:s0+$0xD1A0]  }
0x6e: {  	v7 =	vld [tilespmem:s0+$0x81B0];
	[tilespmem:s30+$0x12080] =	vst v6;
	v1 =	vadd.f32 v1, v5  }
0x6f: {  	v5 =	vld [tilespmem:s0+$0xD1B0]  }
0x70: {  	v0 =	vmul.f32 v2, v0;
	v2 =	vmul.f32 v9, v3;
	v3 =	vld [tilespmem:s0+$0x81C0];
	[tilespmem:s30+$0x12100] =	vst v1;
	s30 =	smov.u32 s0  }
0x71: {  	v1 =	vld [tilespmem:s30+$0xD1C0]  }
0x72: {  	v0 =	vadd.f32 v2, v0;
	v2 =	vmul.f32 v4, v10;
	v4 =	vld [tilespmem:s30+$0x81D0]  }
0x73: {  	v6 =	vld [tilespmem:s30+$0xD1D0]  }
0x74: {  	v0 =	vadd.f32 v2, v0;
	v2 =	vmul.f32 v5, v7;
	v5 =	vld [tilespmem:s30+$0x81E0]  }
0x75: {  	v7 =	vld [tilespmem:s30+$0xD1E0]  }
0x76: {  	v0 =	vadd.f32 v2, v0;
	v1 =	vmul.f32 v1, v3;
	v2 =	vld [tilespmem:s30+$0x81F0]  }
0x77: {  	v3 =	vld [tilespmem:s30+$0xD1F0]  }
0x78: {  	v8 =	vld [tilespmem:s30+$0x8000];
	v0 =	vadd.f32 v1, v0;
	v1 =	vmul.f32 v6, v4  }
0x79: {  	v4 =	vld [tilespmem:s30+$0xD000]  }
0x7a: {  	v6 =	vld [tilespmem:s30+$0x8010];
	v0 =	vadd.f32 v1, v0;
	v1 =	vmul.f32 v7, v5  }
0x7b: {  	v5 =	vld [tilespmem:s30+$0xD010]  }
0x7c: {  	v7 =	vld [tilespmem:s30+$0x8080];
	v0 =	vadd.f32 v1, v0;
	v1 =	vmul.f32 v3, v2  }
0x7d: {  	v2 =	vld [tilespmem:s30+$0xD080]  }
0x7e: {  	v3 =	vmul.f32 v4, v8;
	v4 =	vld [tilespmem:s30+$0x8090];
	v0 =	vadd.f32 v1, v0  }
0x7f: {  	v1 =	vld [tilespmem:s30+$0xD090]  }
0x80: {  	v5 =	vmul.f32 v5, v6;
	v6 =	vld [tilespmem:s30+$0x8100];
	[tilespmem:s30+$0x12180] =	vst v0  }
0x81: {  	v0 =	vld [tilespmem:s30+$0xD100]  }
0x82: {  	v3 =	vadd.f32 v5, v3;
	v2 =	vmul.f32 v2, v7;
	v5 =	vld [tilespmem:s30+$0x8110]  }
0x83: {  	v7 =	vld [tilespmem:s30+$0xD110]  }
0x84: {  	v8 =	vld [tilespmem:s30+$0x8020];
	v1 =	vmul.f32 v1, v4  }
0x85: {  	v4 =	vld [tilespmem:s30+$0xD020]  }
0x86: {  	v1 =	vadd.f32 v1, v2;
	v2 =	vld [tilespmem:s30+$0x80A0];
	v0 =	vmul.f32 v0, v6  }
0x87: {  	v6 =	vld [tilespmem:s30+$0xD0A0]  }
0x88: {  	v5 =	vmul.f32 v7, v5;
	v7 =	vld [tilespmem:s30+$0x8120]  }
0x89: {  	v9 =	vld [tilespmem:s30+$0xD120]  }
0x8a: {  	v4 =	vmul.f32 v4, v8;
	v8 =	vld [tilespmem:s30+$0x8030];
	v0 =	vadd.f32 v5, v0  }
0x8b: {  	v5 =	vld [tilespmem:s30+$0xD030]  }
0x8c: {  	v3 =	vadd.f32 v4, v3;
	v2 =	vmul.f32 v6, v2;
	v4 =	vld [tilespmem:s30+$0x80B0]  }
0x8d: {  	v6 =	vld [tilespmem:s30+$0xD0B0]  }
0x8e: {  	v1 =	vadd.f32 v2, v1;
	v2 =	vmul.f32 v9, v7;
	v7 =	vld [tilespmem:s30+$0x8130]  }
0x8f: {  	v9 =	vld [tilespmem:s30+$0xD130]  }
0x90: {  	v5 =	vmul.f32 v5, v8;
	v8 =	vld [tilespmem:s30+$0x8040];
	v0 =	vadd.f32 v2, v0  }
0x91: {  	v2 =	vld [tilespmem:s30+$0xD040]  }
0x92: {  	v3 =	vadd.f32 v5, v3;
	v4 =	vmul.f32 v6, v4;
	v5 =	vld [tilespmem:s30+$0x80C0]  }
0x93: {  	v6 =	vld [tilespmem:s30+$0xD0C0]  }
0x94: {  	v1 =	vadd.f32 v4, v1;
	v4 =	vmul.f32 v9, v7;
	v7 =	vld [tilespmem:s30+$0x8140]  }
0x95: {  	v9 =	vld [tilespmem:s30+$0xD140]  }
0x96: {  	v2 =	vmul.f32 v2, v8;
	v8 =	vld [tilespmem:s30+$0x8050];
	v0 =	vadd.f32 v4, v0  }
0x97: {  	v4 =	vld [tilespmem:s30+$0xD050]  }
0x98: {  	v2 =	vadd.f32 v2, v3;
	v3 =	vmul.f32 v6, v5;
	v5 =	vld [tilespmem:s30+$0x80D0]  }
0x99: {  	v6 =	vld [tilespmem:s30+$0xD0D0]  }
0x9a: {  	v1 =	vadd.f32 v3, v1;
	v3 =	vmul.f32 v9, v7;
	v7 =	vld [tilespmem:s30+$0x8150]  }
0x9b: {  	v9 =	vld [tilespmem:s30+$0xD150]  }
0x9c: {  	v4 =	vmul.f32 v4, v8;
	v8 =	vld [tilespmem:s30+$0x8060];
	v0 =	vadd.f32 v3, v0  }
0x9d: {  	v3 =	vld [tilespmem:s30+$0xD060]  }
0x9e: {  	v2 =	vadd.f32 v4, v2;
	v4 =	vmul.f32 v6, v5;
	v5 =	vld [tilespmem:s30+$0x80E0]  }
0x9f: {  	v6 =	vld [tilespmem:s30+$0xD0E0]  }
0xa0: {  	v1 =	vadd.f32 v4, v1;
	v4 =	vmul.f32 v9, v7;
	v7 =	vld [tilespmem:s30+$0x8160]  }
0xa1: {  	v9 =	vld [tilespmem:s30+$0xD160]  }
0xa2: {  	v3 =	vmul.f32 v3, v8;
	v8 =	vld [tilespmem:s30+$0x8070];
	v10 =	vadd.f32 v4, v0  }
0xa3: {  	v11 =	vld [tilespmem:s30+$0xD070]  }
0xa4: {  	v12 =	vadd.f32 v3, v2;
	v0 =	vmul.f32 v6, v5;
	v13 =	vld [tilespmem:s30+$0x80F0]  }
0xa5: {  	v14 =	vld [tilespmem:s30+$0xD0F0]  }
.Ltmp0:
0xa6: {  	v6 =	vadd.f32 v0, v1;
	v2 =	vmul.f32 v9, v7;
	v1 =	vld [tilespmem:s30+$0x8170];
	(pc) =	sbr.rel @p1 .LBB2_3-.Ltmp0, $4  }
0xa7: {  	s0 =	sshra.s32 s31, $0x2;
	v4 =	vld [tilespmem:s30+$0xD170]  }
0xa8: {  	v0 =	vld [tilespmem:s0+$0x8180];
	v7 =	vmul.f32 v11, v8;
	v5 =	vadd.f32 v2, v10  }
0xa9: {  	v2 =	vld [tilespmem:s0+$0xD180]  }
0xaa: {  	s31 =	sadd.s32 $0x800, s31;
	v3 =	vld [tilespmem:s0+$0x8190];
	v7 =	vadd.f32 v7, v12;
	v8 =	vmul.f32 v14, v13  }
0xab: {  	v9 =	vld [tilespmem:s0+$0xD190]  }
0xac: {  	v10 =	vld [tilespmem:s0+$0x81A0];
	[tilespmem:s30+$0x12000] =	vst v7;
	v6 =	vadd.f32 v8, v6;
	v1 =	vmul.f32 v4, v1  }
0xad: {  	v7 =	vld [tilespmem:s0+$0xD1A0]  }
0xae: {  	v4 =	vld [tilespmem:s0+$0x81B0];
	[tilespmem:s30+$0x12080] =	vst v6;
	v1 =	vadd.f32 v1, v5  }
0xaf: {  	v5 =	vld [tilespmem:s0+$0xD1B0]  }
0xb0: {  	v6 =	vld [tilespmem:s0+$0x81C0];
	[tilespmem:s30+$0x12100] =	vst v1  }
0xb1: {  	v0 =	vmul.f32 v2, v0;
	v2 =	vld [tilespmem:s0+$0xD1C0]  }
0xb2: {  	v1 =	vmul.f32 v9, v3;
	v3 =	vld [tilespmem:s0+$0x81D0]  }
0xb3: {  	v8 =	vld [tilespmem:s0+$0x81E0]  }
0xb4: {  	v9 =	vld [tilespmem:s0+$0x8100]  }
0xb5: {  	v11 =	vld [tilespmem:s0+$0xD110]  }
0xb6: {  	v12 =	vld [tilespmem:s0+$0x8020]  }
0xb7: {  	v13 =	vld [tilespmem:s0+$0xD020]  }
0xb8: {  	v14 =	vld [tilespmem:s0+$0x80A0]  }
0xb9: {  	v15 =	vld [tilespmem:s0+$0xD0A0]  }
0xba: {  	v16 =	vld [tilespmem:s0+$0x8120]  }
0xbb: {  	v17 =	vld [tilespmem:s0+$0xD120]  }
0xbc: {  	v18 =	vld [tilespmem:s0+$0x8030]  }
0xbd: {  	v19 =	vld [tilespmem:s0+$0xD030]  }
0xbe: {  	v20 =	vld [tilespmem:s0+$0x80B0]  }
0xbf: {  	v21 =	vld [tilespmem:s0+$0xD0B0]  }
0xc0: {  	v22 =	vld [tilespmem:s0+$0x8130]  }
0xc1: {  	v23 =	vld [tilespmem:s0+$0xD130]  }
0xc2: {  	v24 =	vld [tilespmem:s0+$0x8040]  }
0xc3: {  	v25 =	vld [tilespmem:s0+$0xD040]  }
0xc4: {  	v26 =	vld [tilespmem:s0+$0x80C0]  }
0xc5: {  	v27 =	vld [tilespmem:s0+$0xD0C0]  }
0xc6: {  	v28 =	vld [tilespmem:s0+$0x8140]  }
0xc7: {  	v29 =	vld [tilespmem:s0+$0xD140]  }
0xc8: {  	v30 =	vld [tilespmem:s0+$0x8050]  }
0xc9: {  	v31 =	vld [tilespmem:s0+$0xD050]  }
0xca: {  	v32 =	vld [tilespmem:s0+$0x80D0]  }
0xcb: {  	v34 =	vld [tilespmem:s0+$0x8150]  }
0xcc: {  	v35 =	vld [tilespmem:s0+$0xD150];
	v0 =	vadd.f32 v1, v0;
	v1 =	vmul.f32 v7, v10  }
0xcd: {  	v7 =	vld [tilespmem:s0+$0xD1D0]  }
0xce: {  	v10 =	vld [tilespmem:s0+$0x8110];
	v0 =	vadd.f32 v1, v0;
	v1 =	vmul.f32 v5, v4  }
0xcf: {  	v4 =	vld [tilespmem:s0+$0xD1E0]  }
0xd0: {  	v5 =	vld [tilespmem:s0+$0x81F0];
	v0 =	vadd.f32 v1, v0;
	v1 =	vmul.f32 v2, v6  }
0xd1: {  	v2 =	vld [tilespmem:s0+$0xD1F0]  }
0xd2: {  	v6 =	vld [tilespmem:s0+$0x8000];
	v0 =	vadd.f32 v1, v0;
	v1 =	vmul.f32 v7, v3  }
0xd3: {  	v3 =	vld [tilespmem:s0+$0xD000]  }
0xd4: {  	v7 =	vld [tilespmem:s0+$0x8010];
	v0 =	vadd.f32 v1, v0;
	v1 =	vmul.f32 v4, v8  }
0xd5: {  	v4 =	vld [tilespmem:s0+$0xD010]  }
0xd6: {  	v8 =	vld [tilespmem:s0+$0x8080];
	v0 =	vadd.f32 v1, v0;
	v1 =	vmul.f32 v2, v5  }
0xd7: {  	v2 =	vld [tilespmem:s0+$0xD080]  }
0xd8: {  	v5 =	vld [tilespmem:s0+$0x8090];
	v0 =	vadd.f32 v1, v0  }
0xd9: {  	v1 =	vld [tilespmem:s0+$0xD090]  }
0xda: {  	[tilespmem:s0+$0x12180] =	vst v0;
	v0 =	vld [tilespmem:s0+$0xD100]  }
0xdb: {  	v33 =	vld [tilespmem:s0+$0xD0D0];
	v26 =	vmul.f32 v27, v26  }
0xdc: {  	v27 =	vld [tilespmem:s0+$0x80F0];
	v34 =	vmul.f32 v35, v34;
	v3 =	vmul.f32 v3, v6  }
0xdd: {  	v35 =	vld [tilespmem:s0+$0xD170];
	v4 =	vmul.f32 v4, v7;
	v7 =	vmul.f32 v11, v10  }
0xde: {  	v6 =	vld [tilespmem:s0+$0x8060];
	v2 =	vmul.f32 v2, v8;
	v1 =	vmul.f32 v1, v5  }
0xdf: {  	v11 =	vld [tilespmem:s0+$0xD160];
	v3 =	vadd.f32 v4, v3;
	v4 =	vmul.f32 v13, v12;
	v0 =	vmul.f32 v0, v9  }
0xe0: {  	v10 =	vmul.f32 v19, v18;
	v8 =	vld [tilespmem:s0+$0x80E0];
	v1 =	vadd.f32 v1, v2;
	v2 =	vmul.f32 v15, v14  }
0xe1: {  	v5 =	vld [tilespmem:s0+$0xD060];
	v3 =	vadd.f32 v4, v3;
	v4 =	vmul.f32 v17, v16;
	v0 =	vadd.f32 v7, v0  }
0xe2: {  	v9 =	vld [tilespmem:s0+$0xD0E0];
	v1 =	vadd.f32 v2, v1;
	v2 =	vmul.f32 v21, v20  }
0xe3: {  	v3 =	vadd.f32 v10, v3;
	v10 =	vld [tilespmem:s0+$0xD070];
	v0 =	vadd.f32 v4, v0;
	v4 =	vmul.f32 v23, v22  }
0xe4: {  	v21 =	vld [tilespmem:s0+$0x8070];
	v1 =	vadd.f32 v2, v1;
	v2 =	vmul.f32 v25, v24  }
0xe5: {  	v7 =	vld [tilespmem:s0+$0x8160];
	v0 =	vadd.f32 v4, v0;
	v4 =	vmul.f32 v29, v28  }
0xe6: {  	v29 =	vld [tilespmem:s0+$0xD0F0];
	v2 =	vadd.f32 v2, v3;
	v3 =	vmul.f32 v31, v30  }
0xe7: {  	v1 =	vadd.f32 v26, v1;
	v31 =	vld [tilespmem:s0+$0x8170];
	v0 =	vadd.f32 v4, v0;
	v4 =	vmul.f32 v33, v32  }
0xe8: {  	v2 =	vadd.f32 v3, v2;
	v3 =	vmul.f32 v5, v6  }
0xe9: {  	v5 =	vmul.f32 v10, v21;
	v1 =	vadd.f32 v4, v1;
	v4 =	vmul.f32 v9, v8  }
0xea: {  	v0 =	vadd.f32 v34, v0;
	v2 =	vadd.f32 v3, v2;
	v3 =	vmul.f32 v11, v7  }
0xeb: {  	v1 =	vadd.f32 v4, v1;
	v4 =	vmul.f32 v29, v27  }
0xec: {  	s30 =	smul.u32 $0xA0, s28;
	v0 =	vadd.f32 v3, v0;
	v2 =	vadd.f32 v5, v2;
	v3 =	vmul.f32 v35, v31  }
0xed: {  	v1 =	vadd.f32 v4, v1  }
0xee: {  	s30 =	sadd.s32 s8, s30;
	[tilespmem:s0+$0x12000] =	vst v2;
	v0 =	vadd.f32 v3, v0  }
0xef: {  	s30 =	sshll.u32 s30, $0x4;
	[tilespmem:s0+$0x12080] =	vst v1  }
0xf0: {  	[tilespmem:s0+$0x12100] =	vst v0;
	s0 =	sadd.s32 s5, s30  }
0xf1: {  	[hbm4b:s0+s1] =	stream.linear.scatter [tilespmem:s20], [sflag:$0x5], $0x2800, $0x38;
	[tilespmem:$0x17000] =	vst v63  }
0xf2: {  	s0 =	sshll.u32 s28, $0x8  }
0xf3: {  	s30 =	sadd.s32 $0x100, s0  }
0xf4: {  	[tilespmem:s14], [sflag:$0x1] =	stream.indirect.gather [hbm4b:s3+s13], $0x80, s30, s13, $0xb8;
	[tilespmem:$0x17000] =	vst v63  }
0xf5: {  	s0 =	sadd.s32 $0x4100, s0  }
0xf6: {  	[tilespmem:s15], [sflag:$0x3] =	stream.indirect.gather [hbm4b:s4+s13], $0x80, s0, s13, $0xb8;
	[tilespmem:$0x17000] =	vst v63  }
0xf7: {  	_ =	swait.ge [sflag:s21], $0x2800  }
0xf8: {  	[sflag:s21] =	ssyncset.done $0x0  }
0xf9: {  	[sflag:s21] =	ssyncadd.s32 $0xFFFFD800  }
0xfa: {  	_ =	swait.ge [sflag:s22], $0x2800  }
0xfb: {  	[sflag:s22] =	ssyncset.done $0x0  }
0xfc: {  	s0 =	simm.s32 @!p0 $0x6;
	[sflag:s22] =	ssyncadd.s32 $0xFFFFD800  }
0xfd: {  	_ =	swait.ge @!p0 [sflag:s0], $0x2800  }
0xfe: {  	[sflag:s0] =	ssyncset.done @!p0 $0x0  }
0xff: {  	s30 =	simm.s32 $0x0;
	[sflag:s0] =	ssyncadd.s32 @!p0 $0xFFFFD800  }
0x100: {  	v0 =	vld [tilespmem:s30+$0xA980]  }
0x101: {  	v1 =	vld [tilespmem:s30+$0xF980]  }
0x102: {  	v2 =	vld [tilespmem:s30+$0xA990]  }
0x103: {  	v3 =	vld [tilespmem:s30+$0xF990]  }
0x104: {  	v4 =	vld [tilespmem:s30+$0xA9A0]  }
0x105: {  	v5 =	vld [tilespmem:s30+$0xF9A0]  }
0x106: {  	v6 =	vld [tilespmem:s30+$0xA9B0]  }
0x107: {  	v7 =	vld [tilespmem:s30+$0xF9B0]  }
0x108: {  	v8 =	vld [tilespmem:s30+$0xA9C0]  }
0x109: {  	v9 =	vld [tilespmem:s30+$0xA900]  }
0x10a: {  	v10 =	vld [tilespmem:s30+$0xA910]  }
0x10b: {  	v11 =	vld [tilespmem:s30+$0xF910]  }
0x10c: {  	v36 =	vld [tilespmem:s30+$0xA820]  }
0x10d: {  	v37 =	vld [tilespmem:s30+$0xF820]  }
0x10e: {  	v38 =	vld [tilespmem:s30+$0xA8A0]  }
0x10f: {  	v39 =	vld [tilespmem:s30+$0xF8A0]  }
0x110: {  	v40 =	vld [tilespmem:s30+$0xA920]  }
0x111: {  	v41 =	vld [tilespmem:s30+$0xF920]  }
0x112: {  	v42 =	vld [tilespmem:s30+$0xA830]  }
0x113: {  	v43 =	vld [tilespmem:s30+$0xF830]  }
0x114: {  	v44 =	vld [tilespmem:s30+$0xA8B0]  }
0x115: {  	v45 =	vld [tilespmem:s30+$0xF8B0]  }
0x116: {  	v46 =	vld [tilespmem:s30+$0xA930]  }
0x117: {  	v47 =	vld [tilespmem:s30+$0xF930]  }
0x118: {  	v48 =	vld [tilespmem:s30+$0xA840]  }
0x119: {  	v49 =	vld [tilespmem:s30+$0xF840]  }
0x11a: {  	v50 =	vld [tilespmem:s30+$0xA8C0]  }
0x11b: {  	v51 =	vld [tilespmem:s30+$0xF8C0]  }
0x11c: {  	v52 =	vld [tilespmem:s30+$0xA940]  }
0x11d: {  	v53 =	vld [tilespmem:s30+$0xF940]  }
0x11e: {  	v54 =	vld [tilespmem:s30+$0xA850]  }
0x11f: {  	v55 =	vld [tilespmem:s30+$0xF850]  }
0x120: {  	v56 =	vld [tilespmem:s30+$0xA8D0];
	v0 =	vmul.f32 v1, v0;
	v1 =	vmul.f32 v3, v2  }
0x121: {  	v2 =	vld [tilespmem:s30+$0xF9C0]  }
0x122: {  	v3 =	vld [tilespmem:s30+$0xA9D0];
	v0 =	vadd.f32 v1, v0;
	v1 =	vmul.f32 v5, v4  }
0x123: {  	v4 =	vld [tilespmem:s30+$0xF9D0]  }
0x124: {  	v5 =	vld [tilespmem:s30+$0xA9E0];
	v0 =	vadd.f32 v1, v0;
	v1 =	vmul.f32 v7, v6  }
0x125: {  	v6 =	vld [tilespmem:s30+$0xF9E0]  }
0x126: {  	v7 =	vld [tilespmem:s30+$0xA9F0];
	v0 =	vadd.f32 v1, v0;
	v1 =	vmul.f32 v2, v8  }
0x127: {  	v2 =	vld [tilespmem:s30+$0xF9F0]  }
0x128: {  	v8 =	vld [tilespmem:s30+$0xA800];
	v0 =	vadd.f32 v1, v0;
	v1 =	vmul.f32 v4, v3  }
0x129: {  	v3 =	vld [tilespmem:s30+$0xF800]  }
0x12a: {  	v4 =	vld [tilespmem:s30+$0xA810];
	v0 =	vadd.f32 v1, v0;
	v1 =	vmul.f32 v6, v5  }
0x12b: {  	v5 =	vld [tilespmem:s30+$0xF810]  }
0x12c: {  	v6 =	vld [tilespmem:s30+$0xA880];
	v0 =	vadd.f32 v1, v0;
	v1 =	vmul.f32 v2, v7  }
0x12d: {  	v2 =	vld [tilespmem:s30+$0xF880]  }
0x12e: {  	v7 =	vld [tilespmem:s30+$0xA890];
	v0 =	vadd.f32 v1, v0  }
0x12f: {  	v1 =	vld [tilespmem:s30+$0xF890]  }
0x130: {  	[tilespmem:s30+$0x14980] =	vst v0;
	v0 =	vld [tilespmem:s30+$0xF900]  }
0x131: {  	v57 =	vld [tilespmem:s30+$0xF8D0]  }
0x132: {  	v58 =	vld [tilespmem:s30+$0xA960];
	v3 =	vmul.f32 v3, v8;
	v4 =	vmul.f32 v5, v4  }
0x133: {  	v60 =	vld [tilespmem:s30+$0xA870];
	v2 =	vmul.f32 v2, v6  }
0x134: {  	v8 =	vld [tilespmem:s30+$0xA860];
	v3 =	vadd.f32 v4, v3;
	v4 =	vmul.f32 v37, v36;
	v1 =	vmul.f32 v1, v7  }
0x135: {  	v5 =	vld [tilespmem:s30+$0xA950];
	v7 =	vmul.f32 v11, v10;
	v0 =	vmul.f32 v0, v9  }
0x136: {  	v6 =	vld [tilespmem:s30+$0xF950];
	v3 =	vadd.f32 v4, v3;
	v1 =	vadd.f32 v1, v2;
	v2 =	vmul.f32 v39, v38  }
0x137: {  	v4 =	vmul.f32 v41, v40;
	v10 =	vmul.f32 v43, v42;
	v11 =	vld [tilespmem:s30+$0xF8E0];
	v0 =	vadd.f32 v7, v0  }
0x138: {  	v9 =	vld [tilespmem:s30+$0xF860];
	v1 =	vadd.f32 v2, v1;
	v2 =	vmul.f32 v45, v44  }
0x139: {  	v3 =	vadd.f32 v10, v3;
	v10 =	vld [tilespmem:s30+$0xF960];
	v0 =	vadd.f32 v4, v0;
	v4 =	vmul.f32 v47, v46  }
0x13a: {  	v59 =	vmul.f32 v51, v50;
	v7 =	vld [tilespmem:s30+$0xA8E0];
	v1 =	vadd.f32 v2, v1;
	v2 =	vmul.f32 v49, v48  }
0x13b: {  	v61 =	vld [tilespmem:s30+$0xF870];
	v0 =	vadd.f32 v4, v0;
	v4 =	vmul.f32 v53, v52  }
0x13c: {  	v62 =	vld [tilespmem:s30+$0xA8F0];
	v2 =	vadd.f32 v2, v3;
	v3 =	vadd.f32 v59, v1;
	v1 =	vmul.f32 v55, v54  }
0x13d: {  	v63 =	vld [tilespmem:s30+$0xF8F0];
	v0 =	vadd.f32 v4, v0;
	v4 =	vmul.f32 v57, v56  }
0x13e: {  	v5 =	vmul.f32 v6, v5;
	v6 =	vmul.f32 v9, v8;
	v2 =	vadd.f32 v1, v2;
	v1 =	vld [tilespmem:s30+$0xA970]  }
0x13f: {  	s0 =	simm.s32 $0x200;
	v9 =	vmul.f32 v10, v58;
	v7 =	vmul.f32 v11, v7;
	v3 =	vadd.f32 v4, v3;
	v4 =	vld [tilespmem:s30+$0xF970]  }
0x140: {  	v10 =	vmul.f32 v61, v60;
	v5 =	vadd.f32 v5, v0;
	v8 =	vadd.f32 v6, v2;
	v0 =	vld [tilespmem:s0+$0xA980]  }
0x141: {  	v2 =	vld [tilespmem:s0+$0xF980];
	v6 =	vadd.f32 v7, v3  }
0x142: {  	s31 =	simm.s32 $0x1000;
	v5 =	vadd.f32 v9, v5;
	v3 =	vld [tilespmem:s0+$0xA990];
	v7 =	vadd.f32 v10, v8;
	v8 =	vmul.f32 v63, v62  }
.LBB2_5:
0x143: {  	p0 =	sne.s32 s31, $0x9800;
	v9 =	vld [tilespmem:s0+$0xF990]  }
0x144: {  	v10 =	vld [tilespmem:s0+$0xA9A0];
	[tilespmem:s30+$0x14800] =	vst v7;
	v6 =	vadd.f32 v8, v6;
	v1 =	vmul.f32 v4, v1  }
0x145: {  	v4 =	vld [tilespmem:s0+$0xF9A0]  }
0x146: {  	v7 =	vld [tilespmem:s0+$0xA9B0];
	[tilespmem:s30+$0x14880] =	vst v6;
	v1 =	vadd.f32 v1, v5  }
0x147: {  	v5 =	vld [tilespmem:s0+$0xF9B0]  }
0x148: {  	v0 =	vmul.f32 v2, v0;
	v2 =	vmul.f32 v9, v3;
	v3 =	vld [tilespmem:s0+$0xA9C0];
	[tilespmem:s30+$0x14900] =	vst v1;
	s30 =	smov.u32 s0  }
0x149: {  	v1 =	vld [tilespmem:s30+$0xF9C0]  }
0x14a: {  	v0 =	vadd.f32 v2, v0;
	v2 =	vmul.f32 v4, v10;
	v4 =	vld [tilespmem:s30+$0xA9D0]  }
0x14b: {  	v6 =	vld [tilespmem:s30+$0xF9D0]  }
0x14c: {  	v0 =	vadd.f32 v2, v0;
	v2 =	vmul.f32 v5, v7;
	v5 =	vld [tilespmem:s30+$0xA9E0]  }
0x14d: {  	v7 =	vld [tilespmem:s30+$0xF9E0]  }
0x14e: {  	v0 =	vadd.f32 v2, v0;
	v1 =	vmul.f32 v1, v3;
	v2 =	vld [tilespmem:s30+$0xA9F0]  }
0x14f: {  	v3 =	vld [tilespmem:s30+$0xF9F0]  }
0x150: {  	v8 =	vld [tilespmem:s30+$0xA800];
	v0 =	vadd.f32 v1, v0;
	v1 =	vmul.f32 v6, v4  }
0x151: {  	v4 =	vld [tilespmem:s30+$0xF800]  }
0x152: {  	v6 =	vld [tilespmem:s30+$0xA810];
	v0 =	vadd.f32 v1, v0;
	v1 =	vmul.f32 v7, v5  }
0x153: {  	v5 =	vld [tilespmem:s30+$0xF810]  }
0x154: {  	v7 =	vld [tilespmem:s30+$0xA880];
	v0 =	vadd.f32 v1, v0;
	v1 =	vmul.f32 v3, v2  }
0x155: {  	v2 =	vld [tilespmem:s30+$0xF880]  }
0x156: {  	v3 =	vmul.f32 v4, v8;
	v4 =	vld [tilespmem:s30+$0xA890];
	v0 =	vadd.f32 v1, v0  }
0x157: {  	v1 =	vld [tilespmem:s30+$0xF890]  }
0x158: {  	v5 =	vmul.f32 v5, v6;
	v6 =	vld [tilespmem:s30+$0xA900];
	[tilespmem:s30+$0x14980] =	vst v0  }
0x159: {  	v0 =	vld [tilespmem:s30+$0xF900]  }
0x15a: {  	v3 =	vadd.f32 v5, v3;
	v2 =	vmul.f32 v2, v7;
	v5 =	vld [tilespmem:s30+$0xA910]  }
0x15b: {  	v7 =	vld [tilespmem:s30+$0xF910]  }
0x15c: {  	v8 =	vld [tilespmem:s30+$0xA820];
	v1 =	vmul.f32 v1, v4  }
0x15d: {  	v4 =	vld [tilespmem:s30+$0xF820]  }
0x15e: {  	v1 =	vadd.f32 v1, v2;
	v2 =	vld [tilespmem:s30+$0xA8A0];
	v0 =	vmul.f32 v0, v6  }
0x15f: {  	v6 =	vld [tilespmem:s30+$0xF8A0]  }
0x160: {  	v5 =	vmul.f32 v7, v5;
	v7 =	vld [tilespmem:s30+$0xA920]  }
0x161: {  	v9 =	vld [tilespmem:s30+$0xF920]  }
0x162: {  	v4 =	vmul.f32 v4, v8;
	v8 =	vld [tilespmem:s30+$0xA830];
	v0 =	vadd.f32 v5, v0  }
0x163: {  	v5 =	vld [tilespmem:s30+$0xF830]  }
0x164: {  	v3 =	vadd.f32 v4, v3;
	v2 =	vmul.f32 v6, v2;
	v4 =	vld [tilespmem:s30+$0xA8B0]  }
0x165: {  	v6 =	vld [tilespmem:s30+$0xF8B0]  }
0x166: {  	v1 =	vadd.f32 v2, v1;
	v2 =	vmul.f32 v9, v7;
	v7 =	vld [tilespmem:s30+$0xA930]  }
0x167: {  	v9 =	vld [tilespmem:s30+$0xF930]  }
0x168: {  	v5 =	vmul.f32 v5, v8;
	v8 =	vld [tilespmem:s30+$0xA840];
	v0 =	vadd.f32 v2, v0  }
0x169: {  	v2 =	vld [tilespmem:s30+$0xF840]  }
0x16a: {  	v3 =	vadd.f32 v5, v3;
	v4 =	vmul.f32 v6, v4;
	v5 =	vld [tilespmem:s30+$0xA8C0]  }
0x16b: {  	v6 =	vld [tilespmem:s30+$0xF8C0]  }
0x16c: {  	v1 =	vadd.f32 v4, v1;
	v4 =	vmul.f32 v9, v7;
	v7 =	vld [tilespmem:s30+$0xA940]  }
0x16d: {  	v9 =	vld [tilespmem:s30+$0xF940]  }
0x16e: {  	v2 =	vmul.f32 v2, v8;
	v8 =	vld [tilespmem:s30+$0xA850];
	v0 =	vadd.f32 v4, v0  }
0x16f: {  	v4 =	vld [tilespmem:s30+$0xF850]  }
0x170: {  	v2 =	vadd.f32 v2, v3;
	v3 =	vmul.f32 v6, v5;
	v5 =	vld [tilespmem:s30+$0xA8D0]  }
0x171: {  	v6 =	vld [tilespmem:s30+$0xF8D0]  }
0x172: {  	v1 =	vadd.f32 v3, v1;
	v3 =	vmul.f32 v9, v7;
	v7 =	vld [tilespmem:s30+$0xA950]  }
0x173: {  	v9 =	vld [tilespmem:s30+$0xF950]  }
0x174: {  	v4 =	vmul.f32 v4, v8;
	v8 =	vld [tilespmem:s30+$0xA860];
	v0 =	vadd.f32 v3, v0  }
0x175: {  	v3 =	vld [tilespmem:s30+$0xF860]  }
0x176: {  	v2 =	vadd.f32 v4, v2;
	v4 =	vmul.f32 v6, v5;
	v5 =	vld [tilespmem:s30+$0xA8E0]  }
0x177: {  	v6 =	vld [tilespmem:s30+$0xF8E0]  }
0x178: {  	v1 =	vadd.f32 v4, v1;
	v4 =	vmul.f32 v9, v7;
	v7 =	vld [tilespmem:s30+$0xA960]  }
0x179: {  	v9 =	vld [tilespmem:s30+$0xF960]  }
0x17a: {  	v3 =	vmul.f32 v3, v8;
	v8 =	vld [tilespmem:s30+$0xA870];
	v10 =	vadd.f32 v4, v0  }
0x17b: {  	v11 =	vld [tilespmem:s30+$0xF870]  }
0x17c: {  	v12 =	vadd.f32 v3, v2;
	v0 =	vmul.f32 v6, v5;
	v13 =	vld [tilespmem:s30+$0xA8F0]  }
0x17d: {  	v14 =	vld [tilespmem:s30+$0xF8F0]  }
.Ltmp1:
0x17e: {  	v6 =	vadd.f32 v0, v1;
	v2 =	vmul.f32 v9, v7;
	v1 =	vld [tilespmem:s30+$0xA970];
	(pc) =	sbr.rel @p0 .LBB2_5-.Ltmp1, $4  }
0x17f: {  	s0 =	sshra.s32 s31, $0x2;
	v4 =	vld [tilespmem:s30+$0xF970]  }
0x180: {  	v0 =	vld [tilespmem:s0+$0xA980];
	v7 =	vmul.f32 v11, v8;
	v5 =	vadd.f32 v2, v10  }
0x181: {  	v2 =	vld [tilespmem:s0+$0xF980]  }
0x182: {  	s31 =	sadd.s32 $0x800, s31;
	v3 =	vld [tilespmem:s0+$0xA990];
	v7 =	vadd.f32 v7, v12;
	v8 =	vmul.f32 v14, v13  }
0x183: {  	v9 =	vld [tilespmem:s0+$0xF990]  }
0x184: {  	v10 =	vld [tilespmem:s0+$0xA9A0];
	[tilespmem:s30+$0x14800] =	vst v7;
	v6 =	vadd.f32 v8, v6;
	v1 =	vmul.f32 v4, v1  }
0x185: {  	v7 =	vld [tilespmem:s0+$0xF9A0]  }
0x186: {  	v34 =	vld [tilespmem:s0+$0xA9B0];
	[tilespmem:s30+$0x14880] =	vst v6;
	v1 =	vadd.f32 v1, v5  }
0x187: {  	v35 =	vld [tilespmem:s0+$0xF9B0]  }
0x188: {  	v6 =	vld [tilespmem:s0+$0xA9C0];
	[tilespmem:s30+$0x14900] =	vst v1  }
0x189: {  	v37 =	vld [tilespmem:s0+$0xF9C0]  }
0x18a: {  	v38 =	vld [tilespmem:s0+$0xA9D0]  }
0x18b: {  	v40 =	vld [tilespmem:s0+$0xF9D0]  }
0x18c: {  	v41 =	vld [tilespmem:s0+$0xA9E0]  }
0x18d: {  	v43 =	vld [tilespmem:s0+$0xF9E0]  }
0x18e: {  	v44 =	vld [tilespmem:s0+$0xA9F0]  }
0x18f: {  	v46 =	vld [tilespmem:s0+$0xF9F0]  }
0x190: {  	v47 =	vld [tilespmem:s0+$0xA800]  }
0x191: {  	v49 =	vld [tilespmem:s0+$0xF800]  }
0x192: {  	v50 =	vld [tilespmem:s0+$0xA810]  }
0x193: {  	v52 =	vld [tilespmem:s0+$0xF810]  }
0x194: {  	v53 =	vld [tilespmem:s0+$0xA880]  }
0x195: {  	v55 =	vld [tilespmem:s0+$0xF880]  }
0x196: {  	v56 =	vld [tilespmem:s0+$0xA890]  }
0x197: {  	v57 =	vld [tilespmem:s0+$0xF890]  }
0x198: {  	v58 =	vld [tilespmem:s0+$0xA900]  }
0x199: {  	v59 =	vld [tilespmem:s0+$0xF900]  }
0x19a: {  	v60 =	vld [tilespmem:s0+$0xA910]  }
0x19b: {  	v11 =	vld [tilespmem:s0+$0xF910]  }
0x19c: {  	v12 =	vld [tilespmem:s0+$0xA820]  }
0x19d: {  	v13 =	vld [tilespmem:s0+$0xF820]  }
0x19e: {  	v14 =	vld [tilespmem:s0+$0xA8A0]  }
0x19f: {  	v15 =	vld [tilespmem:s0+$0xF8A0]  }
0x1a0: {  	v16 =	vld [tilespmem:s0+$0xA920]  }
0x1a1: {  	v17 =	vld [tilespmem:s0+$0xF920]  }
0x1a2: {  	v18 =	vld [tilespmem:s0+$0xA830]  }
0x1a3: {  	v19 =	vld [tilespmem:s0+$0xF830]  }
0x1a4: {  	v20 =	vld [tilespmem:s0+$0xA8B0]  }
0x1a5: {  	v21 =	vld [tilespmem:s0+$0xF8B0]  }
0x1a6: {  	v22 =	vld [tilespmem:s0+$0xA930]  }
0x1a7: {  	v23 =	vld [tilespmem:s0+$0xF930]  }
0x1a8: {  	v0 =	vmul.f32 v2, v0;
	v36 =	vmul.f32 v9, v3;
	v24 =	vld [tilespmem:s0+$0xA840]  }
0x1a9: {  	v25 =	vld [tilespmem:s0+$0xF840]  }
0x1aa: {  	v26 =	vld [tilespmem:s0+$0xA8C0];
	v0 =	vadd.f32 v36, v0;
	v39 =	vmul.f32 v7, v10  }
0x1ab: {  	v27 =	vld [tilespmem:s0+$0xF8C0]  }
0x1ac: {  	v28 =	vld [tilespmem:s0+$0xA940];
	v0 =	vadd.f32 v39, v0;
	v42 =	vmul.f32 v35, v34  }
0x1ad: {  	v29 =	vld [tilespmem:s0+$0xF940]  }
0x1ae: {  	v30 =	vld [tilespmem:s0+$0xA850];
	v0 =	vadd.f32 v42, v0;
	v45 =	vmul.f32 v37, v6  }
0x1af: {  	v31 =	vld [tilespmem:s0+$0xF850]  }
0x1b0: {  	v32 =	vld [tilespmem:s0+$0xA8D0];
	v48 =	vmul.f32 v40, v38;
	v0 =	vadd.f32 v45, v0  }
0x1b1: {  	v33 =	vld [tilespmem:s0+$0xF8D0]  }
0x1b2: {  	v61 =	vld [tilespmem:s0+$0xA860];
	v51 =	vmul.f32 v43, v41;
	v0 =	vadd.f32 v48, v0  }
0x1b3: {  	v62 =	vld [tilespmem:s0+$0xF860]  }
0x1b4: {  	v36 =	vld [tilespmem:s0+$0xA8E0];
	v54 =	vmul.f32 v46, v44;
	v0 =	vadd.f32 v51, v0  }
0x1b5: {  	v34 =	vld [tilespmem:s0+$0xA950];
	v3 =	vmul.f32 v49, v47  }
0x1b6: {  	v35 =	vld [tilespmem:s0+$0xF950];
	v4 =	vmul.f32 v52, v50;
	v2 =	vmul.f32 v55, v53;
	v0 =	vadd.f32 v54, v0  }
0x1b7: {  	v1 =	vmul.f32 v57, v56;
	v63 =	vmul.f32 v11, v60;
	v38 =	vld [tilespmem:s0+$0xF8E0]  }
0x1b8: {  	v37 =	vmul.f32 v13, v12;
	v40 =	vld [tilespmem:s0+$0xA960];
	v3 =	vadd.f32 v4, v3;
	[tilespmem:s0+$0x14980] =	vst v0;
	v0 =	vmul.f32 v59, v58  }
0x1b9: {  	v39 =	vmul.f32 v15, v14;
	v41 =	vmul.f32 v17, v16;
	v43 =	vld [tilespmem:s0+$0xF960];
	v1 =	vadd.f32 v1, v2  }
0x1ba: {  	v42 =	vmul.f32 v19, v18;
	v47 =	vld [tilespmem:s0+$0xF870];
	v3 =	vadd.f32 v37, v3;
	v0 =	vadd.f32 v63, v0  }
0x1bb: {  	v44 =	vmul.f32 v21, v20;
	v46 =	vmul.f32 v23, v22;
	v50 =	vld [tilespmem:s0+$0xA8F0];
	v1 =	vadd.f32 v39, v1  }
0x1bc: {  	v52 =	vld [tilespmem:s0+$0xF8F0];
	v48 =	vmul.f32 v25, v24;
	v3 =	vadd.f32 v42, v3;
	v0 =	vadd.f32 v41, v0  }
0x1bd: {  	v49 =	vmul.f32 v27, v26;
	v53 =	vmul.f32 v31, v30;
	v45 =	vld [tilespmem:s0+$0xA870];
	v1 =	vadd.f32 v44, v1  }
0x1be: {  	v57 =	vld [tilespmem:s0+$0xF970];
	v51 =	vmul.f32 v29, v28;
	v2 =	vadd.f32 v48, v3;
	v0 =	vadd.f32 v46, v0  }
0x1bf: {  	v55 =	vmul.f32 v33, v32;
	v56 =	vmul.f32 v35, v34;
	v1 =	vadd.f32 v49, v1;
	v54 =	vld [tilespmem:s0+$0xA970]  }
0x1c0: {  	v2 =	vadd.f32 v53, v2;
	v58 =	vmul.f32 v62, v61;
	v0 =	vadd.f32 v51, v0  }
0x1c1: {  	v60 =	vmul.f32 v43, v40;
	v1 =	vadd.f32 v55, v1;
	v59 =	vmul.f32 v38, v36  }
0x1c2: {  	v61 =	vmul.f32 v47, v45;
	v2 =	vadd.f32 v58, v2;
	v0 =	vadd.f32 v56, v0  }
0x1c3: {  	s28 =	sadd.s32 $0x1, s28;
	v62 =	vmul.f32 v52, v50;
	v1 =	vadd.f32 v59, v1  }
0x1c4: {  	s29 =	smul.u32 $0x50, s29;
	p0 =	sne.s32 s28, $0x3E;
	v63 =	vmul.f32 v57, v54;
	v2 =	vadd.f32 v61, v2;
	v0 =	vadd.f32 v60, v0  }
.Ltmp2:
0x1c5: {  	v1 =	vadd.f32 v62, v1;
	(pc) =	sbr.rel @p0 .LBB2_2-.Ltmp2, $4  }
0x1c6: {  	s29 =	sadd.s32 s8, s29;
	[tilespmem:s0+$0x14800] =	vst v2;
	v0 =	vadd.f32 v63, v0  }
0x1c7: {  	s29 =	sshll.u32 s29, $0x4;
	[tilespmem:s0+$0x14880] =	vst v1  }
0x1c8: {  	s31 =	sadd.s32 s5, s29;
	[tilespmem:s0+$0x14900] =	vst v0  }
0x1c9: {  	[hbm4b:s31+s1] =	stream.linear.scatter [tilespmem:s23], [sflag:$0x6], $0x2800, $0x38;
	[tilespmem:$0x17000] =	vst v63  }
0x1ca: {  	_ =	swait.ge [sflag:s18], $0x2800  }
0x1cb: {  	[sflag:s18] =	ssyncset.done $0x0  }
0x1cc: {  	[sflag:s18] =	ssyncadd.s32 $0xFFFFD800  }
0x1cd: {  	_ =	swait.ge [sflag:s19], $0x2800  }
0x1ce: {  	[sflag:s19] =	ssyncset.done $0x0  }
0x1cf: {  	[sflag:s19] =	ssyncadd.s32 $0xFFFFD800  }
0x1d0: {  	_ =	swait.ge [sflag:s24], $0x2800  }
0x1d1: {  	[sflag:s24] =	ssyncset.done $0x0  }
0x1d2: {  	s28 =	simm.s32 $0x0;
	[sflag:s24] =	ssyncadd.s32 $0xFFFFD800  }
0x1d3: {  	v0 =	vld [tilespmem:s28+$0x8180]  }
0x1d4: {  	v1 =	vld [tilespmem:s28+$0xD180]  }
0x1d5: {  	v2 =	vld [tilespmem:s28+$0x8190]  }
0x1d6: {  	v3 =	vld [tilespmem:s28+$0xD190]  }
0x1d7: {  	v4 =	vld [tilespmem:s28+$0x81A0]  }
0x1d8: {  	v5 =	vld [tilespmem:s28+$0xD1A0]  }
0x1d9: {  	v6 =	vld [tilespmem:s28+$0x81B0]  }
0x1da: {  	v7 =	vld [tilespmem:s28+$0xD1B0]  }
0x1db: {  	v8 =	vld [tilespmem:s28+$0x81C0]  }
0x1dc: {  	v9 =	vld [tilespmem:s28+$0x8100]  }
0x1dd: {  	v10 =	vld [tilespmem:s28+$0x8110]  }
0x1de: {  	v11 =	vld [tilespmem:s28+$0xD110]  }
0x1df: {  	v12 =	vld [tilespmem:s28+$0x8020]  }
0x1e0: {  	v13 =	vld [tilespmem:s28+$0xD020]  }
0x1e1: {  	v14 =	vld [tilespmem:s28+$0x80A0]  }
0x1e2: {  	v15 =	vld [tilespmem:s28+$0xD0A0]  }
0x1e3: {  	v16 =	vld [tilespmem:s28+$0x8120]  }
0x1e4: {  	v17 =	vld [tilespmem:s28+$0xD120]  }
0x1e5: {  	v18 =	vld [tilespmem:s28+$0x8030]  }
0x1e6: {  	v19 =	vld [tilespmem:s28+$0xD030]  }
0x1e7: {  	v20 =	vld [tilespmem:s28+$0x80B0]  }
0x1e8: {  	v21 =	vld [tilespmem:s28+$0xD0B0]  }
0x1e9: {  	v22 =	vld [tilespmem:s28+$0x8130]  }
0x1ea: {  	v23 =	vld [tilespmem:s28+$0xD130]  }
0x1eb: {  	v24 =	vld [tilespmem:s28+$0x8040]  }
0x1ec: {  	v25 =	vld [tilespmem:s28+$0xD040]  }
0x1ed: {  	v26 =	vld [tilespmem:s28+$0x80C0]  }
0x1ee: {  	v27 =	vld [tilespmem:s28+$0xD0C0]  }
0x1ef: {  	v28 =	vld [tilespmem:s28+$0x8140]  }
0x1f0: {  	v29 =	vld [tilespmem:s28+$0xD140]  }
0x1f1: {  	v30 =	vld [tilespmem:s28+$0x8050]  }
0x1f2: {  	v31 =	vld [tilespmem:s28+$0xD050]  }
0x1f3: {  	v32 =	vld [tilespmem:s28+$0x80D0];
	v0 =	vmul.f32 v1, v0;
	v1 =	vmul.f32 v3, v2  }
0x1f4: {  	v2 =	vld [tilespmem:s28+$0xD1C0]  }
0x1f5: {  	v3 =	vld [tilespmem:s28+$0x81D0];
	v0 =	vadd.f32 v1, v0;
	v1 =	vmul.f32 v5, v4  }
0x1f6: {  	v4 =	vld [tilespmem:s28+$0xD1D0]  }
0x1f7: {  	v5 =	vld [tilespmem:s28+$0x81E0];
	v0 =	vadd.f32 v1, v0;
	v1 =	vmul.f32 v7, v6  }
0x1f8: {  	v6 =	vld [tilespmem:s28+$0xD1E0]  }
0x1f9: {  	v7 =	vld [tilespmem:s28+$0x81F0];
	v0 =	vadd.f32 v1, v0;
	v1 =	vmul.f32 v2, v8  }
0x1fa: {  	v2 =	vld [tilespmem:s28+$0xD1F0]  }
0x1fb: {  	v8 =	vld [tilespmem:s28+$0x8000];
	v0 =	vadd.f32 v1, v0;
	v1 =	vmul.f32 v4, v3  }
0x1fc: {  	v3 =	vld [tilespmem:s28+$0xD000]  }
0x1fd: {  	v4 =	vld [tilespmem:s28+$0x8010];
	v0 =	vadd.f32 v1, v0;
	v1 =	vmul.f32 v6, v5  }
0x1fe: {  	v5 =	vld [tilespmem:s28+$0xD010]  }
0x1ff: {  	v6 =	vld [tilespmem:s28+$0x8080];
	v0 =	vadd.f32 v1, v0;
	v1 =	vmul.f32 v2, v7  }
0x200: {  	v2 =	vld [tilespmem:s28+$0xD080]  }
0x201: {  	v7 =	vld [tilespmem:s28+$0x8090];
	v0 =	vadd.f32 v1, v0  }
0x202: {  	v1 =	vld [tilespmem:s28+$0xD090]  }
0x203: {  	[tilespmem:s28+$0x12180] =	vst v0;
	v0 =	vld [tilespmem:s28+$0xD100]  }
0x204: {  	v33 =	vld [tilespmem:s28+$0xD0D0]  }
0x205: {  	v58 =	vld [tilespmem:s28+$0x8160];
	v3 =	vmul.f32 v3, v8;
	v4 =	vmul.f32 v5, v4  }
0x206: {  	v60 =	vld [tilespmem:s28+$0x8070];
	v2 =	vmul.f32 v2, v6  }
0x207: {  	v8 =	vld [tilespmem:s28+$0x8060];
	v3 =	vadd.f32 v4, v3;
	v4 =	vmul.f32 v13, v12;
	v1 =	vmul.f32 v1, v7  }
0x208: {  	v5 =	vld [tilespmem:s28+$0x8150];
	v7 =	vmul.f32 v11, v10;
	v0 =	vmul.f32 v0, v9  }
0x209: {  	v6 =	vld [tilespmem:s28+$0xD150];
	v3 =	vadd.f32 v4, v3;
	v1 =	vadd.f32 v1, v2;
	v2 =	vmul.f32 v15, v14  }
0x20a: {  	v4 =	vmul.f32 v17, v16;
	v10 =	vmul.f32 v19, v18;
	v11 =	vld [tilespmem:s28+$0xD0E0];
	v0 =	vadd.f32 v7, v0  }
0x20b: {  	v9 =	vld [tilespmem:s28+$0xD060];
	v1 =	vadd.f32 v2, v1;
	v2 =	vmul.f32 v21, v20  }
0x20c: {  	v3 =	vadd.f32 v10, v3;
	v10 =	vld [tilespmem:s28+$0xD160];
	v0 =	vadd.f32 v4, v0;
	v4 =	vmul.f32 v23, v22  }
0x20d: {  	v59 =	vmul.f32 v27, v26;
	v7 =	vld [tilespmem:s28+$0x80E0];
	v1 =	vadd.f32 v2, v1;
	v2 =	vmul.f32 v25, v24  }
0x20e: {  	v61 =	vld [tilespmem:s28+$0xD070];
	v0 =	vadd.f32 v4, v0;
	v4 =	vmul.f32 v29, v28  }
0x20f: {  	v62 =	vld [tilespmem:s28+$0x80F0];
	v2 =	vadd.f32 v2, v3;
	v3 =	vadd.f32 v59, v1;
	v1 =	vmul.f32 v31, v30  }
0x210: {  	v63 =	vld [tilespmem:s28+$0xD0F0];
	v0 =	vadd.f32 v4, v0;
	v4 =	vmul.f32 v33, v32  }
0x211: {  	v5 =	vmul.f32 v6, v5;
	v6 =	vmul.f32 v9, v8;
	v2 =	vadd.f32 v1, v2;
	v1 =	vld [tilespmem:s28+$0x8170]  }
0x212: {  	s0 =	simm.s32 $0x200;
	v9 =	vmul.f32 v10, v58;
	v7 =	vmul.f32 v11, v7;
	v3 =	vadd.f32 v4, v3;
	v4 =	vld [tilespmem:s28+$0xD170]  }
0x213: {  	v10 =	vmul.f32 v61, v60;
	v5 =	vadd.f32 v5, v0;
	v8 =	vadd.f32 v6, v2;
	v0 =	vld [tilespmem:s0+$0x8180]  }
0x214: {  	v2 =	vld [tilespmem:s0+$0xD180];
	v6 =	vadd.f32 v7, v3  }
0x215: {  	s29 =	simm.s32 $0x1000;
	v5 =	vadd.f32 v9, v5;
	v3 =	vld [tilespmem:s0+$0x8190];
	v7 =	vadd.f32 v10, v8;
	v8 =	vmul.f32 v63, v62  }
.LBB2_8:
0x216: {  	p0 =	sne.s32 s29, $0x9800;
	v9 =	vld [tilespmem:s0+$0xD190]  }
0x217: {  	v10 =	vld [tilespmem:s0+$0x81A0];
	[tilespmem:s28+$0x12000] =	vst v7;
	v6 =	vadd.f32 v8, v6;
	v1 =	vmul.f32 v4, v1  }
0x218: {  	v4 =	vld [tilespmem:s0+$0xD1A0]  }
0x219: {  	v7 =	vld [tilespmem:s0+$0x81B0];
	[tilespmem:s28+$0x12080] =	vst v6;
	v1 =	vadd.f32 v1, v5  }
0x21a: {  	v5 =	vld [tilespmem:s0+$0xD1B0]  }
0x21b: {  	v0 =	vmul.f32 v2, v0;
	v2 =	vmul.f32 v9, v3;
	v3 =	vld [tilespmem:s0+$0x81C0];
	[tilespmem:s28+$0x12100] =	vst v1;
	s28 =	smov.u32 s0  }
0x21c: {  	v1 =	vld [tilespmem:s28+$0xD1C0]  }
0x21d: {  	v0 =	vadd.f32 v2, v0;
	v2 =	vmul.f32 v4, v10;
	v4 =	vld [tilespmem:s28+$0x81D0]  }
0x21e: {  	v6 =	vld [tilespmem:s28+$0xD1D0]  }
0x21f: {  	v0 =	vadd.f32 v2, v0;
	v2 =	vmul.f32 v5, v7;
	v5 =	vld [tilespmem:s28+$0x81E0]  }
0x220: {  	v7 =	vld [tilespmem:s28+$0xD1E0]  }
0x221: {  	v0 =	vadd.f32 v2, v0;
	v1 =	vmul.f32 v1, v3;
	v2 =	vld [tilespmem:s28+$0x81F0]  }
0x222: {  	v3 =	vld [tilespmem:s28+$0xD1F0]  }
0x223: {  	v8 =	vld [tilespmem:s28+$0x8000];
	v0 =	vadd.f32 v1, v0;
	v1 =	vmul.f32 v6, v4  }
0x224: {  	v4 =	vld [tilespmem:s28+$0xD000]  }
0x225: {  	v6 =	vld [tilespmem:s28+$0x8010];
	v0 =	vadd.f32 v1, v0;
	v1 =	vmul.f32 v7, v5  }
0x226: {  	v5 =	vld [tilespmem:s28+$0xD010]  }
0x227: {  	v7 =	vld [tilespmem:s28+$0x8080];
	v0 =	vadd.f32 v1, v0;
	v1 =	vmul.f32 v3, v2  }
0x228: {  	v2 =	vld [tilespmem:s28+$0xD080]  }
0x229: {  	v3 =	vmul.f32 v4, v8;
	v4 =	vld [tilespmem:s28+$0x8090];
	v0 =	vadd.f32 v1, v0  }
0x22a: {  	v1 =	vld [tilespmem:s28+$0xD090]  }
0x22b: {  	v5 =	vmul.f32 v5, v6;
	v6 =	vld [tilespmem:s28+$0x8100];
	[tilespmem:s28+$0x12180] =	vst v0  }
0x22c: {  	v0 =	vld [tilespmem:s28+$0xD100]  }
0x22d: {  	v3 =	vadd.f32 v5, v3;
	v2 =	vmul.f32 v2, v7;
	v5 =	vld [tilespmem:s28+$0x8110]  }
0x22e: {  	v7 =	vld [tilespmem:s28+$0xD110]  }
0x22f: {  	v8 =	vld [tilespmem:s28+$0x8020];
	v1 =	vmul.f32 v1, v4  }
0x230: {  	v4 =	vld [tilespmem:s28+$0xD020]  }
0x231: {  	v1 =	vadd.f32 v1, v2;
	v2 =	vld [tilespmem:s28+$0x80A0];
	v0 =	vmul.f32 v0, v6  }
0x232: {  	v6 =	vld [tilespmem:s28+$0xD0A0]  }
0x233: {  	v5 =	vmul.f32 v7, v5;
	v7 =	vld [tilespmem:s28+$0x8120]  }
0x234: {  	v9 =	vld [tilespmem:s28+$0xD120]  }
0x235: {  	v4 =	vmul.f32 v4, v8;
	v8 =	vld [tilespmem:s28+$0x8030];
	v0 =	vadd.f32 v5, v0  }
0x236: {  	v5 =	vld [tilespmem:s28+$0xD030]  }
0x237: {  	v3 =	vadd.f32 v4, v3;
	v2 =	vmul.f32 v6, v2;
	v4 =	vld [tilespmem:s28+$0x80B0]  }
0x238: {  	v6 =	vld [tilespmem:s28+$0xD0B0]  }
0x239: {  	v1 =	vadd.f32 v2, v1;
	v2 =	vmul.f32 v9, v7;
	v7 =	vld [tilespmem:s28+$0x8130]  }
0x23a: {  	v9 =	vld [tilespmem:s28+$0xD130]  }
0x23b: {  	v5 =	vmul.f32 v5, v8;
	v8 =	vld [tilespmem:s28+$0x8040];
	v0 =	vadd.f32 v2, v0  }
0x23c: {  	v2 =	vld [tilespmem:s28+$0xD040]  }
0x23d: {  	v3 =	vadd.f32 v5, v3;
	v4 =	vmul.f32 v6, v4;
	v5 =	vld [tilespmem:s28+$0x80C0]  }
0x23e: {  	v6 =	vld [tilespmem:s28+$0xD0C0]  }
0x23f: {  	v1 =	vadd.f32 v4, v1;
	v4 =	vmul.f32 v9, v7;
	v7 =	vld [tilespmem:s28+$0x8140]  }
0x240: {  	v9 =	vld [tilespmem:s28+$0xD140]  }
0x241: {  	v2 =	vmul.f32 v2, v8;
	v8 =	vld [tilespmem:s28+$0x8050];
	v0 =	vadd.f32 v4, v0  }
0x242: {  	v4 =	vld [tilespmem:s28+$0xD050]  }
0x243: {  	v2 =	vadd.f32 v2, v3;
	v3 =	vmul.f32 v6, v5;
	v5 =	vld [tilespmem:s28+$0x80D0]  }
0x244: {  	v6 =	vld [tilespmem:s28+$0xD0D0]  }
0x245: {  	v1 =	vadd.f32 v3, v1;
	v3 =	vmul.f32 v9, v7;
	v7 =	vld [tilespmem:s28+$0x8150]  }
0x246: {  	v9 =	vld [tilespmem:s28+$0xD150]  }
0x247: {  	v4 =	vmul.f32 v4, v8;
	v8 =	vld [tilespmem:s28+$0x8060];
	v0 =	vadd.f32 v3, v0  }
0x248: {  	v3 =	vld [tilespmem:s28+$0xD060]  }
0x249: {  	v2 =	vadd.f32 v4, v2;
	v4 =	vmul.f32 v6, v5;
	v5 =	vld [tilespmem:s28+$0x80E0]  }
0x24a: {  	v6 =	vld [tilespmem:s28+$0xD0E0]  }
0x24b: {  	v1 =	vadd.f32 v4, v1;
	v4 =	vmul.f32 v9, v7;
	v7 =	vld [tilespmem:s28+$0x8160]  }
0x24c: {  	v9 =	vld [tilespmem:s28+$0xD160]  }
0x24d: {  	v3 =	vmul.f32 v3, v8;
	v8 =	vld [tilespmem:s28+$0x8070];
	v10 =	vadd.f32 v4, v0  }
0x24e: {  	v11 =	vld [tilespmem:s28+$0xD070]  }
0x24f: {  	v12 =	vadd.f32 v3, v2;
	v0 =	vmul.f32 v6, v5;
	v13 =	vld [tilespmem:s28+$0x80F0]  }
0x250: {  	v14 =	vld [tilespmem:s28+$0xD0F0]  }
.Ltmp3:
0x251: {  	v6 =	vadd.f32 v0, v1;
	v2 =	vmul.f32 v9, v7;
	v1 =	vld [tilespmem:s28+$0x8170];
	(pc) =	sbr.rel @p0 .LBB2_8-.Ltmp3, $4  }
0x252: {  	s0 =	sshra.s32 s29, $0x2;
	v4 =	vld [tilespmem:s28+$0xD170]  }
0x253: {  	v0 =	vld [tilespmem:s0+$0x8180];
	v7 =	vmul.f32 v11, v8;
	v5 =	vadd.f32 v2, v10  }
0x254: {  	v2 =	vld [tilespmem:s0+$0xD180]  }
0x255: {  	s29 =	sadd.s32 $0x800, s29;
	v3 =	vld [tilespmem:s0+$0x8190];
	v7 =	vadd.f32 v7, v12;
	v8 =	vmul.f32 v14, v13  }
0x256: {  	v9 =	vld [tilespmem:s0+$0xD190]  }
0x257: {  	v10 =	vld [tilespmem:s0+$0x81A0];
	[tilespmem:s28+$0x12000] =	vst v7;
	v6 =	vadd.f32 v8, v6;
	v1 =	vmul.f32 v4, v1  }
0x258: {  	v7 =	vld [tilespmem:s0+$0xD1A0]  }
0x259: {  	v34 =	vld [tilespmem:s0+$0x81B0];
	[tilespmem:s28+$0x12080] =	vst v6;
	v1 =	vadd.f32 v1, v5  }
0x25a: {  	v35 =	vld [tilespmem:s0+$0xD1B0]  }
0x25b: {  	v6 =	vld [tilespmem:s0+$0x81C0];
	[tilespmem:s28+$0x12100] =	vst v1  }
0x25c: {  	v37 =	vld [tilespmem:s0+$0xD1C0]  }
0x25d: {  	v38 =	vld [tilespmem:s0+$0x81D0]  }
0x25e: {  	v40 =	vld [tilespmem:s0+$0xD1D0]  }
0x25f: {  	v41 =	vld [tilespmem:s0+$0x81E0]  }
0x260: {  	v43 =	vld [tilespmem:s0+$0xD1E0]  }
0x261: {  	v44 =	vld [tilespmem:s0+$0x81F0]  }
0x262: {  	v46 =	vld [tilespmem:s0+$0xD1F0]  }
0x263: {  	v47 =	vld [tilespmem:s0+$0x8000]  }
0x264: {  	v49 =	vld [tilespmem:s0+$0xD000]  }
0x265: {  	v50 =	vld [tilespmem:s0+$0x8010]  }
0x266: {  	v52 =	vld [tilespmem:s0+$0xD010]  }
0x267: {  	v53 =	vld [tilespmem:s0+$0x8080]  }
0x268: {  	v55 =	vld [tilespmem:s0+$0xD080]  }
0x269: {  	v56 =	vld [tilespmem:s0+$0x8090]  }
0x26a: {  	v57 =	vld [tilespmem:s0+$0xD090]  }
0x26b: {  	v58 =	vld [tilespmem:s0+$0x8100]  }
0x26c: {  	v59 =	vld [tilespmem:s0+$0xD100]  }
0x26d: {  	v60 =	vld [tilespmem:s0+$0x8110]  }
0x26e: {  	v11 =	vld [tilespmem:s0+$0xD110]  }
0x26f: {  	v12 =	vld [tilespmem:s0+$0x8020]  }
0x270: {  	v13 =	vld [tilespmem:s0+$0xD020]  }
0x271: {  	v14 =	vld [tilespmem:s0+$0x80A0]  }
0x272: {  	v15 =	vld [tilespmem:s0+$0xD0A0]  }
0x273: {  	v16 =	vld [tilespmem:s0+$0x8120]  }
0x274: {  	v17 =	vld [tilespmem:s0+$0xD120]  }
0x275: {  	v18 =	vld [tilespmem:s0+$0x8030]  }
0x276: {  	v19 =	vld [tilespmem:s0+$0xD030]  }
0x277: {  	v20 =	vld [tilespmem:s0+$0x80B0]  }
0x278: {  	v21 =	vld [tilespmem:s0+$0xD0B0]  }
0x279: {  	v22 =	vld [tilespmem:s0+$0x8130]  }
0x27a: {  	v23 =	vld [tilespmem:s0+$0xD130]  }
0x27b: {  	v0 =	vmul.f32 v2, v0;
	v36 =	vmul.f32 v9, v3;
	v24 =	vld [tilespmem:s0+$0x8040]  }
0x27c: {  	v25 =	vld [tilespmem:s0+$0xD040]  }
0x27d: {  	v26 =	vld [tilespmem:s0+$0x80C0];
	v0 =	vadd.f32 v36, v0;
	v39 =	vmul.f32 v7, v10  }
0x27e: {  	v27 =	vld [tilespmem:s0+$0xD0C0]  }
0x27f: {  	v28 =	vld [tilespmem:s0+$0x8140];
	v0 =	vadd.f32 v39, v0;
	v42 =	vmul.f32 v35, v34  }
0x280: {  	v29 =	vld [tilespmem:s0+$0xD140]  }
0x281: {  	v30 =	vld [tilespmem:s0+$0x8050];
	v0 =	vadd.f32 v42, v0;
	v45 =	vmul.f32 v37, v6  }
0x282: {  	v31 =	vld [tilespmem:s0+$0xD050]  }
0x283: {  	v32 =	vld [tilespmem:s0+$0x80D0];
	v48 =	vmul.f32 v40, v38;
	v0 =	vadd.f32 v45, v0  }
0x284: {  	v33 =	vld [tilespmem:s0+$0xD0D0]  }
0x285: {  	v61 =	vld [tilespmem:s0+$0x8060];
	v51 =	vmul.f32 v43, v41;
	v0 =	vadd.f32 v48, v0  }
0x286: {  	v62 =	vld [tilespmem:s0+$0xD060]  }
0x287: {  	v36 =	vld [tilespmem:s0+$0x80E0];
	v54 =	vmul.f32 v46, v44;
	v0 =	vadd.f32 v51, v0  }
0x288: {  	v34 =	vld [tilespmem:s0+$0x8150];
	v3 =	vmul.f32 v49, v47  }
0x289: {  	v35 =	vld [tilespmem:s0+$0xD150];
	v4 =	vmul.f32 v52, v50;
	v2 =	vmul.f32 v55, v53;
	v0 =	vadd.f32 v54, v0  }
0x28a: {  	v1 =	vmul.f32 v57, v56;
	v63 =	vmul.f32 v11, v60;
	v38 =	vld [tilespmem:s0+$0xD0E0]  }
0x28b: {  	v37 =	vmul.f32 v13, v12;
	v40 =	vld [tilespmem:s0+$0x8160];
	v3 =	vadd.f32 v4, v3;
	[tilespmem:s0+$0x12180] =	vst v0;
	v0 =	vmul.f32 v59, v58  }
0x28c: {  	v39 =	vmul.f32 v15, v14;
	v41 =	vmul.f32 v17, v16;
	v43 =	vld [tilespmem:s0+$0xD160];
	v1 =	vadd.f32 v1, v2  }
0x28d: {  	v42 =	vmul.f32 v19, v18;
	v47 =	vld [tilespmem:s0+$0xD070];
	v3 =	vadd.f32 v37, v3;
	v0 =	vadd.f32 v63, v0  }
0x28e: {  	v44 =	vmul.f32 v21, v20;
	v46 =	vmul.f32 v23, v22;
	v50 =	vld [tilespmem:s0+$0x80F0];
	v1 =	vadd.f32 v39, v1  }
0x28f: {  	v52 =	vld [tilespmem:s0+$0xD0F0];
	v48 =	vmul.f32 v25, v24;
	v3 =	vadd.f32 v42, v3;
	v0 =	vadd.f32 v41, v0  }
0x290: {  	v49 =	vmul.f32 v27, v26;
	v53 =	vmul.f32 v31, v30;
	v45 =	vld [tilespmem:s0+$0x8070];
	v1 =	vadd.f32 v44, v1  }
0x291: {  	v57 =	vld [tilespmem:s0+$0xD170];
	v51 =	vmul.f32 v29, v28;
	v2 =	vadd.f32 v48, v3;
	v0 =	vadd.f32 v46, v0  }
0x292: {  	v55 =	vmul.f32 v33, v32;
	v56 =	vmul.f32 v35, v34;
	v1 =	vadd.f32 v49, v1;
	v54 =	vld [tilespmem:s0+$0x8170]  }
0x293: {  	v2 =	vadd.f32 v53, v2;
	v58 =	vmul.f32 v62, v61;
	v0 =	vadd.f32 v51, v0  }
0x294: {  	v60 =	vmul.f32 v43, v40;
	v1 =	vadd.f32 v55, v1;
	v59 =	vmul.f32 v38, v36  }
0x295: {  	v61 =	vmul.f32 v47, v45;
	v2 =	vadd.f32 v58, v2;
	v0 =	vadd.f32 v56, v0  }
0x296: {  	v62 =	vmul.f32 v52, v50;
	v1 =	vadd.f32 v59, v1  }
0x297: {  	v63 =	vmul.f32 v57, v54;
	v2 =	vadd.f32 v61, v2;
	v0 =	vadd.f32 v60, v0  }
0x298: {  	v1 =	vadd.f32 v62, v1  }
0x299: {  	[tilespmem:s0+$0x12000] =	vst v2;
	v0 =	vadd.f32 v63, v0  }
0x29a: {  	[tilespmem:s0+$0x12080] =	vst v1  }
0x29b: {  	s26 =	sadd.s32 $0x1, s26;
	[tilespmem:s0+$0x12100] =	vst v0  }
0x29c: {  	[hbm4b:s9+s1] =	stream.linear.scatter [tilespmem:s20], [sflag:$0x5], $0x2800, $0x38;
	[tilespmem:$0x17000] =	vst v63  }
0x29d: {  	p0 =	sne.s32 s26, s10;
	_ =	swait.ge [sflag:s24], $0x2800  }
.Ltmp4:
0x29e: {  	[sflag:s24] =	ssyncset.done $0x0;
	(pc) =	sbr.rel @p0 .LBB2_1-.Ltmp4, $4  }
0x29f: {  	[sflag:s24] =	ssyncadd.s32 $0xFFFFD800  }
0x2a0: {  	_ =	swait.ge [sflag:s25], $0x2800  }
0x2a1: {  	[sflag:s25] =	ssyncset.done $0x0  }
0x2a2: {  	[sflag:s25] =	ssyncadd.s32 $0xFFFFD800  }
0x2a3: {  	_ =	sfence.sel $0x180000  }
0x2a4: {  	[bflag:$0x0] =	sbarrier.arrive $0xFFFF  }
0x2a5: {  	_ =	strace $0x9000004D  }
0x2a6: {  	[bflag:$0x2] =	sbarrier.arrive $0xFFFF  }
0x2a7: {  	p0 =	sne.s32 s2, $0x0;
	s0 =	rddreg [dreg:$0x1]  }
0x2a8: {  	s0 =	sadd.s32 @!p0 $0x100000, s0  }
0x2a9: {  	[sflag:s0] =	ssyncadd.tile.s32 @!p0 $0x1;
	_ =	shalt  }
.Lfunc_end2:
_tile_overlayer_lowered:
.L_overlay_start_2:
0x2aa: {  	(tag) =	ssettag $0x2  }
0x2ab: {  	s0 =	rddreg [dreg:$0x0];
	s2 =	stileid.u32  }
0x2ac: {  	s1 =	rddreg [dreg:$0x1];
	p0 =	sne.s32 s2, $0x0  }
0x2ad: {  	s3 =	rddreg [dreg:$0x2];
	[bflag:$0x3] =	sbarrier.arrive $0xFFFF;
	s2 =	simm.s32 @!p0 $0x1C07  }
0x2ae: {  	[timem:s3], [sflag:s2] =	dma.local @!p0 [hbm:s0], s1  }
0x2af: {  	s0 =	simm.s32 @!p0 $0x7  }
0x2b0: {  	_ =	swait.ge @!p0 [sflag:s0], s1  }
0x2b1: {  	s1 =	ssub.s32 @!p0 $0x0, s1;
	[sflag:s0] =	ssyncset.done @!p0 $0x0  }
0x2b2: {  	[sflag:s0] =	ssyncadd.s32 @!p0 s1  }
0x2b3: {  	[bflag:$0x3] =	sbarrier.arrive $0xFFFF  }
0x2b4: {  	_ =	shalt  }

// kernel: kernel.8.cloned.1.call-start
scs
__scs_entry_jumppad:
0x0: {  	(pc) =	sbr.rel $0x88, $3  }
0x1: {  	(tag) =	ssettag $0x0;
	lr =	simm.s32 $0x1  }
0x2: {  	[smem:$0x3F94] =	sst lr;
	_ =	strace $0xD0000000  }
0x3: {  	_ = 	snop  }
0x4: {  	_ = 	snop  }
0x5: {  	_ = 	snop  }
0x6: {  	_ = 	snop  }
0x7: {  	_ = 	snop  }
__scs_overlays_trampoline_lowered:
0x8: {  	[smem:$0x3FA3] =	sst s0  }
0x9: {  	[smem:$0x3FA4] =	sst s1  }
0xa: {  	[smem:$0x3FA5] =	sst s2  }
0xb: {  	[smem:$0x3FA6] =	sst s3  }
0xc: {  	[smem:$0x3FA7] =	sst s4  }
0xd: {  	[smem:$0x3FA8] =	sst s5  }
0xe: {  	[smem:$0x3FA9] =	sst s6  }
0xf: {  	[smem:$0x3FAA] =	sst s7  }
0x10: {  	[smem:$0x3FAB] =	sst s8  }
0x11: {  	[smem:$0x3FAC] =	sst s9;
	s0 =	simm.s32 @!p0 $0x0  }
0x12: {  	s1 =	sld [smem:$0x3F92];
	s0 =	simm.s32 @p0 $0x1  }
0x13: {  	[smem:$0x3FAD] =	sst s0;
	s0 =	simm.s32 @!p1 $0x0  }
0x14: {  	s2 =	sld [smem:$0x3F91];
	s0 =	simm.s32 @p1 $0x1  }
0x15: {  	[smem:$0x3FAE] =	sst s0;
	s0 =	simm.s32 @!p2 $0x0  }
0x16: {  	s3 =	sld [smem:$0x3FDB];
	s0 =	simm.s32 @p2 $0x1  }
0x17: {  	s4 =	simm.s32 $0x1BF5;
	[smem:$0x3FB0] =	sst s0  }
0x18: {  	s0 =	sld [smem:$0x3F93];
	_ =	swait.ge [sflag:s4], $0x0  }
0x19: {  	s7 =	sld [smem:$0x3F94]  }
0x1a: {  	s8 =	sadd.s32 $0xFFFFE003, lr  }
0x1b: {  	s9 =	sadd.s32 $0xFFFFFEF7, lr;
	s5 =	simm.s32 $0xFFFFFFFF;
	p2 =	slt.u32 s8, $0xFFFFF086  }
0x1c: {  	p1 =	slt.u32 s9, $0xF7A;
	s5 =	simm.s32 @!p2 $0x0  }
0x1d: {  	s5 =	simm.s32 @p1 $0x1;
	p0 =	seq.s32 s7, s2  }
0x1e: {  	s7 =	smul.u32 @!p0 $0xF7A, s2;
	p2 =	seq.s32 @!p0 s5, $0x0  }
0x1f: {  	s9 =	smul.u32 $0xF7A, s1;
	s8 =	simm.s32 @!p0 $0x1BF5;
	p2 =	por !p2, p0  }
0x20: {  	[sflag:s8] =	ssyncset.s32 @!p0 $0xFFFFF086;
	s6 =	sadd.s32 @!p0 s3, s7;
	s7 =	simm.s32 @!p0 $0x108  }
0x21: {  	s3 =	sadd.s32 s3, s9;
	s6 =	sadd.s32 @!p0 $0x88, s6;
	s7 =	simm.s32 @p2 $0x1082  }
0x22: {  	[simem:s7], [sflag:s8] =	dma.local @!p0 [hbm:s6], $0xF7A  }
0x23: {  	s9 =	sor.u32 $0xD0000000, s2;
	s6 =	simm.s32 $0x108;
	_ =	swait.ge @!p0 [sflag:s8], $0x0  }
0x24: {  	s3 =	sadd.s32 $0x88, s3;
	s6 =	simm.s32 @!p1 $0x1082;
	[sflag:s4] =	ssyncset.s32 $0xFFFFF086  }
0x25: {  	[simem:s6], [sflag:s4] =	dma.local [hbm:s3], $0xF7A  }
0x26: {  	[smem:$0x3F94] =	sst s1;
	(tag) =	ssettag s2;
	_ =	strace s9  }
0x27: {  	s1 =	sld [smem:$0x3FA4]  }
0x28: {  	s2 =	sld [smem:$0x3FA5]  }
0x29: {  	s4 =	sld [smem:$0x3FA7]  }
0x2a: {  	p0 =	seq.s32 s5, $0x0;
	s5 =	sld [smem:$0x3FA8]  }
0x2b: {  	s6 =	sld [smem:$0x3FA9]  }
0x2c: {  	s7 =	sld [smem:$0x3FAA]  }
0x2d: {  	s3 =	simm.s32 $0x108;
	s8 =	sld [smem:$0x3FAB]  }
0x2e: {  	s3 =	simm.s32 @!p0 $0x1082;
	s9 =	sld [smem:$0x3FAC]  }
0x2f: {  	lr =	sadd.s32 s0, s3;
	s0 =	sld [smem:$0x3FA3]  }
0x30: {  	s3 =	sld [smem:$0x3FA6]  }
0x31: {  	[smem:$0x3FAF] =	sst s10  }
0x32: {  	s10 =	sld [smem:$0x3FAD];
	_ =	sdelay $0x3  }
0x33: {  	p0 =	seq.s32 s10, $0x1;
	s10 =	sld [smem:$0x3FAF];
	_ =	sdelay $0x3  }
0x34: {  	[smem:$0x3FAF] =	sst s10  }
0x35: {  	s10 =	sld [smem:$0x3FAE];
	_ =	sdelay $0x3  }
0x36: {  	p1 =	seq.s32 s10, $0x1;
	s10 =	sld [smem:$0x3FAF];
	_ =	sdelay $0x3  }
0x37: {  	[smem:$0x3FAF] =	sst s10  }
0x38: {  	s10 =	sld [smem:$0x3FB0]  }
0x39: {  	_ = 	snop;
	(pc) =	sbr.ind lr, $3  }
0x3a: {  	_ = 	snop  }
0x3b: {  	_ = 	snop  }
0x3c: {  	p2 =	seq.s32 s10, $0x1;
	s10 =	sld [smem:$0x3FAF]  }
0x3d: {  	_ =	shalt  }
0x3e: {  	_ =	shalt  }
0x3f: {  	_ =	shalt  }
0x40: {  	_ =	shalt  }
0x41: {  	_ =	shalt  }
0x42: {  	_ =	shalt  }
0x43: {  	_ =	shalt  }
0x44: {  	_ =	shalt  }
0x45: {  	_ =	shalt  }
0x46: {  	_ =	shalt  }
0x47: {  	_ =	shalt  }
0x48: {  	_ =	shalt  }
0x49: {  	_ =	shalt  }
0x4a: {  	_ =	shalt  }
0x4b: {  	_ =	shalt  }
0x4c: {  	_ =	shalt  }
0x4d: {  	_ =	shalt  }
0x4e: {  	_ =	shalt  }
0x4f: {  	_ =	shalt  }
0x50: {  	_ =	shalt  }
0x51: {  	_ =	shalt  }
0x52: {  	_ =	shalt  }
0x53: {  	_ =	shalt  }
0x54: {  	_ =	shalt  }
0x55: {  	_ =	shalt  }
0x56: {  	_ =	shalt  }
0x57: {  	_ =	shalt  }
0x58: {  	_ =	shalt  }
0x59: {  	_ =	shalt  }
0x5a: {  	_ =	shalt  }
0x5b: {  	_ =	shalt  }
0x5c: {  	_ =	shalt  }
0x5d: {  	_ =	shalt  }
0x5e: {  	_ =	shalt  }
0x5f: {  	_ =	shalt  }
0x60: {  	_ =	shalt  }
0x61: {  	_ =	shalt  }
0x62: {  	_ =	shalt  }
0x63: {  	_ =	shalt  }
0x64: {  	_ =	shalt  }
0x65: {  	_ =	shalt  }
0x66: {  	_ =	shalt  }
0x67: {  	_ =	shalt  }
0x68: {  	_ =	shalt  }
0x69: {  	_ =	shalt  }
0x6a: {  	_ =	shalt  }
0x6b: {  	_ =	shalt  }
0x6c: {  	_ =	shalt  }
0x6d: {  	_ =	shalt  }
0x6e: {  	_ =	shalt  }
0x6f: {  	_ =	shalt  }
0x70: {  	_ =	shalt  }
0x71: {  	_ =	shalt  }
0x72: {  	_ =	shalt  }
0x73: {  	_ =	shalt  }
0x74: {  	_ =	shalt  }
0x75: {  	_ =	shalt  }
0x76: {  	_ =	shalt  }
0x77: {  	_ =	shalt  }
0x78: {  	_ =	shalt  }
0x79: {  	_ =	shalt  }
0x7a: {  	_ =	shalt  }
0x7b: {  	_ =	shalt  }
0x7c: {  	_ =	shalt  }
0x7d: {  	_ =	shalt  }
0x7e: {  	_ =	shalt  }
0x7f: {  	_ =	shalt  }
0x80: {  	_ =	shalt  }
0x81: {  	_ =	shalt  }
0x82: {  	_ =	shalt  }
0x83: {  	_ =	shalt  }
0x84: {  	_ =	shalt  }
0x85: {  	_ =	shalt  }
0x86: {  	_ =	shalt  }
0x87: {  	_ =	shalt  }
.Lfunc_end0:
.L_simem_size_0:
called_computation_lowered:
.L_overlay_start_0:
0x88: {  	s2 =	sld [smem:$0x3FD9]  }
0x89: {  	s3 =	sld [smem:$0x3FFE];
	_ =	sdelay $0x1  }
0x8a: {  	s1 =	srdreg.scid  }
0x8b: {  	s0 =	sand.u32 $0x1, s1  }
0x8c: {  	s16 =	sshll.u32 s0, $0xA;
	s2 =	sadd.s32 s3, s2  }
0x8d: {  	s2 =	sadd.s32 s2, s16  }
0x8e: {  	[smem:$0x3FBB] =	sst s2  }
0x8f: {  	_ = 	snop  }
0x90: {  	(tm) =	ssettm $0x1  }
0x91: {  	s17 =	sld [smem:$0x3FFB];
	_ =	sdelay $0x3  }
0x92: {  	_ =	strace s17  }
0x93: {  	s2 =	sld [smem:$0x3FFC];
	_ =	sdelay $0x3  }
0x94: {  	_ =	strace s2  }
0x95: {  	s2 =	sld [smem:$0x3FFD];
	_ =	sdelay $0x3  }
0x96: {  	_ =	strace s2  }
0x97: {  	_ =	strace $0x8FFFFFFF  }
0x98: {  	s18 =	sld [smem:$0x3FDB];
	_ =	sdelay $0x1  }
0x99: {  	s19 =	simm.s32 $_scs_section_size  }
0x9a: {  	s4 =	simm.s32 $_size__tile_overlayer_lowered;
	s5 =	simm.s32 $_tile_overlayer_lowered  }
0x9b: {  	s22 =	simm.s32 $0x1BFF;
	s21 =	sshll.u32 s5, $0x1;
	s2 =	sadd.s32 s19, s18  }
0x9c: {  	s6 =	simm.s32 $0x0;
	s20 =	sshll.u32 s4, $0x1;
	s4 =	sadd.s32 s21, s2  }
0x9d: {  	[timem:s6], [sflag:s22] =	dma.local [hbm:s4], s20  }
0x9e: {  	_ =	swait.ge [sflag:s22], s20  }
0x9f: {  	s3 =	ssub.s32 $0x0, s20;
	[sflag:s22] =	ssyncset.done $0x0  }
0xa0: {  	[sflag:s22] =	ssyncadd.s32 s3;
	_ =	sdelay $0x1  }
0xa1: {  	s23 =	simm.s32 $0x1B8B  }
0xa2: {  	_ =	swait.ge [sflag:s23], $0x1  }
0xa3: {  	[sflag:s23] =	ssyncset.done $0x0  }
0xa4: {  	s25 =	simm.s32 $0x1B8E;
	s24 =	sld [smem:$0x3FFE];
	[sflag:s23] =	ssyncadd.s32 $0xFFFFFFFF  }
0xa5: {  	s26 =	simm.s32 $execute0_lowered;
	[smem:$0x3FD2] =	sst s25  }
0xa6: {  	s4 =	sshll.u32 s26, $0x1;
	_ =	strace $0x80000046;
	[dreg:$0x1] =	wrdreg $0xFFFFFFFF  }
0xa7: {  	s28 =	simm.s32 $_size_execute0_lowered;
	s2 =	sadd.s32 s2, s4;
	[dreg:$0x0] =	wrdreg $0x0  }
0xa8: {  	s4 =	sshll.u32 s28, $0x1;
	[dreg:$0x2] =	wrdreg s2  }
0xa9: {  	[dreg:$0x3] =	wrdreg s4  }
0xaa: {  	[dreg:$0x4] =	wrdreg $0xC0  }
0xab: {  	_ =	task [dreg:s6], $0x5FFFF  }
0xac: {  	[dreg:$0x1] =	wrdreg $0xFFFFFFFF  }
0xad: {  	[dreg:$0x0] =	wrdreg $0x60  }
0xae: {  	[dreg:$0x2] =	wrdreg s24  }
0xaf: {  	[dreg:$0x3] =	wrdreg $0x9  }
0xb0: {  	_ =	task.clear_ibuf [dreg:s6], $0x4FFFF;
	_ =	strace $0x90000046  }
0xb1: {  	s29 =	simm.s32 $0x9;
	_ =	strace $0x80000048  }
0xb2: {  	_ =	swait.ge [sflag:s29], $0x1  }
0xb3: {  	[sflag:s29] =	ssyncadd.s32 $0xFFFFFFFF  }
0xb4: {  	_ =	strace $0x90000048  }
0xb5: {  	_ =	sfence  }
0xb6: {  	s30 =	sld [smem:$0x0];
	_ =	sdelay $0x2  }
0xb7: {  	s31 =	sshll.u32 s1, $0xD;
	s1 =	sshrl.u32 s1, $0x2  }
0xb8: {  	s3 =	sand.u32 $0x4000, s31;
	s1 =	sadd.s32 s1, s30  }
0xb9: {  	s0 =	sor.u32 s3, s0;
	s1 =	sshll.u32 s1, $0x11  }
0xba: {  	s0 =	sor.u32 s1, s0  }
0xbb: {  	s0 =	sadd.s32 $0x8F2B, s0  }
0xbc: {  	[sflag:s0] =	ssyncadd.remote.s32 $0x1  }
0xbd: {  	_ =	sfence.sel $0xFFFF  }
0xbe: {  	[dreg:$0x0] =	wrdreg $0xFFFFFFFF;
	(pc) =	sbr.abs _section_cstart, $3  }
0xbf: {  	[dreg:$0x1] =	wrdreg $0xFFFFFFFF  }
0xc0: {  	_ =	task.clear_ibuf [dreg:s6], $0x2FFFF;
	_ =	strace $0x9FFFFFFF  }
0xc1: {  	(tm) =	ssettm $0x7FFFFFFF  }
tec
execute0_lowered:
.L_overlay_start_1:
0x0: {  	(tag) =	ssettag $0x1  }
0x1: {  	s0 =	srdreg.scid  }
0x2: {  	s3 =	sand.u32 $0x1, s0  }
0x3: {  	s0 =	stileid.u32;
	s1 =	sshll.u32 s3, $0x4  }
0x4: {  	s5 =	rddreg [dreg:$0x0];
	s2 =	simm.s32 $0x0;
	s1 =	sor.u32 s0, s1  }
0x5: {  	s7 =	simm.s32 $0x400;
	s8 =	simm.s32 $0x1;
	s1 =	sshrl.u32 s1, $0x3  }
0x6: {  	s9 =	simm.s32 $0x2780;
	s30 =	sshll.u32 s0, $0x7;
	s4 =	smul.u32 $0x13C00, s1  }
0x7: {  	s10 =	simm.s32 $0x0;
	s3 =	ssub.s32 $0x2, s3;
	s6 =	sand.u32 $0x380, s30  }
0x8: {  	[smem:$0x7FF] =	sst s2;
	s31 =	sshrl.u32 s3, $0x1;
	s4 =	sor.u32 s6, s4  }
0x9: {  	s1 =	rddreg [dreg:$0x1];
	_ =	strace $0x80000047;
	s4 =	sshrl.u32 s4, $0x3  }
0xa: {  	s6 =	simm.s32 $0x80;
	s4 =	sadd.s32 s4, s5;
	s5 =	ssub.s32 s3, s31  }
0xb: {  	v0 =	vimm.f32 $0.0e+00;
	v1 =	vimm.f32 $1.000000000e+00;
	s3 =	sadd.s32 $0x1A00, s4;
	s4 =	sadd.s32 $0xB800, s4;
	s5 =	smax.u32 s5, $0x1  }
.LBB2_1:
0xc: {  	[tilespmem:s2], [sflag:$0x1] =	stream.strided.gather [hbm4b:s3+s6], $0x2780, s7, s6, $0x38;
	[tilespmem:$0x4F00] =	vst v63  }
0xd: {  	_ =	swait.ge [sflag:s8], $0x2780  }
0xe: {  	[sflag:s8] =	ssyncset.done $0x0  }
0xf: {  	s11 =	simm.s32 $0x0;
	[sflag:s8] =	ssyncadd.s32 $0xFFFFD880  }
.LBB2_2:
0x10: {  	p0 =	sne.s32 s11, $0x9C00  }
.Ltmp0:
0x11: {  	_ = 	snop;
	(pc) =	sbr.rel @p0 .LBB2_2-.Ltmp0, $3  }
0x12: {  	_ =	sdelay $0x1  }
0x13: {  	s12 =	sshra.s32 s11, $0x2  }
0x14: {  	s11 =	sadd.s32 $0x40, s11;
	[tilespmem:s12+$0x2780] =	vst v0  }
0x15: {  	s12 =	simm.s32 $0x0;
	s11 =	simm.s32 $0x40  }
.LBB2_4:
0x16: {  	p0 =	sne.s32 s11, $0x9C00;
	v2 =	vld [tilespmem:s12+$0x0];
	_ =	sdelay $0x3  }
.Ltmp1:
0x17: {  	(pc) =	sbr.rel @p0 .LBB2_4-.Ltmp1, $2  }
0x18: {  	_ =	sdelay $0x2  }
0x19: {  	s12 =	sshra.s32 s11, $0x2;
	s11 =	sadd.s32 $0x40, s11;
	[tilespmem:v2+s9+$0x0] =	vst.idx.add.f32.msk $0xffff, v1  }
0x1a: {  	v2 =	vld [tilespmem:s12+$0x0];
	_ =	sdelay $0x5  }
0x1b: {  	s10 =	sadd.s32 $0x1, s10  }
0x1c: {  	p0 =	sne.s32 s10, s5  }
.Ltmp2:
0x1d: {  	[tilespmem:v2+s9+$0x0] =	vst.idx.add.f32.msk $0xffff, v1;
	(pc) =	sbr.rel @p0 .LBB2_1-.Ltmp2, $4  }
0x1e: {  	[hbm4b:s4+s6] =	stream.strided.scatter [tilespmem:s9], [sflag:$0x1], $0x2780, s7, s6, $0x38;
	[tilespmem:$0x4F00] =	vst v63  }
0x1f: {  	_ =	swait.ge [sflag:s8], $0x2780  }
0x20: {  	[sflag:s8] =	ssyncset.done $0x0  }
0x21: {  	[sflag:s8] =	ssyncadd.s32 $0xFFFFD880  }
0x22: {  	_ =	sfence.sel $0x180000  }
0x23: {  	[bflag:$0x0] =	sbarrier.arrive $0xFFFF  }
0x24: {  	p0 =	sne.s32 s0, $0x0;
	_ =	strace $0x90000047  }
0x25: {  	s0 =	sadd.s32 @!p0 $0x100000, s1;
	[bflag:$0x2] =	sbarrier.arrive $0xFFFF  }
0x26: {  	[sflag:s0] =	ssyncadd.tile.s32 @!p0 $0x1;
	_ =	shalt  }
.Lfunc_end2:
_tile_overlayer_lowered:
.L_overlay_start_2:
0x27: {  	(tag) =	ssettag $0x2  }
0x28: {  	s0 =	rddreg [dreg:$0x0];
	s2 =	stileid.u32  }
0x29: {  	s1 =	rddreg [dreg:$0x1];
	p0 =	sne.s32 s2, $0x0  }
0x2a: {  	s3 =	rddreg [dreg:$0x2];
	[bflag:$0x3] =	sbarrier.arrive $0xFFFF;
	s2 =	simm.s32 @!p0 $0x1C01  }
0x2b: {  	[timem:s3], [sflag:s2] =	dma.local @!p0 [hbm:s0], s1  }
0x2c: {  	s0 =	simm.s32 @!p0 $0x1  }
0x2d: {  	_ =	swait.ge @!p0 [sflag:s0], s1  }
0x2e: {  	s1 =	ssub.s32 @!p0 $0x0, s1;
	[sflag:s0] =	ssyncset.done @!p0 $0x0  }
0x2f: {  	[sflag:s0] =	ssyncadd.s32 @!p0 s1  }
0x30: {  	[bflag:$0x3] =	sbarrier.arrive $0xFFFF  }
0x31: {  	_ =	shalt  }

</sc_bundles>
